<compile_context>
chip_gen: v7x
topology: tpu7x:2x2x1
jax: 0.10.2.dev20260603
libtpu: 0.0.44.dev20260713+nightly
codegen_flags: <defaults>
</compile_context>

<pallas_src>
import functools

import jax
import jax.numpy as jnp
from jax import lax
from jax.experimental import pallas as pl
from jax.experimental.pallas import tpu as pltpu
from jax.experimental.pallas import tpu_sc as plsc

N = 10000
E = 640000
D = 32
D4 = 4 * D

NC = 2
NS = 16
NPAD = 10240
ROWS_PER_TILE = NPAD // NS

_MESH = plsc.VectorSubcoreMesh(core_axis_name="c", subcore_axis_name="s")

CH = 40
NB = 5
NI = 10
LA = 4


def _sc_seg_sum(data_hbm_args, dst, zeros, gather, n_edges=E):
    edges_per_core = n_edges // NC
    edges_per_tile = edges_per_core // NS
    nch = edges_per_tile // CH
    assert nch % NI == 0 and nch >= NI
    scratch = [pltpu.VMEM_SHARED((NPAD, D4), jnp.float32)]
    scratch += [pltpu.VMEM((CH, D4), jnp.float32)] * NB
    scratch += [pltpu.VMEM((CH,), jnp.int32)] * NI
    if gather:
        scratch += [pltpu.VMEM((CH,), jnp.int32)] * NI
    scratch += [pltpu.SemaphoreType.DMA] * (2 * NB + (2 if gather else 1) * NI)

    @functools.partial(
        pl.kernel,
        out_type=jax.ShapeDtypeStruct((NC, NPAD, D4), jnp.float32),
        mesh=_MESH,
        scratch_types=scratch,
    )
    def k(*args):
        if gather:
            q_hbm, src_hbm, dst_hbm, z_hbm, out_hbm, accum = args[:6]
            bs = args[6:]
            d_v = bs[:NB]; bs = bs[NB:]
            dst_v = bs[:NI]; bs = bs[NI:]
            src_v = bs[:NI]; bs = bs[NI:]
            sem_d = bs[:NB]; sem_s = bs[NB:2 * NB]
            sem_id = bs[2 * NB:2 * NB + NI]
            sem_is = bs[2 * NB + NI:]
        else:
            ea_hbm, dst_hbm, z_hbm, out_hbm, accum = args[:5]
            bs = args[5:]
            d_v = bs[:NB]; bs = bs[NB:]
            dst_v = bs[:NI]; bs = bs[NI:]
            sem_d = bs[:NB]; sem_s = bs[NB:2 * NB]
            sem_id = bs[2 * NB:2 * NB + NI]

        c = lax.axis_index("c")
        s = lax.axis_index("s")
        pltpu.sync_copy(z_hbm, accum.at[pl.ds(s * ROWS_PER_TILE, ROWS_PER_TILE)])
        plsc.subcore_barrier()

        base0 = c * edges_per_core + s * edges_per_tile

        def start_idx(g, par):
            pltpu.async_copy(dst_hbm.at[pl.ds(base0 + g * CH, CH)],
                             dst_v[par], sem_id[par])
            if gather:
                pltpu.async_copy(src_hbm.at[pl.ds(base0 + g * CH, CH)],
                                 src_v[par], sem_is[par])

        def wait_idx(par):
            pltpu.make_async_copy(dst_hbm.at[pl.ds(0, CH)], dst_v[par],
                                  sem_id[par]).wait()
            if gather:
                pltpu.make_async_copy(dst_hbm.at[pl.ds(0, CH)], src_v[par],
                                      sem_is[par]).wait()

        def start_data(g, dpar, ipar):
            if gather:
                pltpu.async_copy(q_hbm.at[src_v[ipar]], d_v[dpar], sem_d[dpar])
            else:
                pltpu.async_copy(ea_hbm.at[pl.ds(base0 + g * CH, CH)],
                                 d_v[dpar], sem_d[dpar])

        def wait_data(dpar):
            ref = q_hbm if gather else ea_hbm
            pltpu.make_async_copy(ref.at[pl.ds(0, CH)], d_v[dpar],
                                  sem_d[dpar]).wait()

        def wait_scatter(dpar):
            ref = q_hbm if gather else ea_hbm
            pltpu.make_async_copy(ref.at[pl.ds(0, CH)], d_v[dpar],
                                  sem_s[dpar]).wait()

        for h in range(NI - 1):
            start_idx(h, h)
        for h in range(LA):
            wait_idx(h)
            start_data(h, h, h)

        def body(pp, carry):
            for j in range(NI):
                g = pp * NI + j
                ga = g + LA

                @pl.when(ga < nch)
                def _():
                    wait_idx((j + LA) % NI)

                @pl.when(g >= 1)
                def _():
                    wait_scatter((j - 1) % NB)

                @pl.when(ga < nch)
                def _():
                    start_data(ga, (j + LA) % NB, (j + LA) % NI)

                wait_data(j % NB)
                pltpu.async_copy(d_v[j % NB], accum.at[dst_v[j % NI]],
                                 sem_s[j % NB], add=True)

                @pl.when(g + NI - 1 < nch)
                def _():
                    start_idx(g + NI - 1, (j - 1) % NI)
            return carry

        lax.fori_loop(0, nch // NI, body, 0)
        wait_scatter((nch - 1) % NB)

        plsc.subcore_barrier()
        pltpu.sync_copy(accum.at[pl.ds(s * ROWS_PER_TILE, ROWS_PER_TILE)],
                        out_hbm.at[c, pl.ds(s * ROWS_PER_TILE, ROWS_PER_TILE)])

    return k(*data_hbm_args, dst, zeros)


def _tc_transform(parts, q_flat, h, b_flat):
    blk = 2000
    np_ = len(parts)

    def body(*refs):
        p_refs = refs[:np_]
        q_ref, h_ref, b_ref, o_ref = refs[np_:]
        acc = p_refs[0][0] + p_refs[0][1]
        for pr in p_refs[1:]:
            acc = acc + pr[0] + pr[1]
        o_ref[...] = (jnp.dot(acc, h_ref[...], preferred_element_type=jnp.float32)
                      + b_ref[...] + q_ref[...])

    return pl.pallas_call(
        body,
        grid=(N // blk,),
        in_specs=[pl.BlockSpec((NC, blk, D4), lambda i: (0, i, 0))] * np_ + [
            pl.BlockSpec((blk, D4), lambda i: (i, 0)),
            pl.BlockSpec((D4, D4), lambda i: (0, 0)),
            pl.BlockSpec((1, D4), lambda i: (0, 0)),
        ],
        out_specs=pl.BlockSpec((blk, D4), lambda i: (i, 0)),
        out_shape=jax.ShapeDtypeStruct((N, D4), jnp.float32),
    )(*parts, q_flat, h, b_flat)


def kernel(q, edge_index, edge_attr, W_r, W_i, W_j, W_k, b):
    q_flat = q.reshape(N, D4)
    src = edge_index[0].astype(jnp.int32)
    dst = edge_index[1].astype(jnp.int32)
    zeros = jnp.zeros((ROWS_PER_TILE, D4), jnp.float32)

    pa = _sc_seg_sum((q_flat, src), dst, zeros, gather=True)
    ea_flat = edge_attr.reshape(E, D4)
    pb = _sc_seg_sum((ea_flat,), dst, zeros, gather=False)
    parts = [pa, pb]

    h = jnp.concatenate([
        jnp.concatenate([W_r, W_i, W_j, W_k], axis=1),
        jnp.concatenate([-W_i, W_r, -W_k, W_j], axis=1),
        jnp.concatenate([-W_j, W_k, W_r, -W_i], axis=1),
        jnp.concatenate([-W_k, -W_j, W_i, W_r], axis=1),
    ], axis=0)
    b_flat = b.reshape(1, D4)

    out = _tc_transform(parts, q_flat, h, b_flat)
    return out.reshape(N, 4, D)

# --- scband reference (transcript-rebuilt; emitter-appended) ---
"""Pipeline reference for scband-qmessage-passing-38663295598907 (READ-ONLY COPY).

The authoritative reference and input builder live on the scoring server;
editing this copy changes nothing except your own understanding.
"""

import jax, jax.numpy as jnp
import numpy as np

N_NODES = 10000
N_EDGES = 640000
D = 32  # per quaternion component


def setup_inputs(seed: int = 0) -> dict:
    key = jax.random.key(seed)
    k1, k2, k3, k4, k5, k6, k7, k8 = jax.random.split(key, 8)
    q = jax.random.normal(k1, (N_NODES, 4, D), dtype=jnp.float32)
    edge_index = jax.random.randint(k2, (2, N_EDGES), 0, N_NODES, dtype=jnp.int64)
    edge_attr = jax.random.normal(k3, (N_EDGES, 4, D), dtype=jnp.float32)
    # QLinear parameters: one weight per quaternion basis component + bias
    scale = 1.0 / np.sqrt(D)
    W_r = jax.random.normal(k4, (D, D), dtype=jnp.float32) * scale
    W_i = jax.random.normal(k5, (D, D), dtype=jnp.float32) * scale
    W_j = jax.random.normal(k6, (D, D), dtype=jnp.float32) * scale
    W_k = jax.random.normal(k7, (D, D), dtype=jnp.float32) * scale
    b = jax.random.normal(k8, (4, D), dtype=jnp.float32) * 0.01
    return {"q": q, "edge_index": edge_index, "edge_attr": edge_attr,
            "W_r": W_r, "W_i": W_i, "W_j": W_j, "W_k": W_k, "b": b}


def reference(q, edge_index, edge_attr, W_r, W_i, W_j, W_k, b):
    # QGNNConv forward (aggr='add', same_dim=True, add_self_loops=True,
    # msg_encoder='identity'):
    #   message  : x_j + edge_attr  (per quaternion component)
    #   aggregate: scatter-add over destination nodes
    #   transform: quaternion (Hamilton) linear layer
    #   then add self-loop residual (q += x)
    src = edge_index[0]
    dst = edge_index[1]
    x = q  # saved clone
    # gather source node features per edge; identity msg encoder
    msgs = jnp.take(q, src, axis=0) + edge_attr  # [E, 4, D]
    agg = jax.ops.segment_sum(msgs, dst, num_segments=q.shape[0])  # [N, 4, D]
    r, i, j, k = agg[:, 0], agg[:, 1], agg[:, 2], agg[:, 3]
    # Hamilton product quaternion linear transform
    out_r = r @ W_r - i @ W_i - j @ W_j - k @ W_k + b[0]
    out_i = r @ W_i + i @ W_r + j @ W_k - k @ W_j + b[1]
    out_j = r @ W_j - i @ W_k + j @ W_r + k @ W_i + b[2]
    out_k = r @ W_k + i @ W_j - j @ W_i + k @ W_r + b[3]
    out = jnp.stack([out_r, out_i, out_j, out_k], axis=1)  # [N, 4, D]
    # same_dim=True: transform first, then add self loops
    out = out + x
    return out

if __name__ == "__main__":
    import jax
    _d = setup_inputs()
    print(jax.jit(kernel)(*tuple(_d.values())))

</pallas_src>

<mosaic_0001>
#map = affine_map<(d0, d1) -> (0, 0)>
#map1 = affine_map<(d0, d1) -> (0)>
#map2 = affine_map<(d0, d1) -> (0, 0, 0)>
module attributes {stable_mosaic.version = 14 : i64} {
  func.func @k(%arg0: i32, %arg1: i32, %arg2: memref<10000x128xf32, #tpu.memory_space<hbm>>, %arg3: memref<640000xi32, #tpu.memory_space<hbm>>, %arg4: memref<640000xi32, #tpu.memory_space<hbm>>, %arg5: memref<640x128xf32, #tpu.memory_space<hbm>>, %arg6: memref<2x10240x128xf32, #tpu.memory_space<hbm>>, %arg7: memref<10240x128xf32, #tpu.memory_space<vmem_shared>>, %arg8: memref<40x128xf32, #tpu.memory_space<vmem>>, %arg9: memref<40x128xf32, #tpu.memory_space<vmem>>, %arg10: memref<40x128xf32, #tpu.memory_space<vmem>>, %arg11: memref<40x128xf32, #tpu.memory_space<vmem>>, %arg12: memref<40x128xf32, #tpu.memory_space<vmem>>, %arg13: memref<40xi32, #tpu.memory_space<vmem>>, %arg14: memref<40xi32, #tpu.memory_space<vmem>>, %arg15: memref<40xi32, #tpu.memory_space<vmem>>, %arg16: memref<40xi32, #tpu.memory_space<vmem>>, %arg17: memref<40xi32, #tpu.memory_space<vmem>>, %arg18: memref<40xi32, #tpu.memory_space<vmem>>, %arg19: memref<40xi32, #tpu.memory_space<vmem>>, %arg20: memref<40xi32, #tpu.memory_space<vmem>>, %arg21: memref<40xi32, #tpu.memory_space<vmem>>, %arg22: memref<40xi32, #tpu.memory_space<vmem>>, %arg23: memref<40xi32, #tpu.memory_space<vmem>>, %arg24: memref<40xi32, #tpu.memory_space<vmem>>, %arg25: memref<40xi32, #tpu.memory_space<vmem>>, %arg26: memref<40xi32, #tpu.memory_space<vmem>>, %arg27: memref<40xi32, #tpu.memory_space<vmem>>, %arg28: memref<40xi32, #tpu.memory_space<vmem>>, %arg29: memref<40xi32, #tpu.memory_space<vmem>>, %arg30: memref<40xi32, #tpu.memory_space<vmem>>, %arg31: memref<40xi32, #tpu.memory_space<vmem>>, %arg32: memref<40xi32, #tpu.memory_space<vmem>>, %arg33: memref<!tpu.dma_semaphore, #tpu.memory_space<semaphore_mem>>, %arg34: memref<!tpu.dma_semaphore, #tpu.memory_space<semaphore_mem>>, %arg35: memref<!tpu.dma_semaphore, #tpu.memory_space<semaphore_mem>>, %arg36: memref<!tpu.dma_semaphore, #tpu.memory_space<semaphore_mem>>, %arg37: memref<!tpu.dma_semaphore, #tpu.memory_space<semaphore_mem>>, %arg38: memref<!tpu.dma_semaphore, #tpu.memory_space<semaphore_mem>>, %arg39: memref<!tpu.dma_semaphore, #tpu.memory_space<semaphore_mem>>, %arg40: memref<!tpu.dma_semaphore, #tpu.memory_space<semaphore_mem>>, %arg41: memref<!tpu.dma_semaphore, #tpu.memory_space<semaphore_mem>>, %arg42: memref<!tpu.dma_semaphore, #tpu.memory_space<semaphore_mem>>, %arg43: memref<!tpu.dma_semaphore, #tpu.memory_space<semaphore_mem>>, %arg44: memref<!tpu.dma_semaphore, #tpu.memory_space<semaphore_mem>>, %arg45: memref<!tpu.dma_semaphore, #tpu.memory_space<semaphore_mem>>, %arg46: memref<!tpu.dma_semaphore, #tpu.memory_space<semaphore_mem>>, %arg47: memref<!tpu.dma_semaphore, #tpu.memory_space<semaphore_mem>>, %arg48: memref<!tpu.dma_semaphore, #tpu.memory_space<semaphore_mem>>, %arg49: memref<!tpu.dma_semaphore, #tpu.memory_space<semaphore_mem>>, %arg50: memref<!tpu.dma_semaphore, #tpu.memory_space<semaphore_mem>>, %arg51: memref<!tpu.dma_semaphore, #tpu.memory_space<semaphore_mem>>, %arg52: memref<!tpu.dma_semaphore, #tpu.memory_space<semaphore_mem>>, %arg53: memref<!tpu.dma_semaphore, #tpu.memory_space<semaphore_mem>>, %arg54: memref<!tpu.dma_semaphore, #tpu.memory_space<semaphore_mem>>, %arg55: memref<!tpu.dma_semaphore, #tpu.memory_space<semaphore_mem>>, %arg56: memref<!tpu.dma_semaphore, #tpu.memory_space<semaphore_mem>>, %arg57: memref<!tpu.dma_semaphore, #tpu.memory_space<semaphore_mem>>, %arg58: memref<!tpu.dma_semaphore, #tpu.memory_space<semaphore_mem>>, %arg59: memref<!tpu.dma_semaphore, #tpu.memory_space<semaphore_mem>>, %arg60: memref<!tpu.dma_semaphore, #tpu.memory_space<semaphore_mem>>, %arg61: memref<!tpu.dma_semaphore, #tpu.memory_space<semaphore_mem>>, %arg62: memref<!tpu.dma_semaphore, #tpu.memory_space<semaphore_mem>>) attributes {dimension_semantics = [#tpu.dimension_semantics<core_parallel>, #tpu.dimension_semantics<subcore_parallel>], iteration_bounds = array<i64: 2, 16>, scalar_prefetch = 0 : i64, scratch_operands = 56 : i64, tpu.core_type = #tpu.core_type<sc_vector_subcore>, window_params = [{transform_indices = #map}, {transform_indices = #map1}, {transform_indices = #map1}, {transform_indices = #map}, {transform_indices = #map2}]} {
    %mul3A = arith.constant 640 : i32
    %mul3A_0 = arith.muli %arg1, %mul3A : i32
    "tpu.region"() ({
      %run_scoped3A = tpu.sem_alloc : memref<!tpu.dma_semaphore, #tpu.memory_space<semaphore_mem>>
      %dma_start3A_135 = arith.constant 0 : i32
      %dma_start3A_136 = tpu.memref_slice %arg7[%mul3A_0, %dma_start3A_135] : memref<10240x128xf32, #tpu.memory_space<vmem_shared>> -> memref<640x128xf32, #tpu.memory_space<vmem_shared>>
      tpu.enqueue_dma source(%arg5 : memref<640x128xf32, #tpu.memory_space<hbm>>) target(%dma_start3A_136 : memref<640x128xf32, #tpu.memory_space<vmem_shared>>) target_semaphore(%run_scoped3A : memref<!tpu.dma_semaphore, #tpu.memory_space<semaphore_mem>>)
      %dma_wait3A_137 = arith.constant 0 : i32
      %dma_wait3A_138 = tpu.memref_slice %arg7[%mul3A_0, %dma_wait3A_137] : memref<10240x128xf32, #tpu.memory_space<vmem_shared>> -> memref<640x128xf32, #tpu.memory_space<vmem_shared>>
      tpu.wait_dma2 semaphore(%run_scoped3A : memref<!tpu.dma_semaphore, #tpu.memory_space<semaphore_mem>>) src(%arg5 : memref<640x128xf32, #tpu.memory_space<hbm>>) dst(%dma_wait3A_138 : memref<640x128xf32, #tpu.memory_space<vmem_shared>>)
      tpu.yield
    }) : () -> ()
    %barrier3A = arith.constant 0 : index
    tpu.barrier barrier_id(%barrier3A)
    %mul3A_1 = arith.constant 320000 : i32
    %mul3A_2 = arith.muli %arg0, %mul3A_1 : i32
    %mul3A_3 = arith.constant 20000 : i32
    %mul3A_4 = arith.muli %arg1, %mul3A_3 : i32
    %add3A = arith.addi %mul3A_2, %mul3A_4 : i32
    %add3A_5 = arith.constant 0 : i32
    %add3A_6 = arith.addi %add3A, %add3A_5 : i32
    %dma_start3A = tpu.memref_slice %arg4[%add3A_6] : memref<640000xi32, #tpu.memory_space<hbm>> -> memref<40xi32, #tpu.memory_space<hbm>>
    %dma_start3A_7 = tpu.memref_slice %arg4[%add3A_6] : memref<640000xi32, #tpu.memory_space<hbm>> -> memref<40xi32, #tpu.memory_space<hbm>>
    tpu.enqueue_dma source(%dma_start3A_7 : memref<40xi32, #tpu.memory_space<hbm>>) target(%arg13 : memref<40xi32, #tpu.memory_space<vmem>>) target_semaphore(%arg43 : memref<!tpu.dma_semaphore, #tpu.memory_space<semaphore_mem>>)
    %add3A_8 = arith.constant 0 : i32
    %add3A_9 = arith.addi %add3A, %add3A_8 : i32
    %dma_start3A_10 = tpu.memref_slice %arg3[%add3A_9] : memref<640000xi32, #tpu.memory_space<hbm>> -> memref<40xi32, #tpu.memory_space<hbm>>
    %dma_start3A_11 = tpu.memref_slice %arg3[%add3A_9] : memref<640000xi32, #tpu.memory_space<hbm>> -> memref<40xi32, #tpu.memory_space<hbm>>
    tpu.enqueue_dma source(%dma_start3A_11 : memref<40xi32, #tpu.memory_space<hbm>>) target(%arg23 : memref<40xi32, #tpu.memory_space<vmem>>) target_semaphore(%arg53 : memref<!tpu.dma_semaphore, #tpu.memory_space<semaphore_mem>>)
    %add3A_12 = arith.constant 40 : i32
    %add3A_13 = arith.addi %add3A, %add3A_12 : i32
    %dma_start3A_14 = tpu.memref_slice %arg4[%add3A_13] : memref<640000xi32, #tpu.memory_space<hbm>> -> memref<40xi32, #tpu.memory_space<hbm>>
    %dma_start3A_15 = tpu.memref_slice %arg4[%add3A_13] : memref<640000xi32, #tpu.memory_space<hbm>> -> memref<40xi32, #tpu.memory_space<hbm>>
    tpu.enqueue_dma source(%dma_start3A_15 : memref<40xi32, #tpu.memory_space<hbm>>) target(%arg14 : memref<40xi32, #tpu.memory_space<vmem>>) target_semaphore(%arg44 : memref<!tpu.dma_semaphore, #tpu.memory_space<semaphore_mem>>)
    %add3A_16 = arith.constant 40 : i32
    %add3A_17 = arith.addi %add3A, %add3A_16 : i32
    %dma_start3A_18 = tpu.memref_slice %arg3[%add3A_17] : memref<640000xi32, #tpu.memory_space<hbm>> -> memref<40xi32, #tpu.memory_space<hbm>>
    %dma_start3A_19 = tpu.memref_slice %arg3[%add3A_17] : memref<640000xi32, #tpu.memory_space<hbm>> -> memref<40xi32, #tpu.memory_space<hbm>>
    tpu.enqueue_dma source(%dma_start3A_19 : memref<40xi32, #tpu.memory_space<hbm>>) target(%arg24 : memref<40xi32, #tpu.memory_space<vmem>>) target_semaphore(%arg54 : memref<!tpu.dma_semaphore, #tpu.memory_space<semaphore_mem>>)
    %add3A_20 = arith.constant 80 : i32
    %add3A_21 = arith.addi %add3A, %add3A_20 : i32
    %dma_start3A_22 = tpu.memref_slice %arg4[%add3A_21] : memref<640000xi32, #tpu.memory_space<hbm>> -> memref<40xi32, #tpu.memory_space<hbm>>
    %dma_start3A_23 = tpu.memref_slice %arg4[%add3A_21] : memref<640000xi32, #tpu.memory_space<hbm>> -> memref<40xi32, #tpu.memory_space<hbm>>
    tpu.enqueue_dma source(%dma_start3A_23 : memref<40xi32, #tpu.memory_space<hbm>>) target(%arg15 : memref<40xi32, #tpu.memory_space<vmem>>) target_semaphore(%arg45 : memref<!tpu.dma_semaphore, #tpu.memory_space<semaphore_mem>>)
    %add3A_24 = arith.constant 80 : i32
    %add3A_25 = arith.addi %add3A, %add3A_24 : i32
    %dma_start3A_26 = tpu.memref_slice %arg3[%add3A_25] : memref<640000xi32, #tpu.memory_space<hbm>> -> memref<40xi32, #tpu.memory_space<hbm>>
    %dma_start3A_27 = tpu.memref_slice %arg3[%add3A_25] : memref<640000xi32, #tpu.memory_space<hbm>> -> memref<40xi32, #tpu.memory_space<hbm>>
    tpu.enqueue_dma source(%dma_start3A_27 : memref<40xi32, #tpu.memory_space<hbm>>) target(%arg25 : memref<40xi32, #tpu.memory_space<vmem>>) target_semaphore(%arg55 : memref<!tpu.dma_semaphore, #tpu.memory_space<semaphore_mem>>)
    %add3A_28 = arith.constant 120 : i32
    %add3A_29 = arith.addi %add3A, %add3A_28 : i32
    %dma_start3A_30 = tpu.memref_slice %arg4[%add3A_29] : memref<640000xi32, #tpu.memory_space<hbm>> -> memref<40xi32, #tpu.memory_space<hbm>>
    %dma_start3A_31 = tpu.memref_slice %arg4[%add3A_29] : memref<640000xi32, #tpu.memory_space<hbm>> -> memref<40xi32, #tpu.memory_space<hbm>>
    tpu.enqueue_dma source(%dma_start3A_31 : memref<40xi32, #tpu.memory_space<hbm>>) target(%arg16 : memref<40xi32, #tpu.memory_space<vmem>>) target_semaphore(%arg46 : memref<!tpu.dma_semaphore, #tpu.memory_space<semaphore_mem>>)
    %add3A_32 = arith.constant 120 : i32
    %add3A_33 = arith.addi %add3A, %add3A_32 : i32
    %dma_start3A_34 = tpu.memref_slice %arg3[%add3A_33] : memref<640000xi32, #tpu.memory_space<hbm>> -> memref<40xi32, #tpu.memory_space<hbm>>
    %dma_start3A_35 = tpu.memref_slice %arg3[%add3A_33] : memref<640000xi32, #tpu.memory_space<hbm>> -> memref<40xi32, #tpu.memory_space<hbm>>
    tpu.enqueue_dma source(%dma_start3A_35 : memref<40xi32, #tpu.memory_space<hbm>>) target(%arg26 : memref<40xi32, #tpu.memory_space<vmem>>) target_semaphore(%arg56 : memref<!tpu.dma_semaphore, #tpu.memory_space<semaphore_mem>>)
    %add3A_36 = arith.constant 160 : i32
    %add3A_37 = arith.addi %add3A, %add3A_36 : i32
    %dma_start3A_38 = tpu.memref_slice %arg4[%add3A_37] : memref<640000xi32, #tpu.memory_space<hbm>> -> memref<40xi32, #tpu.memory_space<hbm>>
    %dma_start3A_39 = tpu.memref_slice %arg4[%add3A_37] : memref<640000xi32, #tpu.memory_space<hbm>> -> memref<40xi32, #tpu.memory_space<hbm>>
    tpu.enqueue_dma source(%dma_start3A_39 : memref<40xi32, #tpu.memory_space<hbm>>) target(%arg17 : memref<40xi32, #tpu.memory_space<vmem>>) target_semaphore(%arg47 : memref<!tpu.dma_semaphore, #tpu.memory_space<semaphore_mem>>)
    %add3A_40 = arith.constant 160 : i32
    %add3A_41 = arith.addi %add3A, %add3A_40 : i32
    %dma_start3A_42 = tpu.memref_slice %arg3[%add3A_41] : memref<640000xi32, #tpu.memory_space<hbm>> -> memref<40xi32, #tpu.memory_space<hbm>>
    %dma_start3A_43 = tpu.memref_slice %arg3[%add3A_41] : memref<640000xi32, #tpu.memory_space<hbm>> -> memref<40xi32, #tpu.memory_space<hbm>>
    tpu.enqueue_dma source(%dma_start3A_43 : memref<40xi32, #tpu.memory_space<hbm>>) target(%arg27 : memref<40xi32, #tpu.memory_space<vmem>>) target_semaphore(%arg57 : memref<!tpu.dma_semaphore, #tpu.memory_space<semaphore_mem>>)
    %add3A_44 = arith.constant 200 : i32
    %add3A_45 = arith.addi %add3A, %add3A_44 : i32
    %dma_start3A_46 = tpu.memref_slice %arg4[%add3A_45] : memref<640000xi32, #tpu.memory_space<hbm>> -> memref<40xi32, #tpu.memory_space<hbm>>
    %dma_start3A_47 = tpu.memref_slice %arg4[%add3A_45] : memref<640000xi32, #tpu.memory_space<hbm>> -> memref<40xi32, #tpu.memory_space<hbm>>
    tpu.enqueue_dma source(%dma_start3A_47 : memref<40xi32, #tpu.memory_space<hbm>>) target(%arg18 : memref<40xi32, #tpu.memory_space<vmem>>) target_semaphore(%arg48 : memref<!tpu.dma_semaphore, #tpu.memory_space<semaphore_mem>>)
    %add3A_48 = arith.constant 200 : i32
    %add3A_49 = arith.addi %add3A, %add3A_48 : i32
    %dma_start3A_50 = tpu.memref_slice %arg3[%add3A_49] : memref<640000xi32, #tpu.memory_space<hbm>> -> memref<40xi32, #tpu.memory_space<hbm>>
    %dma_start3A_51 = tpu.memref_slice %arg3[%add3A_49] : memref<640000xi32, #tpu.memory_space<hbm>> -> memref<40xi32, #tpu.memory_space<hbm>>
    tpu.enqueue_dma source(%dma_start3A_51 : memref<40xi32, #tpu.memory_space<hbm>>) target(%arg28 : memref<40xi32, #tpu.memory_space<vmem>>) target_semaphore(%arg58 : memref<!tpu.dma_semaphore, #tpu.memory_space<semaphore_mem>>)
    %add3A_52 = arith.constant 240 : i32
    %add3A_53 = arith.addi %add3A, %add3A_52 : i32
    %dma_start3A_54 = tpu.memref_slice %arg4[%add3A_53] : memref<640000xi32, #tpu.memory_space<hbm>> -> memref<40xi32, #tpu.memory_space<hbm>>
    %dma_start3A_55 = tpu.memref_slice %arg4[%add3A_53] : memref<640000xi32, #tpu.memory_space<hbm>> -> memref<40xi32, #tpu.memory_space<hbm>>
    tpu.enqueue_dma source(%dma_start3A_55 : memref<40xi32, #tpu.memory_space<hbm>>) target(%arg19 : memref<40xi32, #tpu.memory_space<vmem>>) target_semaphore(%arg49 : memref<!tpu.dma_semaphore, #tpu.memory_space<semaphore_mem>>)
    %add3A_56 = arith.constant 240 : i32
    %add3A_57 = arith.addi %add3A, %add3A_56 : i32
    %dma_start3A_58 = tpu.memref_slice %arg3[%add3A_57] : memref<640000xi32, #tpu.memory_space<hbm>> -> memref<40xi32, #tpu.memory_space<hbm>>
    %dma_start3A_59 = tpu.memref_slice %arg3[%add3A_57] : memref<640000xi32, #tpu.memory_space<hbm>> -> memref<40xi32, #tpu.memory_space<hbm>>
    tpu.enqueue_dma source(%dma_start3A_59 : memref<40xi32, #tpu.memory_space<hbm>>) target(%arg29 : memref<40xi32, #tpu.memory_space<vmem>>) target_semaphore(%arg59 : memref<!tpu.dma_semaphore, #tpu.memory_space<semaphore_mem>>)
    %add3A_60 = arith.constant 280 : i32
    %add3A_61 = arith.addi %add3A, %add3A_60 : i32
    %dma_start3A_62 = tpu.memref_slice %arg4[%add3A_61] : memref<640000xi32, #tpu.memory_space<hbm>> -> memref<40xi32, #tpu.memory_space<hbm>>
    %dma_start3A_63 = tpu.memref_slice %arg4[%add3A_61] : memref<640000xi32, #tpu.memory_space<hbm>> -> memref<40xi32, #tpu.memory_space<hbm>>
    tpu.enqueue_dma source(%dma_start3A_63 : memref<40xi32, #tpu.memory_space<hbm>>) target(%arg20 : memref<40xi32, #tpu.memory_space<vmem>>) target_semaphore(%arg50 : memref<!tpu.dma_semaphore, #tpu.memory_space<semaphore_mem>>)
    %add3A_64 = arith.constant 280 : i32
    %add3A_65 = arith.addi %add3A, %add3A_64 : i32
    %dma_start3A_66 = tpu.memref_slice %arg3[%add3A_65] : memref<640000xi32, #tpu.memory_space<hbm>> -> memref<40xi32, #tpu.memory_space<hbm>>
    %dma_start3A_67 = tpu.memref_slice %arg3[%add3A_65] : memref<640000xi32, #tpu.memory_space<hbm>> -> memref<40xi32, #tpu.memory_space<hbm>>
    tpu.enqueue_dma source(%dma_start3A_67 : memref<40xi32, #tpu.memory_space<hbm>>) target(%arg30 : memref<40xi32, #tpu.memory_space<vmem>>) target_semaphore(%arg60 : memref<!tpu.dma_semaphore, #tpu.memory_space<semaphore_mem>>)
    %add3A_68 = arith.constant 320 : i32
    %add3A_69 = arith.addi %add3A, %add3A_68 : i32
    %dma_start3A_70 = tpu.memref_slice %arg4[%add3A_69] : memref<640000xi32, #tpu.memory_space<hbm>> -> memref<40xi32, #tpu.memory_space<hbm>>
    %dma_start3A_71 = tpu.memref_slice %arg4[%add3A_69] : memref<640000xi32, #tpu.memory_space<hbm>> -> memref<40xi32, #tpu.memory_space<hbm>>
    tpu.enqueue_dma source(%dma_start3A_71 : memref<40xi32, #tpu.memory_space<hbm>>) target(%arg21 : memref<40xi32, #tpu.memory_space<vmem>>) target_semaphore(%arg51 : memref<!tpu.dma_semaphore, #tpu.memory_space<semaphore_mem>>)
    %add3A_72 = arith.constant 320 : i32
    %add3A_73 = arith.addi %add3A, %add3A_72 : i32
    %dma_start3A_74 = tpu.memref_slice %arg3[%add3A_73] : memref<640000xi32, #tpu.memory_space<hbm>> -> memref<40xi32, #tpu.memory_space<hbm>>
    %dma_start3A_75 = tpu.memref_slice %arg3[%add3A_73] : memref<640000xi32, #tpu.memory_space<hbm>> -> memref<40xi32, #tpu.memory_space<hbm>>
    tpu.enqueue_dma source(%dma_start3A_75 : memref<40xi32, #tpu.memory_space<hbm>>) target(%arg31 : memref<40xi32, #tpu.memory_space<vmem>>) target_semaphore(%arg61 : memref<!tpu.dma_semaphore, #tpu.memory_space<semaphore_mem>>)
    %dma_wait3A = arith.constant 0 : i32
    %dma_wait3A_76 = tpu.memref_slice %arg4[%dma_wait3A] : memref<640000xi32, #tpu.memory_space<hbm>> -> memref<40xi32, #tpu.memory_space<hbm>>
    %dma_wait3A_77 = arith.constant 0 : i32
    %dma_wait3A_78 = tpu.memref_slice %arg4[%dma_wait3A_77] : memref<640000xi32, #tpu.memory_space<hbm>> -> memref<40xi32, #tpu.memory_space<hbm>>
    tpu.wait_dma2 semaphore(%arg43 : memref<!tpu.dma_semaphore, #tpu.memory_space<semaphore_mem>>) src(%dma_wait3A_78 : memref<40xi32, #tpu.memory_space<hbm>>) dst(%arg13 : memref<40xi32, #tpu.memory_space<vmem>>)
    %dma_wait3A_79 = arith.constant 0 : i32
    %dma_wait3A_80 = tpu.memref_slice %arg4[%dma_wait3A_79] : memref<640000xi32, #tpu.memory_space<hbm>> -> memref<40xi32, #tpu.memory_space<hbm>>
    %dma_wait3A_81 = arith.constant 0 : i32
    %dma_wait3A_82 = tpu.memref_slice %arg4[%dma_wait3A_81] : memref<640000xi32, #tpu.memory_space<hbm>> -> memref<40xi32, #tpu.memory_space<hbm>>
    tpu.wait_dma2 semaphore(%arg53 : memref<!tpu.dma_semaphore, #tpu.memory_space<semaphore_mem>>) src(%dma_wait3A_82 : memref<40xi32, #tpu.memory_space<hbm>>) dst(%arg23 : memref<40xi32, #tpu.memory_space<vmem>>)
    %dma_start3A_83 = arith.constant 0 : i32
    %dma_start3A_84 = arith.constant 0 : i32
    %dma_start3A_85 = tpu.memref_slice %arg2[%dma_start3A_83, %dma_start3A_84] : memref<10000x128xf32, #tpu.memory_space<hbm>> -> memref<10000x128xf32, #tpu.memory_space<hbm>>
    tpu.enqueue_indirect_dma source(%dma_start3A_85 : memref<10000x128xf32, #tpu.memory_space<hbm>>) target(%arg8 : memref<40x128xf32, #tpu.memory_space<vmem>>) offsets(%arg23 : memref<40xi32, #tpu.memory_space<vmem>>) semaphore(%arg33 : memref<!tpu.dma_semaphore, #tpu.memory_space<semaphore_mem>>)
    %dma_wait3A_86 = arith.constant 0 : i32
    %dma_wait3A_87 = tpu.memref_slice %arg4[%dma_wait3A_86] : memref<640000xi32, #tpu.memory_space<hbm>> -> memref<40xi32, #tpu.memory_space<hbm>>
    %dma_wait3A_88 = arith.constant 0 : i32
    %dma_wait3A_89 = tpu.memref_slice %arg4[%dma_wait3A_88] : memref<640000xi32, #tpu.memory_space<hbm>> -> memref<40xi32, #tpu.memory_space<hbm>>
    tpu.wait_dma2 semaphore(%arg44 : memref<!tpu.dma_semaphore, #tpu.memory_space<semaphore_mem>>) src(%dma_wait3A_89 : memref<40xi32, #tpu.memory_space<hbm>>) dst(%arg14 : memref<40xi32, #tpu.memory_space<vmem>>)
    %dma_wait3A_90 = arith.constant 0 : i32
    %dma_wait3A_91 = tpu.memref_slice %arg4[%dma_wait3A_90] : memref<640000xi32, #tpu.memory_space<hbm>> -> memref<40xi32, #tpu.memory_space<hbm>>
    %dma_wait3A_92 = arith.constant 0 : i32
    %dma_wait3A_93 = tpu.memref_slice %arg4[%dma_wait3A_92] : memref<640000xi32, #tpu.memory_space<hbm>> -> memref<40xi32, #tpu.memory_space<hbm>>
    tpu.wait_dma2 semaphore(%arg54 : memref<!tpu.dma_semaphore, #tpu.memory_space<semaphore_mem>>) src(%dma_wait3A_93 : memref<40xi32, #tpu.memory_space<hbm>>) dst(%arg24 : memref<40xi32, #tpu.memory_space<vmem>>)
    %dma_start3A_94 = arith.constant 0 : i32
    %dma_start3A_95 = arith.constant 0 : i32
    %dma_start3A_96 = tpu.memref_slice %arg2[%dma_start3A_94, %dma_start3A_95] : memref<10000x128xf32, #tpu.memory_space<hbm>> -> memref<10000x128xf32, #tpu.memory_space<hbm>>
    tpu.enqueue_indirect_dma source(%dma_start3A_96 : memref<10000x128xf32, #tpu.memory_space<hbm>>) target(%arg9 : memref<40x128xf32, #tpu.memory_space<vmem>>) offsets(%arg24 : memref<40xi32, #tpu.memory_space<vmem>>) semaphore(%arg34 : memref<!tpu.dma_semaphore, #tpu.memory_space<semaphore_mem>>)
    %dma_wait3A_97 = arith.constant 0 : i32
    %dma_wait3A_98 = tpu.memref_slice %arg4[%dma_wait3A_97] : memref<640000xi32, #tpu.memory_space<hbm>> -> memref<40xi32, #tpu.memory_space<hbm>>
    %dma_wait3A_99 = arith.constant 0 : i32
    %dma_wait3A_100 = tpu.memref_slice %arg4[%dma_wait3A_99] : memref<640000xi32, #tpu.memory_space<hbm>> -> memref<40xi32, #tpu.memory_space<hbm>>
    tpu.wait_dma2 semaphore(%arg45 : memref<!tpu.dma_semaphore, #tpu.memory_space<semaphore_mem>>) src(%dma_wait3A_100 : memref<40xi32, #tpu.memory_space<hbm>>) dst(%arg15 : memref<40xi32, #tpu.memory_space<vmem>>)
    %dma_wait3A_101 = arith.constant 0 : i32
    %dma_wait3A_102 = tpu.memref_slice %arg4[%dma_wait3A_101] : memref<640000xi32, #tpu.memory_space<hbm>> -> memref<40xi32, #tpu.memory_space<hbm>>
    %dma_wait3A_103 = arith.constant 0 : i32
    %dma_wait3A_104 = tpu.memref_slice %arg4[%dma_wait3A_103] : memref<640000xi32, #tpu.memory_space<hbm>> -> memref<40xi32, #tpu.memory_space<hbm>>
    tpu.wait_dma2 semaphore(%arg55 : memref<!tpu.dma_semaphore, #tpu.memory_space<semaphore_mem>>) src(%dma_wait3A_104 : memref<40xi32, #tpu.memory_space<hbm>>) dst(%arg25 : memref<40xi32, #tpu.memory_space<vmem>>)
    %dma_start3A_105 = arith.constant 0 : i32
    %dma_start3A_106 = arith.constant 0 : i32
    %dma_start3A_107 = tpu.memref_slice %arg2[%dma_start3A_105, %dma_start3A_106] : memref<10000x128xf32, #tpu.memory_space<hbm>> -> memref<10000x128xf32, #tpu.memory_space<hbm>>
    tpu.enqueue_indirect_dma source(%dma_start3A_107 : memref<10000x128xf32, #tpu.memory_space<hbm>>) target(%arg10 : memref<40x128xf32, #tpu.memory_space<vmem>>) offsets(%arg25 : memref<40xi32, #tpu.memory_space<vmem>>) semaphore(%arg35 : memref<!tpu.dma_semaphore, #tpu.memory_space<semaphore_mem>>)
    %dma_wait3A_108 = arith.constant 0 : i32
    %dma_wait3A_109 = tpu.memref_slice %arg4[%dma_wait3A_108] : memref<640000xi32, #tpu.memory_space<hbm>> -> memref<40xi32, #tpu.memory_space<hbm>>
    %dma_wait3A_110 = arith.constant 0 : i32
    %dma_wait3A_111 = tpu.memref_slice %arg4[%dma_wait3A_110] : memref<640000xi32, #tpu.memory_space<hbm>> -> memref<40xi32, #tpu.memory_space<hbm>>
    tpu.wait_dma2 semaphore(%arg46 : memref<!tpu.dma_semaphore, #tpu.memory_space<semaphore_mem>>) src(%dma_wait3A_111 : memref<40xi32, #tpu.memory_space<hbm>>) dst(%arg16 : memref<40xi32, #tpu.memory_space<vmem>>)
    %dma_wait3A_112 = arith.constant 0 : i32
    %dma_wait3A_113 = tpu.memref_slice %arg4[%dma_wait3A_112] : memref<640000xi32, #tpu.memory_space<hbm>> -> memref<40xi32, #tpu.memory_space<hbm>>
    %dma_wait3A_114 = arith.constant 0 : i32
    %dma_wait3A_115 = tpu.memref_slice %arg4[%dma_wait3A_114] : memref<640000xi32, #tpu.memory_space<hbm>> -> memref<40xi32, #tpu.memory_space<hbm>>
    tpu.wait_dma2 semaphore(%arg56 : memref<!tpu.dma_semaphore, #tpu.memory_space<semaphore_mem>>) src(%dma_wait3A_115 : memref<40xi32, #tpu.memory_space<hbm>>) dst(%arg26 : memref<40xi32, #tpu.memory_space<vmem>>)
    %dma_start3A_116 = arith.constant 0 : i32
    %dma_start3A_117 = arith.constant 0 : i32
    %dma_start3A_118 = tpu.memref_slice %arg2[%dma_start3A_116, %dma_start3A_117] : memref<10000x128xf32, #tpu.memory_space<hbm>> -> memref<10000x128xf32, #tpu.memory_space<hbm>>
    tpu.enqueue_indirect_dma source(%dma_start3A_118 : memref<10000x128xf32, #tpu.memory_space<hbm>>) target(%arg11 : memref<40x128xf32, #tpu.memory_space<vmem>>) offsets(%arg26 : memref<40xi32, #tpu.memory_space<vmem>>) semaphore(%arg36 : memref<!tpu.dma_semaphore, #tpu.memory_space<semaphore_mem>>)
    %scan3A = arith.constant 0 : i32
    %scan3A_119 = arith.constant 0 : i32
    %scan3A_120 = arith.constant 50 : i32
    %scan3A_121 = arith.addi %scan3A_119, %scan3A_120 : i32
    %scan3A_122 = arith.constant 1 : i32
    scf.for %scan3A_135 = %scan3A_119 to %scan3A_121 step %scan3A_122  : i32 {
      %mul3A_136 = arith.constant 10 : i32
      %mul3A_137 = arith.muli %scan3A_135, %mul3A_136 : i32
      %add3A_138 = arith.constant 0 : i32
      %add3A_139 = arith.addi %mul3A_137, %add3A_138 : i32
      %add3A_140 = arith.constant 4 : i32
      %add3A_141 = arith.addi %add3A_139, %add3A_140 : i32
      %lt3A = arith.constant 500 : i32
      %lt3A_142 = arith.cmpi slt, %add3A_141, %lt3A : i32
      %convert_element_type3A = arith.extui %lt3A_142 : i1 to i32
      %cond3A = arith.constant 0 : i32
      %cond3A_143 = arith.cmpi ne, %convert_element_type3A, %cond3A : i32
      scf.if %cond3A_143 {
        %dma_wait3A_521 = arith.constant 0 : i32
        %dma_wait3A_522 = tpu.memref_slice %arg4[%dma_wait3A_521] : memref<640000xi32, #tpu.memory_space<hbm>> -> memref<40xi32, #tpu.memory_space<hbm>>
        %dma_wait3A_523 = arith.constant 0 : i32
        %dma_wait3A_524 = tpu.memref_slice %arg4[%dma_wait3A_523] : memref<640000xi32, #tpu.memory_space<hbm>> -> memref<40xi32, #tpu.memory_space<hbm>>
        tpu.wait_dma2 semaphore(%arg47 : memref<!tpu.dma_semaphore, #tpu.memory_space<semaphore_mem>>) src(%dma_wait3A_524 : memref<40xi32, #tpu.memory_space<hbm>>) dst(%arg17 : memref<40xi32, #tpu.memory_space<vmem>>)
        %dma_wait3A_525 = arith.constant 0 : i32
        %dma_wait3A_526 = tpu.memref_slice %arg4[%dma_wait3A_525] : memref<640000xi32, #tpu.memory_space<hbm>> -> memref<40xi32, #tpu.memory_space<hbm>>
        %dma_wait3A_527 = arith.constant 0 : i32
        %dma_wait3A_528 = tpu.memref_slice %arg4[%dma_wait3A_527] : memref<640000xi32, #tpu.memory_space<hbm>> -> memref<40xi32, #tpu.memory_space<hbm>>
        tpu.wait_dma2 semaphore(%arg57 : memref<!tpu.dma_semaphore, #tpu.memory_space<semaphore_mem>>) src(%dma_wait3A_528 : memref<40xi32, #tpu.memory_space<hbm>>) dst(%arg27 : memref<40xi32, #tpu.memory_space<vmem>>)
      } else {
      }
      %ge3A = arith.constant 1 : i32
      %ge3A_144 = arith.cmpi sge, %add3A_139, %ge3A : i32
      %convert_element_type3A_145 = arith.extui %ge3A_144 : i1 to i32
      %cond3A_146 = arith.constant 0 : i32
      %cond3A_147 = arith.cmpi ne, %convert_element_type3A_145, %cond3A_146 : i32
      scf.if %cond3A_147 {
        %dma_wait3A_521 = arith.constant 0 : i32
        %dma_wait3A_522 = arith.constant 0 : i32
        %dma_wait3A_523 = tpu.memref_slice %arg2[%dma_wait3A_521, %dma_wait3A_522] : memref<10000x128xf32, #tpu.memory_space<hbm>> -> memref<40x128xf32, #tpu.memory_space<hbm>>
        %dma_wait3A_524 = arith.constant 0 : i32
        %dma_wait3A_525 = arith.constant 0 : i32
        %dma_wait3A_526 = tpu.memref_slice %arg2[%dma_wait3A_524, %dma_wait3A_525] : memref<10000x128xf32, #tpu.memory_space<hbm>> -> memref<40x128xf32, #tpu.memory_space<hbm>>
        tpu.wait_dma2 semaphore(%arg42 : memref<!tpu.dma_semaphore, #tpu.memory_space<semaphore_mem>>) src(%dma_wait3A_526 : memref<40x128xf32, #tpu.memory_space<hbm>>) dst(%arg12 : memref<40x128xf32, #tpu.memory_space<vmem>>)
      } else {
      }
      %lt3A_148 = arith.constant 500 : i32
      %lt3A_149 = arith.cmpi slt, %add3A_141, %lt3A_148 : i32
      %convert_element_type3A_150 = arith.extui %lt3A_149 : i1 to i32
      %cond3A_151 = arith.constant 0 : i32
      %cond3A_152 = arith.cmpi ne, %convert_element_type3A_150, %cond3A_151 : i32
      scf.if %cond3A_152 {
        %dma_start3A_521 = arith.constant 0 : i32
        %dma_start3A_522 = arith.constant 0 : i32
        %dma_start3A_523 = tpu.memref_slice %arg2[%dma_start3A_521, %dma_start3A_522] : memref<10000x128xf32, #tpu.memory_space<hbm>> -> memref<10000x128xf32, #tpu.memory_space<hbm>>
        tpu.enqueue_indirect_dma source(%dma_start3A_523 : memref<10000x128xf32, #tpu.memory_space<hbm>>) target(%arg12 : memref<40x128xf32, #tpu.memory_space<vmem>>) offsets(%arg27 : memref<40xi32, #tpu.memory_space<vmem>>) semaphore(%arg37 : memref<!tpu.dma_semaphore, #tpu.memory_space<semaphore_mem>>)
      } else {
      }
      %dma_wait3A_153 = arith.constant 0 : i32
      %dma_wait3A_154 = arith.constant 0 : i32
      %dma_wait3A_155 = tpu.memref_slice %arg2[%dma_wait3A_153, %dma_wait3A_154] : memref<10000x128xf32, #tpu.memory_space<hbm>> -> memref<40x128xf32, #tpu.memory_space<hbm>>
      %dma_wait3A_156 = arith.constant 0 : i32
      %dma_wait3A_157 = arith.constant 0 : i32
      %dma_wait3A_158 = tpu.memref_slice %arg2[%dma_wait3A_156, %dma_wait3A_157] : memref<10000x128xf32, #tpu.memory_space<hbm>> -> memref<40x128xf32, #tpu.memory_space<hbm>>
      tpu.wait_dma2 semaphore(%arg33 : memref<!tpu.dma_semaphore, #tpu.memory_space<semaphore_mem>>) src(%dma_wait3A_158 : memref<40x128xf32, #tpu.memory_space<hbm>>) dst(%arg8 : memref<40x128xf32, #tpu.memory_space<vmem>>)
      %dma_start3A_159 = arith.constant 0 : i32
      %dma_start3A_160 = arith.constant 0 : i32
      %dma_start3A_161 = tpu.memref_slice %arg7[%dma_start3A_159, %dma_start3A_160] : memref<10240x128xf32, #tpu.memory_space<vmem_shared>> -> memref<10240x128xf32, #tpu.memory_space<vmem_shared>>
      tpu.enqueue_indirect_dma source(%arg8 : memref<40x128xf32, #tpu.memory_space<vmem>>) target(%dma_start3A_161 : memref<10240x128xf32, #tpu.memory_space<vmem_shared>>) offsets(%arg13 : memref<40xi32, #tpu.memory_space<vmem>>) semaphore(%arg38 : memref<!tpu.dma_semaphore, #tpu.memory_space<semaphore_mem>>) {add = true}
      %add3A_162 = arith.constant 10 : i32
      %add3A_163 = arith.addi %add3A_139, %add3A_162 : i32
      %sub3A = arith.constant 1 : i32
      %sub3A_164 = arith.subi %add3A_163, %sub3A : i32
      %lt3A_165 = arith.constant 500 : i32
      %lt3A_166 = arith.cmpi slt, %sub3A_164, %lt3A_165 : i32
      %convert_element_type3A_167 = arith.extui %lt3A_166 : i1 to i32
      %cond3A_168 = arith.constant 0 : i32
      %cond3A_169 = arith.cmpi ne, %convert_element_type3A_167, %cond3A_168 : i32
      scf.if %cond3A_169 {
        %add3A_521 = arith.constant 10 : i32
        %add3A_522 = arith.addi %add3A_139, %add3A_521 : i32
        %sub3A_523 = arith.constant 1 : i32
        %sub3A_524 = arith.subi %add3A_522, %sub3A_523 : i32
        %mul3A_525 = arith.constant 40 : i32
        %mul3A_526 = arith.muli %sub3A_524, %mul3A_525 : i32
        %add3A_527 = arith.addi %add3A, %mul3A_526 : i32
        %dma_start3A_528 = tpu.memref_slice %arg4[%add3A_527] : memref<640000xi32, #tpu.memory_space<hbm>> -> memref<40xi32, #tpu.memory_space<hbm>>
        %dma_start3A_529 = tpu.memref_slice %arg4[%add3A_527] : memref<640000xi32, #tpu.memory_space<hbm>> -> memref<40xi32, #tpu.memory_space<hbm>>
        tpu.enqueue_dma source(%dma_start3A_529 : memref<40xi32, #tpu.memory_space<hbm>>) target(%arg22 : memref<40xi32, #tpu.memory_space<vmem>>) target_semaphore(%arg52 : memref<!tpu.dma_semaphore, #tpu.memory_space<semaphore_mem>>)
        %mul3A_530 = arith.constant 40 : i32
        %mul3A_531 = arith.muli %sub3A_524, %mul3A_530 : i32
        %add3A_532 = arith.addi %add3A, %mul3A_531 : i32
        %dma_start3A_533 = tpu.memref_slice %arg3[%add3A_532] : memref<640000xi32, #tpu.memory_space<hbm>> -> memref<40xi32, #tpu.memory_space<hbm>>
        %dma_start3A_534 = tpu.memref_slice %arg3[%add3A_532] : memref<640000xi32, #tpu.memory_space<hbm>> -> memref<40xi32, #tpu.memory_space<hbm>>
        tpu.enqueue_dma source(%dma_start3A_534 : memref<40xi32, #tpu.memory_space<hbm>>) target(%arg32 : memref<40xi32, #tpu.memory_space<vmem>>) target_semaphore(%arg62 : memref<!tpu.dma_semaphore, #tpu.memory_space<semaphore_mem>>)
      } else {
      }
      %mul3A_170 = arith.constant 10 : i32
      %mul3A_171 = arith.muli %scan3A_135, %mul3A_170 : i32
      %add3A_172 = arith.constant 1 : i32
      %add3A_173 = arith.addi %mul3A_171, %add3A_172 : i32
      %add3A_174 = arith.constant 4 : i32
      %add3A_175 = arith.addi %add3A_173, %add3A_174 : i32
      %lt3A_176 = arith.constant 500 : i32
      %lt3A_177 = arith.cmpi slt, %add3A_175, %lt3A_176 : i32
      %convert_element_type3A_178 = arith.extui %lt3A_177 : i1 to i32
      %cond3A_179 = arith.constant 0 : i32
      %cond3A_180 = arith.cmpi ne, %convert_element_type3A_178, %cond3A_179 : i32
      scf.if %cond3A_180 {
        %dma_wait3A_521 = arith.constant 0 : i32
        %dma_wait3A_522 = tpu.memref_slice %arg4[%dma_wait3A_521] : memref<640000xi32, #tpu.memory_space<hbm>> -> memref<40xi32, #tpu.memory_space<hbm>>
        %dma_wait3A_523 = arith.constant 0 : i32
        %dma_wait3A_524 = tpu.memref_slice %arg4[%dma_wait3A_523] : memref<640000xi32, #tpu.memory_space<hbm>> -> memref<40xi32, #tpu.memory_space<hbm>>
        tpu.wait_dma2 semaphore(%arg48 : memref<!tpu.dma_semaphore, #tpu.memory_space<semaphore_mem>>) src(%dma_wait3A_524 : memref<40xi32, #tpu.memory_space<hbm>>) dst(%arg18 : memref<40xi32, #tpu.memory_space<vmem>>)
        %dma_wait3A_525 = arith.constant 0 : i32
        %dma_wait3A_526 = tpu.memref_slice %arg4[%dma_wait3A_525] : memref<640000xi32, #tpu.memory_space<hbm>> -> memref<40xi32, #tpu.memory_space<hbm>>
        %dma_wait3A_527 = arith.constant 0 : i32
        %dma_wait3A_528 = tpu.memref_slice %arg4[%dma_wait3A_527] : memref<640000xi32, #tpu.memory_space<hbm>> -> memref<40xi32, #tpu.memory_space<hbm>>
        tpu.wait_dma2 semaphore(%arg58 : memref<!tpu.dma_semaphore, #tpu.memory_space<semaphore_mem>>) src(%dma_wait3A_528 : memref<40xi32, #tpu.memory_space<hbm>>) dst(%arg28 : memref<40xi32, #tpu.memory_space<vmem>>)
      } else {
      }
      %ge3A_181 = arith.constant 1 : i32
      %ge3A_182 = arith.cmpi sge, %add3A_173, %ge3A_181 : i32
      %convert_element_type3A_183 = arith.extui %ge3A_182 : i1 to i32
      %cond3A_184 = arith.constant 0 : i32
      %cond3A_185 = arith.cmpi ne, %convert_element_type3A_183, %cond3A_184 : i32
      scf.if %cond3A_185 {
        %dma_wait3A_521 = arith.constant 0 : i32
        %dma_wait3A_522 = arith.constant 0 : i32
        %dma_wait3A_523 = tpu.memref_slice %arg2[%dma_wait3A_521, %dma_wait3A_522] : memref<10000x128xf32, #tpu.memory_space<hbm>> -> memref<40x128xf32, #tpu.memory_space<hbm>>
        %dma_wait3A_524 = arith.constant 0 : i32
        %dma_wait3A_525 = arith.constant 0 : i32
        %dma_wait3A_526 = tpu.memref_slice %arg2[%dma_wait3A_524, %dma_wait3A_525] : memref<10000x128xf32, #tpu.memory_space<hbm>> -> memref<40x128xf32, #tpu.memory_space<hbm>>
        tpu.wait_dma2 semaphore(%arg38 : memref<!tpu.dma_semaphore, #tpu.memory_space<semaphore_mem>>) src(%dma_wait3A_526 : memref<40x128xf32, #tpu.memory_space<hbm>>) dst(%arg8 : memref<40x128xf32, #tpu.memory_space<vmem>>)
      } else {
      }
      %lt3A_186 = arith.constant 500 : i32
      %lt3A_187 = arith.cmpi slt, %add3A_175, %lt3A_186 : i32
      %convert_element_type3A_188 = arith.extui %lt3A_187 : i1 to i32
      %cond3A_189 = arith.constant 0 : i32
      %cond3A_190 = arith.cmpi ne, %convert_element_type3A_188, %cond3A_189 : i32
      scf.if %cond3A_190 {
        %dma_start3A_521 = arith.constant 0 : i32
        %dma_start3A_522 = arith.constant 0 : i32
        %dma_start3A_523 = tpu.memref_slice %arg2[%dma_start3A_521, %dma_start3A_522] : memref<10000x128xf32, #tpu.memory_space<hbm>> -> memref<10000x128xf32, #tpu.memory_space<hbm>>
        tpu.enqueue_indirect_dma source(%dma_start3A_523 : memref<10000x128xf32, #tpu.memory_space<hbm>>) target(%arg8 : memref<40x128xf32, #tpu.memory_space<vmem>>) offsets(%arg28 : memref<40xi32, #tpu.memory_space<vmem>>) semaphore(%arg33 : memref<!tpu.dma_semaphore, #tpu.memory_space<semaphore_mem>>)
      } else {
      }
      %dma_wait3A_191 = arith.constant 0 : i32
      %dma_wait3A_192 = arith.constant 0 : i32
      %dma_wait3A_193 = tpu.memref_slice %arg2[%dma_wait3A_191, %dma_wait3A_192] : memref<10000x128xf32, #tpu.memory_space<hbm>> -> memref<40x128xf32, #tpu.memory_space<hbm>>
      %dma_wait3A_194 = arith.constant 0 : i32
      %dma_wait3A_195 = arith.constant 0 : i32
      %dma_wait3A_196 = tpu.memref_slice %arg2[%dma_wait3A_194, %dma_wait3A_195] : memref<10000x128xf32, #tpu.memory_space<hbm>> -> memref<40x128xf32, #tpu.memory_space<hbm>>
      tpu.wait_dma2 semaphore(%arg34 : memref<!tpu.dma_semaphore, #tpu.memory_space<semaphore_mem>>) src(%dma_wait3A_196 : memref<40x128xf32, #tpu.memory_space<hbm>>) dst(%arg9 : memref<40x128xf32, #tpu.memory_space<vmem>>)
      %dma_start3A_197 = arith.constant 0 : i32
      %dma_start3A_198 = arith.constant 0 : i32
      %dma_start3A_199 = tpu.memref_slice %arg7[%dma_start3A_197, %dma_start3A_198] : memref<10240x128xf32, #tpu.memory_space<vmem_shared>> -> memref<10240x128xf32, #tpu.memory_space<vmem_shared>>
      tpu.enqueue_indirect_dma source(%arg9 : memref<40x128xf32, #tpu.memory_space<vmem>>) target(%dma_start3A_199 : memref<10240x128xf32, #tpu.memory_space<vmem_shared>>) offsets(%arg14 : memref<40xi32, #tpu.memory_space<vmem>>) semaphore(%arg39 : memref<!tpu.dma_semaphore, #tpu.memory_space<semaphore_mem>>) {add = true}
      %add3A_200 = arith.constant 10 : i32
      %add3A_201 = arith.addi %add3A_173, %add3A_200 : i32
      %sub3A_202 = arith.constant 1 : i32
      %sub3A_203 = arith.subi %add3A_201, %sub3A_202 : i32
      %lt3A_204 = arith.constant 500 : i32
      %lt3A_205 = arith.cmpi slt, %sub3A_203, %lt3A_204 : i32
      %convert_element_type3A_206 = arith.extui %lt3A_205 : i1 to i32
      %cond3A_207 = arith.constant 0 : i32
      %cond3A_208 = arith.cmpi ne, %convert_element_type3A_206, %cond3A_207 : i32
      scf.if %cond3A_208 {
        %add3A_521 = arith.constant 10 : i32
        %add3A_522 = arith.addi %add3A_173, %add3A_521 : i32
        %sub3A_523 = arith.constant 1 : i32
        %sub3A_524 = arith.subi %add3A_522, %sub3A_523 : i32
        %mul3A_525 = arith.constant 40 : i32
        %mul3A_526 = arith.muli %sub3A_524, %mul3A_525 : i32
        %add3A_527 = arith.addi %add3A, %mul3A_526 : i32
        %dma_start3A_528 = tpu.memref_slice %arg4[%add3A_527] : memref<640000xi32, #tpu.memory_space<hbm>> -> memref<40xi32, #tpu.memory_space<hbm>>
        %dma_start3A_529 = tpu.memref_slice %arg4[%add3A_527] : memref<640000xi32, #tpu.memory_space<hbm>> -> memref<40xi32, #tpu.memory_space<hbm>>
        tpu.enqueue_dma source(%dma_start3A_529 : memref<40xi32, #tpu.memory_space<hbm>>) target(%arg13 : memref<40xi32, #tpu.memory_space<vmem>>) target_semaphore(%arg43 : memref<!tpu.dma_semaphore, #tpu.memory_space<semaphore_mem>>)
        %mul3A_530 = arith.constant 40 : i32
        %mul3A_531 = arith.muli %sub3A_524, %mul3A_530 : i32
        %add3A_532 = arith.addi %add3A, %mul3A_531 : i32
        %dma_start3A_533 = tpu.memref_slice %arg3[%add3A_532] : memref<640000xi32, #tpu.memory_space<hbm>> -> memref<40xi32, #tpu.memory_space<hbm>>
        %dma_start3A_534 = tpu.memref_slice %arg3[%add3A_532] : memref<640000xi32, #tpu.memory_space<hbm>> -> memref<40xi32, #tpu.memory_space<hbm>>
        tpu.enqueue_dma source(%dma_start3A_534 : memref<40xi32, #tpu.memory_space<hbm>>) target(%arg23 : memref<40xi32, #tpu.memory_space<vmem>>) target_semaphore(%arg53 : memref<!tpu.dma_semaphore, #tpu.memory_space<semaphore_mem>>)
      } else {
      }
      %mul3A_209 = arith.constant 10 : i32
      %mul3A_210 = arith.muli %scan3A_135, %mul3A_209 : i32
      %add3A_211 = arith.constant 2 : i32
      %add3A_212 = arith.addi %mul3A_210, %add3A_211 : i32
      %add3A_213 = arith.constant 4 : i32
      %add3A_214 = arith.addi %add3A_212, %add3A_213 : i32
      %lt3A_215 = arith.constant 500 : i32
      %lt3A_216 = arith.cmpi slt, %add3A_214, %lt3A_215 : i32
      %convert_element_type3A_217 = arith.extui %lt3A_216 : i1 to i32
      %cond3A_218 = arith.constant 0 : i32
      %cond3A_219 = arith.cmpi ne, %convert_element_type3A_217, %cond3A_218 : i32
      scf.if %cond3A_219 {
        %dma_wait3A_521 = arith.constant 0 : i32
        %dma_wait3A_522 = tpu.memref_slice %arg4[%dma_wait3A_521] : memref<640000xi32, #tpu.memory_space<hbm>> -> memref<40xi32, #tpu.memory_space<hbm>>
        %dma_wait3A_523 = arith.constant 0 : i32
        %dma_wait3A_524 = tpu.memref_slice %arg4[%dma_wait3A_523] : memref<640000xi32, #tpu.memory_space<hbm>> -> memref<40xi32, #tpu.memory_space<hbm>>
        tpu.wait_dma2 semaphore(%arg49 : memref<!tpu.dma_semaphore, #tpu.memory_space<semaphore_mem>>) src(%dma_wait3A_524 : memref<40xi32, #tpu.memory_space<hbm>>) dst(%arg19 : memref<40xi32, #tpu.memory_space<vmem>>)
        %dma_wait3A_525 = arith.constant 0 : i32
        %dma_wait3A_526 = tpu.memref_slice %arg4[%dma_wait3A_525] : memref<640000xi32, #tpu.memory_space<hbm>> -> memref<40xi32, #tpu.memory_space<hbm>>
        %dma_wait3A_527 = arith.constant 0 : i32
        %dma_wait3A_528 = tpu.memref_slice %arg4[%dma_wait3A_527] : memref<640000xi32, #tpu.memory_space<hbm>> -> memref<40xi32, #tpu.memory_space<hbm>>
        tpu.wait_dma2 semaphore(%arg59 : memref<!tpu.dma_semaphore, #tpu.memory_space<semaphore_mem>>) src(%dma_wait3A_528 : memref<40xi32, #tpu.memory_space<hbm>>) dst(%arg29 : memref<40xi32, #tpu.memory_space<vmem>>)
      } else {
      }
      %ge3A_220 = arith.constant 1 : i32
      %ge3A_221 = arith.cmpi sge, %add3A_212, %ge3A_220 : i32
      %convert_element_type3A_222 = arith.extui %ge3A_221 : i1 to i32
      %cond3A_223 = arith.constant 0 : i32
      %cond3A_224 = arith.cmpi ne, %convert_element_type3A_222, %cond3A_223 : i32
      scf.if %cond3A_224 {
        %dma_wait3A_521 = arith.constant 0 : i32
        %dma_wait3A_522 = arith.constant 0 : i32
        %dma_wait3A_523 = tpu.memref_slice %arg2[%dma_wait3A_521, %dma_wait3A_522] : memref<10000x128xf32, #tpu.memory_space<hbm>> -> memref<40x128xf32, #tpu.memory_space<hbm>>
        %dma_wait3A_524 = arith.constant 0 : i32
        %dma_wait3A_525 = arith.constant 0 : i32
        %dma_wait3A_526 = tpu.memref_slice %arg2[%dma_wait3A_524, %dma_wait3A_525] : memref<10000x128xf32, #tpu.memory_space<hbm>> -> memref<40x128xf32, #tpu.memory_space<hbm>>
        tpu.wait_dma2 semaphore(%arg39 : memref<!tpu.dma_semaphore, #tpu.memory_space<semaphore_mem>>) src(%dma_wait3A_526 : memref<40x128xf32, #tpu.memory_space<hbm>>) dst(%arg9 : memref<40x128xf32, #tpu.memory_space<vmem>>)
      } else {
      }
      %lt3A_225 = arith.constant 500 : i32
      %lt3A_226 = arith.cmpi slt, %add3A_214, %lt3A_225 : i32
      %convert_element_type3A_227 = arith.extui %lt3A_226 : i1 to i32
      %cond3A_228 = arith.constant 0 : i32
      %cond3A_229 = arith.cmpi ne, %convert_element_type3A_227, %cond3A_228 : i32
      scf.if %cond3A_229 {
        %dma_start3A_521 = arith.constant 0 : i32
        %dma_start3A_522 = arith.constant 0 : i32
        %dma_start3A_523 = tpu.memref_slice %arg2[%dma_start3A_521, %dma_start3A_522] : memref<10000x128xf32, #tpu.memory_space<hbm>> -> memref<10000x128xf32, #tpu.memory_space<hbm>>
        tpu.enqueue_indirect_dma source(%dma_start3A_523 : memref<10000x128xf32, #tpu.memory_space<hbm>>) target(%arg9 : memref<40x128xf32, #tpu.memory_space<vmem>>) offsets(%arg29 : memref<40xi32, #tpu.memory_space<vmem>>) semaphore(%arg34 : memref<!tpu.dma_semaphore, #tpu.memory_space<semaphore_mem>>)
      } else {
      }
      %dma_wait3A_230 = arith.constant 0 : i32
      %dma_wait3A_231 = arith.constant 0 : i32
      %dma_wait3A_232 = tpu.memref_slice %arg2[%dma_wait3A_230, %dma_wait3A_231] : memref<10000x128xf32, #tpu.memory_space<hbm>> -> memref<40x128xf32, #tpu.memory_space<hbm>>
      %dma_wait3A_233 = arith.constant 0 : i32
      %dma_wait3A_234 = arith.constant 0 : i32
      %dma_wait3A_235 = tpu.memref_slice %arg2[%dma_wait3A_233, %dma_wait3A_234] : memref<10000x128xf32, #tpu.memory_space<hbm>> -> memref<40x128xf32, #tpu.memory_space<hbm>>
      tpu.wait_dma2 semaphore(%arg35 : memref<!tpu.dma_semaphore, #tpu.memory_space<semaphore_mem>>) src(%dma_wait3A_235 : memref<40x128xf32, #tpu.memory_space<hbm>>) dst(%arg10 : memref<40x128xf32, #tpu.memory_space<vmem>>)
      %dma_start3A_236 = arith.constant 0 : i32
      %dma_start3A_237 = arith.constant 0 : i32
      %dma_start3A_238 = tpu.memref_slice %arg7[%dma_start3A_236, %dma_start3A_237] : memref<10240x128xf32, #tpu.memory_space<vmem_shared>> -> memref<10240x128xf32, #tpu.memory_space<vmem_shared>>
      tpu.enqueue_indirect_dma source(%arg10 : memref<40x128xf32, #tpu.memory_space<vmem>>) target(%dma_start3A_238 : memref<10240x128xf32, #tpu.memory_space<vmem_shared>>) offsets(%arg15 : memref<40xi32, #tpu.memory_space<vmem>>) semaphore(%arg40 : memref<!tpu.dma_semaphore, #tpu.memory_space<semaphore_mem>>) {add = true}
      %add3A_239 = arith.constant 10 : i32
      %add3A_240 = arith.addi %add3A_212, %add3A_239 : i32
      %sub3A_241 = arith.constant 1 : i32
      %sub3A_242 = arith.subi %add3A_240, %sub3A_241 : i32
      %lt3A_243 = arith.constant 500 : i32
      %lt3A_244 = arith.cmpi slt, %sub3A_242, %lt3A_243 : i32
      %convert_element_type3A_245 = arith.extui %lt3A_244 : i1 to i32
      %cond3A_246 = arith.constant 0 : i32
      %cond3A_247 = arith.cmpi ne, %convert_element_type3A_245, %cond3A_246 : i32
      scf.if %cond3A_247 {
        %add3A_521 = arith.constant 10 : i32
        %add3A_522 = arith.addi %add3A_212, %add3A_521 : i32
        %sub3A_523 = arith.constant 1 : i32
        %sub3A_524 = arith.subi %add3A_522, %sub3A_523 : i32
        %mul3A_525 = arith.constant 40 : i32
        %mul3A_526 = arith.muli %sub3A_524, %mul3A_525 : i32
        %add3A_527 = arith.addi %add3A, %mul3A_526 : i32
        %dma_start3A_528 = tpu.memref_slice %arg4[%add3A_527] : memref<640000xi32, #tpu.memory_space<hbm>> -> memref<40xi32, #tpu.memory_space<hbm>>
        %dma_start3A_529 = tpu.memref_slice %arg4[%add3A_527] : memref<640000xi32, #tpu.memory_space<hbm>> -> memref<40xi32, #tpu.memory_space<hbm>>
        tpu.enqueue_dma source(%dma_start3A_529 : memref<40xi32, #tpu.memory_space<hbm>>) target(%arg14 : memref<40xi32, #tpu.memory_space<vmem>>) target_semaphore(%arg44 : memref<!tpu.dma_semaphore, #tpu.memory_space<semaphore_mem>>)
        %mul3A_530 = arith.constant 40 : i32
        %mul3A_531 = arith.muli %sub3A_524, %mul3A_530 : i32
        %add3A_532 = arith.addi %add3A, %mul3A_531 : i32
        %dma_start3A_533 = tpu.memref_slice %arg3[%add3A_532] : memref<640000xi32, #tpu.memory_space<hbm>> -> memref<40xi32, #tpu.memory_space<hbm>>
        %dma_start3A_534 = tpu.memref_slice %arg3[%add3A_532] : memref<640000xi32, #tpu.memory_space<hbm>> -> memref<40xi32, #tpu.memory_space<hbm>>
        tpu.enqueue_dma source(%dma_start3A_534 : memref<40xi32, #tpu.memory_space<hbm>>) target(%arg24 : memref<40xi32, #tpu.memory_space<vmem>>) target_semaphore(%arg54 : memref<!tpu.dma_semaphore, #tpu.memory_space<semaphore_mem>>)
      } else {
      }
      %mul3A_248 = arith.constant 10 : i32
      %mul3A_249 = arith.muli %scan3A_135, %mul3A_248 : i32
      %add3A_250 = arith.constant 3 : i32
      %add3A_251 = arith.addi %mul3A_249, %add3A_250 : i32
      %add3A_252 = arith.constant 4 : i32
      %add3A_253 = arith.addi %add3A_251, %add3A_252 : i32
      %lt3A_254 = arith.constant 500 : i32
      %lt3A_255 = arith.cmpi slt, %add3A_253, %lt3A_254 : i32
      %convert_element_type3A_256 = arith.extui %lt3A_255 : i1 to i32
      %cond3A_257 = arith.constant 0 : i32
      %cond3A_258 = arith.cmpi ne, %convert_element_type3A_256, %cond3A_257 : i32
      scf.if %cond3A_258 {
        %dma_wait3A_521 = arith.constant 0 : i32
        %dma_wait3A_522 = tpu.memref_slice %arg4[%dma_wait3A_521] : memref<640000xi32, #tpu.memory_space<hbm>> -> memref<40xi32, #tpu.memory_space<hbm>>
        %dma_wait3A_523 = arith.constant 0 : i32
        %dma_wait3A_524 = tpu.memref_slice %arg4[%dma_wait3A_523] : memref<640000xi32, #tpu.memory_space<hbm>> -> memref<40xi32, #tpu.memory_space<hbm>>
        tpu.wait_dma2 semaphore(%arg50 : memref<!tpu.dma_semaphore, #tpu.memory_space<semaphore_mem>>) src(%dma_wait3A_524 : memref<40xi32, #tpu.memory_space<hbm>>) dst(%arg20 : memref<40xi32, #tpu.memory_space<vmem>>)
        %dma_wait3A_525 = arith.constant 0 : i32
        %dma_wait3A_526 = tpu.memref_slice %arg4[%dma_wait3A_525] : memref<640000xi32, #tpu.memory_space<hbm>> -> memref<40xi32, #tpu.memory_space<hbm>>
        %dma_wait3A_527 = arith.constant 0 : i32
        %dma_wait3A_528 = tpu.memref_slice %arg4[%dma_wait3A_527] : memref<640000xi32, #tpu.memory_space<hbm>> -> memref<40xi32, #tpu.memory_space<hbm>>
        tpu.wait_dma2 semaphore(%arg60 : memref<!tpu.dma_semaphore, #tpu.memory_space<semaphore_mem>>) src(%dma_wait3A_528 : memref<40xi32, #tpu.memory_space<hbm>>) dst(%arg30 : memref<40xi32, #tpu.memory_space<vmem>>)
      } else {
      }
      %ge3A_259 = arith.constant 1 : i32
      %ge3A_260 = arith.cmpi sge, %add3A_251, %ge3A_259 : i32
      %convert_element_type3A_261 = arith.extui %ge3A_260 : i1 to i32
      %cond3A_262 = arith.constant 0 : i32
      %cond3A_263 = arith.cmpi ne, %convert_element_type3A_261, %cond3A_262 : i32
      scf.if %cond3A_263 {
        %dma_wait3A_521 = arith.constant 0 : i32
        %dma_wait3A_522 = arith.constant 0 : i32
        %dma_wait3A_523 = tpu.memref_slice %arg2[%dma_wait3A_521, %dma_wait3A_522] : memref<10000x128xf32, #tpu.memory_space<hbm>> -> memref<40x128xf32, #tpu.memory_space<hbm>>
        %dma_wait3A_524 = arith.constant 0 : i32
        %dma_wait3A_525 = arith.constant 0 : i32
        %dma_wait3A_526 = tpu.memref_slice %arg2[%dma_wait3A_524, %dma_wait3A_525] : memref<10000x128xf32, #tpu.memory_space<hbm>> -> memref<40x128xf32, #tpu.memory_space<hbm>>
        tpu.wait_dma2 semaphore(%arg40 : memref<!tpu.dma_semaphore, #tpu.memory_space<semaphore_mem>>) src(%dma_wait3A_526 : memref<40x128xf32, #tpu.memory_space<hbm>>) dst(%arg10 : memref<40x128xf32, #tpu.memory_space<vmem>>)
      } else {
      }
      %lt3A_264 = arith.constant 500 : i32
      %lt3A_265 = arith.cmpi slt, %add3A_253, %lt3A_264 : i32
      %convert_element_type3A_266 = arith.extui %lt3A_265 : i1 to i32
      %cond3A_267 = arith.constant 0 : i32
      %cond3A_268 = arith.cmpi ne, %convert_element_type3A_266, %cond3A_267 : i32
      scf.if %cond3A_268 {
        %dma_start3A_521 = arith.constant 0 : i32
        %dma_start3A_522 = arith.constant 0 : i32
        %dma_start3A_523 = tpu.memref_slice %arg2[%dma_start3A_521, %dma_start3A_522] : memref<10000x128xf32, #tpu.memory_space<hbm>> -> memref<10000x128xf32, #tpu.memory_space<hbm>>
        tpu.enqueue_indirect_dma source(%dma_start3A_523 : memref<10000x128xf32, #tpu.memory_space<hbm>>) target(%arg10 : memref<40x128xf32, #tpu.memory_space<vmem>>) offsets(%arg30 : memref<40xi32, #tpu.memory_space<vmem>>) semaphore(%arg35 : memref<!tpu.dma_semaphore, #tpu.memory_space<semaphore_mem>>)
      } else {
      }
      %dma_wait3A_269 = arith.constant 0 : i32
      %dma_wait3A_270 = arith.constant 0 : i32
      %dma_wait3A_271 = tpu.memref_slice %arg2[%dma_wait3A_269, %dma_wait3A_270] : memref<10000x128xf32, #tpu.memory_space<hbm>> -> memref<40x128xf32, #tpu.memory_space<hbm>>
      %dma_wait3A_272 = arith.constant 0 : i32
      %dma_wait3A_273 = arith.constant 0 : i32
      %dma_wait3A_274 = tpu.memref_slice %arg2[%dma_wait3A_272, %dma_wait3A_273] : memref<10000x128xf32, #tpu.memory_space<hbm>> -> memref<40x128xf32, #tpu.memory_space<hbm>>
      tpu.wait_dma2 semaphore(%arg36 : memref<!tpu.dma_semaphore, #tpu.memory_space<semaphore_mem>>) src(%dma_wait3A_274 : memref<40x128xf32, #tpu.memory_space<hbm>>) dst(%arg11 : memref<40x128xf32, #tpu.memory_space<vmem>>)
      %dma_start3A_275 = arith.constant 0 : i32
      %dma_start3A_276 = arith.constant 0 : i32
      %dma_start3A_277 = tpu.memref_slice %arg7[%dma_start3A_275, %dma_start3A_276] : memref<10240x128xf32, #tpu.memory_space<vmem_shared>> -> memref<10240x128xf32, #tpu.memory_space<vmem_shared>>
      tpu.enqueue_indirect_dma source(%arg11 : memref<40x128xf32, #tpu.memory_space<vmem>>) target(%dma_start3A_277 : memref<10240x128xf32, #tpu.memory_space<vmem_shared>>) offsets(%arg16 : memref<40xi32, #tpu.memory_space<vmem>>) semaphore(%arg41 : memref<!tpu.dma_semaphore, #tpu.memory_space<semaphore_mem>>) {add = true}
      %add3A_278 = arith.constant 10 : i32
      %add3A_279 = arith.addi %add3A_251, %add3A_278 : i32
      %sub3A_280 = arith.constant 1 : i32
      %sub3A_281 = arith.subi %add3A_279, %sub3A_280 : i32
      %lt3A_282 = arith.constant 500 : i32
      %lt3A_283 = arith.cmpi slt, %sub3A_281, %lt3A_282 : i32
      %convert_element_type3A_284 = arith.extui %lt3A_283 : i1 to i32
      %cond3A_285 = arith.constant 0 : i32
      %cond3A_286 = arith.cmpi ne, %convert_element_type3A_284, %cond3A_285 : i32
      scf.if %cond3A_286 {
        %add3A_521 = arith.constant 10 : i32
        %add3A_522 = arith.addi %add3A_251, %add3A_521 : i32
        %sub3A_523 = arith.constant 1 : i32
        %sub3A_524 = arith.subi %add3A_522, %sub3A_523 : i32
        %mul3A_525 = arith.constant 40 : i32
        %mul3A_526 = arith.muli %sub3A_524, %mul3A_525 : i32
        %add3A_527 = arith.addi %add3A, %mul3A_526 : i32
        %dma_start3A_528 = tpu.memref_slice %arg4[%add3A_527] : memref<640000xi32, #tpu.memory_space<hbm>> -> memref<40xi32, #tpu.memory_space<hbm>>
        %dma_start3A_529 = tpu.memref_slice %arg4[%add3A_527] : memref<640000xi32, #tpu.memory_space<hbm>> -> memref<40xi32, #tpu.memory_space<hbm>>
        tpu.enqueue_dma source(%dma_start3A_529 : memref<40xi32, #tpu.memory_space<hbm>>) target(%arg15 : memref<40xi32, #tpu.memory_space<vmem>>) target_semaphore(%arg45 : memref<!tpu.dma_semaphore, #tpu.memory_space<semaphore_mem>>)
        %mul3A_530 = arith.constant 40 : i32
        %mul3A_531 = arith.muli %sub3A_524, %mul3A_530 : i32
        %add3A_532 = arith.addi %add3A, %mul3A_531 : i32
        %dma_start3A_533 = tpu.memref_slice %arg3[%add3A_532] : memref<640000xi32, #tpu.memory_space<hbm>> -> memref<40xi32, #tpu.memory_space<hbm>>
        %dma_start3A_534 = tpu.memref_slice %arg3[%add3A_532] : memref<640000xi32, #tpu.memory_space<hbm>> -> memref<40xi32, #tpu.memory_space<hbm>>
        tpu.enqueue_dma source(%dma_start3A_534 : memref<40xi32, #tpu.memory_space<hbm>>) target(%arg25 : memref<40xi32, #tpu.memory_space<vmem>>) target_semaphore(%arg55 : memref<!tpu.dma_semaphore, #tpu.memory_space<semaphore_mem>>)
      } else {
      }
      %mul3A_287 = arith.constant 10 : i32
      %mul3A_288 = arith.muli %scan3A_135, %mul3A_287 : i32
      %add3A_289 = arith.constant 4 : i32
      %add3A_290 = arith.addi %mul3A_288, %add3A_289 : i32
      %add3A_291 = arith.constant 4 : i32
      %add3A_292 = arith.addi %add3A_290, %add3A_291 : i32
      %lt3A_293 = arith.constant 500 : i32
      %lt3A_294 = arith.cmpi slt, %add3A_292, %lt3A_293 : i32
      %convert_element_type3A_295 = arith.extui %lt3A_294 : i1 to i32
      %cond3A_296 = arith.constant 0 : i32
      %cond3A_297 = arith.cmpi ne, %convert_element_type3A_295, %cond3A_296 : i32
      scf.if %cond3A_297 {
        %dma_wait3A_521 = arith.constant 0 : i32
        %dma_wait3A_522 = tpu.memref_slice %arg4[%dma_wait3A_521] : memref<640000xi32, #tpu.memory_space<hbm>> -> memref<40xi32, #tpu.memory_space<hbm>>
        %dma_wait3A_523 = arith.constant 0 : i32
        %dma_wait3A_524 = tpu.memref_slice %arg4[%dma_wait3A_523] : memref<640000xi32, #tpu.memory_space<hbm>> -> memref<40xi32, #tpu.memory_space<hbm>>
        tpu.wait_dma2 semaphore(%arg51 : memref<!tpu.dma_semaphore, #tpu.memory_space<semaphore_mem>>) src(%dma_wait3A_524 : memref<40xi32, #tpu.memory_space<hbm>>) dst(%arg21 : memref<40xi32, #tpu.memory_space<vmem>>)
        %dma_wait3A_525 = arith.constant 0 : i32
        %dma_wait3A_526 = tpu.memref_slice %arg4[%dma_wait3A_525] : memref<640000xi32, #tpu.memory_space<hbm>> -> memref<40xi32, #tpu.memory_space<hbm>>
        %dma_wait3A_527 = arith.constant 0 : i32
        %dma_wait3A_528 = tpu.memref_slice %arg4[%dma_wait3A_527] : memref<640000xi32, #tpu.memory_space<hbm>> -> memref<40xi32, #tpu.memory_space<hbm>>
        tpu.wait_dma2 semaphore(%arg61 : memref<!tpu.dma_semaphore, #tpu.memory_space<semaphore_mem>>) src(%dma_wait3A_528 : memref<40xi32, #tpu.memory_space<hbm>>) dst(%arg31 : memref<40xi32, #tpu.memory_space<vmem>>)
      } else {
      }
      %ge3A_298 = arith.constant 1 : i32
      %ge3A_299 = arith.cmpi sge, %add3A_290, %ge3A_298 : i32
      %convert_element_type3A_300 = arith.extui %ge3A_299 : i1 to i32
      %cond3A_301 = arith.constant 0 : i32
      %cond3A_302 = arith.cmpi ne, %convert_element_type3A_300, %cond3A_301 : i32
      scf.if %cond3A_302 {
        %dma_wait3A_521 = arith.constant 0 : i32
        %dma_wait3A_522 = arith.constant 0 : i32
        %dma_wait3A_523 = tpu.memref_slice %arg2[%dma_wait3A_521, %dma_wait3A_522] : memref<10000x128xf32, #tpu.memory_space<hbm>> -> memref<40x128xf32, #tpu.memory_space<hbm>>
        %dma_wait3A_524 = arith.constant 0 : i32
        %dma_wait3A_525 = arith.constant 0 : i32
        %dma_wait3A_526 = tpu.memref_slice %arg2[%dma_wait3A_524, %dma_wait3A_525] : memref<10000x128xf32, #tpu.memory_space<hbm>> -> memref<40x128xf32, #tpu.memory_space<hbm>>
        tpu.wait_dma2 semaphore(%arg41 : memref<!tpu.dma_semaphore, #tpu.memory_space<semaphore_mem>>) src(%dma_wait3A_526 : memref<40x128xf32, #tpu.memory_space<hbm>>) dst(%arg11 : memref<40x128xf32, #tpu.memory_space<vmem>>)
      } else {
      }
      %lt3A_303 = arith.constant 500 : i32
      %lt3A_304 = arith.cmpi slt, %add3A_292, %lt3A_303 : i32
      %convert_element_type3A_305 = arith.extui %lt3A_304 : i1 to i32
      %cond3A_306 = arith.constant 0 : i32
      %cond3A_307 = arith.cmpi ne, %convert_element_type3A_305, %cond3A_306 : i32
      scf.if %cond3A_307 {
        %dma_start3A_521 = arith.constant 0 : i32
        %dma_start3A_522 = arith.constant 0 : i32
        %dma_start3A_523 = tpu.memref_slice %arg2[%dma_start3A_521, %dma_start3A_522] : memref<10000x128xf32, #tpu.memory_space<hbm>> -> memref<10000x128xf32, #tpu.memory_space<hbm>>
        tpu.enqueue_indirect_dma source(%dma_start3A_523 : memref<10000x128xf32, #tpu.memory_space<hbm>>) target(%arg11 : memref<40x128xf32, #tpu.memory_space<vmem>>) offsets(%arg31 : memref<40xi32, #tpu.memory_space<vmem>>) semaphore(%arg36 : memref<!tpu.dma_semaphore, #tpu.memory_space<semaphore_mem>>)
      } else {
      }
      %dma_wait3A_308 = arith.constant 0 : i32
      %dma_wait3A_309 = arith.constant 0 : i32
      %dma_wait3A_310 = tpu.memref_slice %arg2[%dma_wait3A_308, %dma_wait3A_309] : memref<10000x128xf32, #tpu.memory_space<hbm>> -> memref<40x128xf32, #tpu.memory_space<hbm>>
      %dma_wait3A_311 = arith.constant 0 : i32
      %dma_wait3A_312 = arith.constant 0 : i32
      %dma_wait3A_313 = tpu.memref_slice %arg2[%dma_wait3A_311, %dma_wait3A_312] : memref<10000x128xf32, #tpu.memory_space<hbm>> -> memref<40x128xf32, #tpu.memory_space<hbm>>
      tpu.wait_dma2 semaphore(%arg37 : memref<!tpu.dma_semaphore, #tpu.memory_space<semaphore_mem>>) src(%dma_wait3A_313 : memref<40x128xf32, #tpu.memory_space<hbm>>) dst(%arg12 : memref<40x128xf32, #tpu.memory_space<vmem>>)
      %dma_start3A_314 = arith.constant 0 : i32
      %dma_start3A_315 = arith.constant 0 : i32
      %dma_start3A_316 = tpu.memref_slice %arg7[%dma_start3A_314, %dma_start3A_315] : memref<10240x128xf32, #tpu.memory_space<vmem_shared>> -> memref<10240x128xf32, #tpu.memory_space<vmem_shared>>
      tpu.enqueue_indirect_dma source(%arg12 : memref<40x128xf32, #tpu.memory_space<vmem>>) target(%dma_start3A_316 : memref<10240x128xf32, #tpu.memory_space<vmem_shared>>) offsets(%arg17 : memref<40xi32, #tpu.memory_space<vmem>>) semaphore(%arg42 : memref<!tpu.dma_semaphore, #tpu.memory_space<semaphore_mem>>) {add = true}
      %add3A_317 = arith.constant 10 : i32
      %add3A_318 = arith.addi %add3A_290, %add3A_317 : i32
      %sub3A_319 = arith.constant 1 : i32
      %sub3A_320 = arith.subi %add3A_318, %sub3A_319 : i32
      %lt3A_321 = arith.constant 500 : i32
      %lt3A_322 = arith.cmpi slt, %sub3A_320, %lt3A_321 : i32
      %convert_element_type3A_323 = arith.extui %lt3A_322 : i1 to i32
      %cond3A_324 = arith.constant 0 : i32
      %cond3A_325 = arith.cmpi ne, %convert_element_type3A_323, %cond3A_324 : i32
      scf.if %cond3A_325 {
        %add3A_521 = arith.constant 10 : i32
        %add3A_522 = arith.addi %add3A_290, %add3A_521 : i32
        %sub3A_523 = arith.constant 1 : i32
        %sub3A_524 = arith.subi %add3A_522, %sub3A_523 : i32
        %mul3A_525 = arith.constant 40 : i32
        %mul3A_526 = arith.muli %sub3A_524, %mul3A_525 : i32
        %add3A_527 = arith.addi %add3A, %mul3A_526 : i32
        %dma_start3A_528 = tpu.memref_slice %arg4[%add3A_527] : memref<640000xi32, #tpu.memory_space<hbm>> -> memref<40xi32, #tpu.memory_space<hbm>>
        %dma_start3A_529 = tpu.memref_slice %arg4[%add3A_527] : memref<640000xi32, #tpu.memory_space<hbm>> -> memref<40xi32, #tpu.memory_space<hbm>>
        tpu.enqueue_dma source(%dma_start3A_529 : memref<40xi32, #tpu.memory_space<hbm>>) target(%arg16 : memref<40xi32, #tpu.memory_space<vmem>>) target_semaphore(%arg46 : memref<!tpu.dma_semaphore, #tpu.memory_space<semaphore_mem>>)
        %mul3A_530 = arith.constant 40 : i32
        %mul3A_531 = arith.muli %sub3A_524, %mul3A_530 : i32
        %add3A_532 = arith.addi %add3A, %mul3A_531 : i32
        %dma_start3A_533 = tpu.memref_slice %arg3[%add3A_532] : memref<640000xi32, #tpu.memory_space<hbm>> -> memref<40xi32, #tpu.memory_space<hbm>>
        %dma_start3A_534 = tpu.memref_slice %arg3[%add3A_532] : memref<640000xi32, #tpu.memory_space<hbm>> -> memref<40xi32, #tpu.memory_space<hbm>>
        tpu.enqueue_dma source(%dma_start3A_534 : memref<40xi32, #tpu.memory_space<hbm>>) target(%arg26 : memref<40xi32, #tpu.memory_space<vmem>>) target_semaphore(%arg56 : memref<!tpu.dma_semaphore, #tpu.memory_space<semaphore_mem>>)
      } else {
      }
      %mul3A_326 = arith.constant 10 : i32
      %mul3A_327 = arith.muli %scan3A_135, %mul3A_326 : i32
      %add3A_328 = arith.constant 5 : i32
      %add3A_329 = arith.addi %mul3A_327, %add3A_328 : i32
      %add3A_330 = arith.constant 4 : i32
      %add3A_331 = arith.addi %add3A_329, %add3A_330 : i32
      %lt3A_332 = arith.constant 500 : i32
      %lt3A_333 = arith.cmpi slt, %add3A_331, %lt3A_332 : i32
      %convert_element_type3A_334 = arith.extui %lt3A_333 : i1 to i32
      %cond3A_335 = arith.constant 0 : i32
      %cond3A_336 = arith.cmpi ne, %convert_element_type3A_334, %cond3A_335 : i32
      scf.if %cond3A_336 {
        %dma_wait3A_521 = arith.constant 0 : i32
        %dma_wait3A_522 = tpu.memref_slice %arg4[%dma_wait3A_521] : memref<640000xi32, #tpu.memory_space<hbm>> -> memref<40xi32, #tpu.memory_space<hbm>>
        %dma_wait3A_523 = arith.constant 0 : i32
        %dma_wait3A_524 = tpu.memref_slice %arg4[%dma_wait3A_523] : memref<640000xi32, #tpu.memory_space<hbm>> -> memref<40xi32, #tpu.memory_space<hbm>>
        tpu.wait_dma2 semaphore(%arg52 : memref<!tpu.dma_semaphore, #tpu.memory_space<semaphore_mem>>) src(%dma_wait3A_524 : memref<40xi32, #tpu.memory_space<hbm>>) dst(%arg22 : memref<40xi32, #tpu.memory_space<vmem>>)
        %dma_wait3A_525 = arith.constant 0 : i32
        %dma_wait3A_526 = tpu.memref_slice %arg4[%dma_wait3A_525] : memref<640000xi32, #tpu.memory_space<hbm>> -> memref<40xi32, #tpu.memory_space<hbm>>
        %dma_wait3A_527 = arith.constant 0 : i32
        %dma_wait3A_528 = tpu.memref_slice %arg4[%dma_wait3A_527] : memref<640000xi32, #tpu.memory_space<hbm>> -> memref<40xi32, #tpu.memory_space<hbm>>
        tpu.wait_dma2 semaphore(%arg62 : memref<!tpu.dma_semaphore, #tpu.memory_space<semaphore_mem>>) src(%dma_wait3A_528 : memref<40xi32, #tpu.memory_space<hbm>>) dst(%arg32 : memref<40xi32, #tpu.memory_space<vmem>>)
      } else {
      }
      %ge3A_337 = arith.constant 1 : i32
      %ge3A_338 = arith.cmpi sge, %add3A_329, %ge3A_337 : i32
      %convert_element_type3A_339 = arith.extui %ge3A_338 : i1 to i32
      %cond3A_340 = arith.constant 0 : i32
      %cond3A_341 = arith.cmpi ne, %convert_element_type3A_339, %cond3A_340 : i32
      scf.if %cond3A_341 {
        %dma_wait3A_521 = arith.constant 0 : i32
        %dma_wait3A_522 = arith.constant 0 : i32
        %dma_wait3A_523 = tpu.memref_slice %arg2[%dma_wait3A_521, %dma_wait3A_522] : memref<10000x128xf32, #tpu.memory_space<hbm>> -> memref<40x128xf32, #tpu.memory_space<hbm>>
        %dma_wait3A_524 = arith.constant 0 : i32
        %dma_wait3A_525 = arith.constant 0 : i32
        %dma_wait3A_526 = tpu.memref_slice %arg2[%dma_wait3A_524, %dma_wait3A_525] : memref<10000x128xf32, #tpu.memory_space<hbm>> -> memref<40x128xf32, #tpu.memory_space<hbm>>
        tpu.wait_dma2 semaphore(%arg42 : memref<!tpu.dma_semaphore, #tpu.memory_space<semaphore_mem>>) src(%dma_wait3A_526 : memref<40x128xf32, #tpu.memory_space<hbm>>) dst(%arg12 : memref<40x128xf32, #tpu.memory_space<vmem>>)
      } else {
      }
      %lt3A_342 = arith.constant 500 : i32
      %lt3A_343 = arith.cmpi slt, %add3A_331, %lt3A_342 : i32
      %convert_element_type3A_344 = arith.extui %lt3A_343 : i1 to i32
      %cond3A_345 = arith.constant 0 : i32
      %cond3A_346 = arith.cmpi ne, %convert_element_type3A_344, %cond3A_345 : i32
      scf.if %cond3A_346 {
        %dma_start3A_521 = arith.constant 0 : i32
        %dma_start3A_522 = arith.constant 0 : i32
        %dma_start3A_523 = tpu.memref_slice %arg2[%dma_start3A_521, %dma_start3A_522] : memref<10000x128xf32, #tpu.memory_space<hbm>> -> memref<10000x128xf32, #tpu.memory_space<hbm>>
        tpu.enqueue_indirect_dma source(%dma_start3A_523 : memref<10000x128xf32, #tpu.memory_space<hbm>>) target(%arg12 : memref<40x128xf32, #tpu.memory_space<vmem>>) offsets(%arg32 : memref<40xi32, #tpu.memory_space<vmem>>) semaphore(%arg37 : memref<!tpu.dma_semaphore, #tpu.memory_space<semaphore_mem>>)
      } else {
      }
      %dma_wait3A_347 = arith.constant 0 : i32
      %dma_wait3A_348 = arith.constant 0 : i32
      %dma_wait3A_349 = tpu.memref_slice %arg2[%dma_wait3A_347, %dma_wait3A_348] : memref<10000x128xf32, #tpu.memory_space<hbm>> -> memref<40x128xf32, #tpu.memory_space<hbm>>
      %dma_wait3A_350 = arith.constant 0 : i32
      %dma_wait3A_351 = arith.constant 0 : i32
      %dma_wait3A_352 = tpu.memref_slice %arg2[%dma_wait3A_350, %dma_wait3A_351] : memref<10000x128xf32, #tpu.memory_space<hbm>> -> memref<40x128xf32, #tpu.memory_space<hbm>>
      tpu.wait_dma2 semaphore(%arg33 : memref<!tpu.dma_semaphore, #tpu.memory_space<semaphore_mem>>) src(%dma_wait3A_352 : memref<40x128xf32, #tpu.memory_space<hbm>>) dst(%arg8 : memref<40x128xf32, #tpu.memory_space<vmem>>)
      %dma_start3A_353 = arith.constant 0 : i32
      %dma_start3A_354 = arith.constant 0 : i32
      %dma_start3A_355 = tpu.memref_slice %arg7[%dma_start3A_353, %dma_start3A_354] : memref<10240x128xf32, #tpu.memory_space<vmem_shared>> -> memref<10240x128xf32, #tpu.memory_space<vmem_shared>>
      tpu.enqueue_indirect_dma source(%arg8 : memref<40x128xf32, #tpu.memory_space<vmem>>) target(%dma_start3A_355 : memref<10240x128xf32, #tpu.memory_space<vmem_shared>>) offsets(%arg18 : memref<40xi32, #tpu.memory_space<vmem>>) semaphore(%arg38 : memref<!tpu.dma_semaphore, #tpu.memory_space<semaphore_mem>>) {add = true}
      %add3A_356 = arith.constant 10 : i32
      %add3A_357 = arith.addi %add3A_329, %add3A_356 : i32
      %sub3A_358 = arith.constant 1 : i32
      %sub3A_359 = arith.subi %add3A_357, %sub3A_358 : i32
      %lt3A_360 = arith.constant 500 : i32
      %lt3A_361 = arith.cmpi slt, %sub3A_359, %lt3A_360 : i32
      %convert_element_type3A_362 = arith.extui %lt3A_361 : i1 to i32
      %cond3A_363 = arith.constant 0 : i32
      %cond3A_364 = arith.cmpi ne, %convert_element_type3A_362, %cond3A_363 : i32
      scf.if %cond3A_364 {
        %add3A_521 = arith.constant 10 : i32
        %add3A_522 = arith.addi %add3A_329, %add3A_521 : i32
        %sub3A_523 = arith.constant 1 : i32
        %sub3A_524 = arith.subi %add3A_522, %sub3A_523 : i32
        %mul3A_525 = arith.constant 40 : i32
        %mul3A_526 = arith.muli %sub3A_524, %mul3A_525 : i32
        %add3A_527 = arith.addi %add3A, %mul3A_526 : i32
        %dma_start3A_528 = tpu.memref_slice %arg4[%add3A_527] : memref<640000xi32, #tpu.memory_space<hbm>> -> memref<40xi32, #tpu.memory_space<hbm>>
        %dma_start3A_529 = tpu.memref_slice %arg4[%add3A_527] : memref<640000xi32, #tpu.memory_space<hbm>> -> memref<40xi32, #tpu.memory_space<hbm>>
        tpu.enqueue_dma source(%dma_start3A_529 : memref<40xi32, #tpu.memory_space<hbm>>) target(%arg17 : memref<40xi32, #tpu.memory_space<vmem>>) target_semaphore(%arg47 : memref<!tpu.dma_semaphore, #tpu.memory_space<semaphore_mem>>)
        %mul3A_530 = arith.constant 40 : i32
        %mul3A_531 = arith.muli %sub3A_524, %mul3A_530 : i32
        %add3A_532 = arith.addi %add3A, %mul3A_531 : i32
        %dma_start3A_533 = tpu.memref_slice %arg3[%add3A_532] : memref<640000xi32, #tpu.memory_space<hbm>> -> memref<40xi32, #tpu.memory_space<hbm>>
        %dma_start3A_534 = tpu.memref_slice %arg3[%add3A_532] : memref<640000xi32, #tpu.memory_space<hbm>> -> memref<40xi32, #tpu.memory_space<hbm>>
        tpu.enqueue_dma source(%dma_start3A_534 : memref<40xi32, #tpu.memory_space<hbm>>) target(%arg27 : memref<40xi32, #tpu.memory_space<vmem>>) target_semaphore(%arg57 : memref<!tpu.dma_semaphore, #tpu.memory_space<semaphore_mem>>)
      } else {
      }
      %mul3A_365 = arith.constant 10 : i32
      %mul3A_366 = arith.muli %scan3A_135, %mul3A_365 : i32
      %add3A_367 = arith.constant 6 : i32
      %add3A_368 = arith.addi %mul3A_366, %add3A_367 : i32
      %add3A_369 = arith.constant 4 : i32
      %add3A_370 = arith.addi %add3A_368, %add3A_369 : i32
      %lt3A_371 = arith.constant 500 : i32
      %lt3A_372 = arith.cmpi slt, %add3A_370, %lt3A_371 : i32
      %convert_element_type3A_373 = arith.extui %lt3A_372 : i1 to i32
      %cond3A_374 = arith.constant 0 : i32
      %cond3A_375 = arith.cmpi ne, %convert_element_type3A_373, %cond3A_374 : i32
      scf.if %cond3A_375 {
        %dma_wait3A_521 = arith.constant 0 : i32
        %dma_wait3A_522 = tpu.memref_slice %arg4[%dma_wait3A_521] : memref<640000xi32, #tpu.memory_space<hbm>> -> memref<40xi32, #tpu.memory_space<hbm>>
        %dma_wait3A_523 = arith.constant 0 : i32
        %dma_wait3A_524 = tpu.memref_slice %arg4[%dma_wait3A_523] : memref<640000xi32, #tpu.memory_space<hbm>> -> memref<40xi32, #tpu.memory_space<hbm>>
        tpu.wait_dma2 semaphore(%arg43 : memref<!tpu.dma_semaphore, #tpu.memory_space<semaphore_mem>>) src(%dma_wait3A_524 : memref<40xi32, #tpu.memory_space<hbm>>) dst(%arg13 : memref<40xi32, #tpu.memory_space<vmem>>)
        %dma_wait3A_525 = arith.constant 0 : i32
        %dma_wait3A_526 = tpu.memref_slice %arg4[%dma_wait3A_525] : memref<640000xi32, #tpu.memory_space<hbm>> -> memref<40xi32, #tpu.memory_space<hbm>>
        %dma_wait3A_527 = arith.constant 0 : i32
        %dma_wait3A_528 = tpu.memref_slice %arg4[%dma_wait3A_527] : memref<640000xi32, #tpu.memory_space<hbm>> -> memref<40xi32, #tpu.memory_space<hbm>>
        tpu.wait_dma2 semaphore(%arg53 : memref<!tpu.dma_semaphore, #tpu.memory_space<semaphore_mem>>) src(%dma_wait3A_528 : memref<40xi32, #tpu.memory_space<hbm>>) dst(%arg23 : memref<40xi32, #tpu.memory_space<vmem>>)
      } else {
      }
      %ge3A_376 = arith.constant 1 : i32
      %ge3A_377 = arith.cmpi sge, %add3A_368, %ge3A_376 : i32
      %convert_element_type3A_378 = arith.extui %ge3A_377 : i1 to i32
      %cond3A_379 = arith.constant 0 : i32
      %cond3A_380 = arith.cmpi ne, %convert_element_type3A_378, %cond3A_379 : i32
      scf.if %cond3A_380 {
        %dma_wait3A_521 = arith.constant 0 : i32
        %dma_wait3A_522 = arith.constant 0 : i32
        %dma_wait3A_523 = tpu.memref_slice %arg2[%dma_wait3A_521, %dma_wait3A_522] : memref<10000x128xf32, #tpu.memory_space<hbm>> -> memref<40x128xf32, #tpu.memory_space<hbm>>
        %dma_wait3A_524 = arith.constant 0 : i32
        %dma_wait3A_525 = arith.constant 0 : i32
        %dma_wait3A_526 = tpu.memref_slice %arg2[%dma_wait3A_524, %dma_wait3A_525] : memref<10000x128xf32, #tpu.memory_space<hbm>> -> memref<40x128xf32, #tpu.memory_space<hbm>>
        tpu.wait_dma2 semaphore(%arg38 : memref<!tpu.dma_semaphore, #tpu.memory_space<semaphore_mem>>) src(%dma_wait3A_526 : memref<40x128xf32, #tpu.memory_space<hbm>>) dst(%arg8 : memref<40x128xf32, #tpu.memory_space<vmem>>)
      } else {
      }
      %lt3A_381 = arith.constant 500 : i32
      %lt3A_382 = arith.cmpi slt, %add3A_370, %lt3A_381 : i32
      %convert_element_type3A_383 = arith.extui %lt3A_382 : i1 to i32
      %cond3A_384 = arith.constant 0 : i32
      %cond3A_385 = arith.cmpi ne, %convert_element_type3A_383, %cond3A_384 : i32
      scf.if %cond3A_385 {
        %dma_start3A_521 = arith.constant 0 : i32
        %dma_start3A_522 = arith.constant 0 : i32
        %dma_start3A_523 = tpu.memref_slice %arg2[%dma_start3A_521, %dma_start3A_522] : memref<10000x128xf32, #tpu.memory_space<hbm>> -> memref<10000x128xf32, #tpu.memory_space<hbm>>
        tpu.enqueue_indirect_dma source(%dma_start3A_523 : memref<10000x128xf32, #tpu.memory_space<hbm>>) target(%arg8 : memref<40x128xf32, #tpu.memory_space<vmem>>) offsets(%arg23 : memref<40xi32, #tpu.memory_space<vmem>>) semaphore(%arg33 : memref<!tpu.dma_semaphore, #tpu.memory_space<semaphore_mem>>)
      } else {
      }
      %dma_wait3A_386 = arith.constant 0 : i32
      %dma_wait3A_387 = arith.constant 0 : i32
      %dma_wait3A_388 = tpu.memref_slice %arg2[%dma_wait3A_386, %dma_wait3A_387] : memref<10000x128xf32, #tpu.memory_space<hbm>> -> memref<40x128xf32, #tpu.memory_space<hbm>>
      %dma_wait3A_389 = arith.constant 0 : i32
      %dma_wait3A_390 = arith.constant 0 : i32
      %dma_wait3A_391 = tpu.memref_slice %arg2[%dma_wait3A_389, %dma_wait3A_390] : memref<10000x128xf32, #tpu.memory_space<hbm>> -> memref<40x128xf32, #tpu.memory_space<hbm>>
      tpu.wait_dma2 semaphore(%arg34 : memref<!tpu.dma_semaphore, #tpu.memory_space<semaphore_mem>>) src(%dma_wait3A_391 : memref<40x128xf32, #tpu.memory_space<hbm>>) dst(%arg9 : memref<40x128xf32, #tpu.memory_space<vmem>>)
      %dma_start3A_392 = arith.constant 0 : i32
      %dma_start3A_393 = arith.constant 0 : i32
      %dma_start3A_394 = tpu.memref_slice %arg7[%dma_start3A_392, %dma_start3A_393] : memref<10240x128xf32, #tpu.memory_space<vmem_shared>> -> memref<10240x128xf32, #tpu.memory_space<vmem_shared>>
      tpu.enqueue_indirect_dma source(%arg9 : memref<40x128xf32, #tpu.memory_space<vmem>>) target(%dma_start3A_394 : memref<10240x128xf32, #tpu.memory_space<vmem_shared>>) offsets(%arg19 : memref<40xi32, #tpu.memory_space<vmem>>) semaphore(%arg39 : memref<!tpu.dma_semaphore, #tpu.memory_space<semaphore_mem>>) {add = true}
      %add3A_395 = arith.constant 10 : i32
      %add3A_396 = arith.addi %add3A_368, %add3A_395 : i32
      %sub3A_397 = arith.constant 1 : i32
      %sub3A_398 = arith.subi %add3A_396, %sub3A_397 : i32
      %lt3A_399 = arith.constant 500 : i32
      %lt3A_400 = arith.cmpi slt, %sub3A_398, %lt3A_399 : i32
      %convert_element_type3A_401 = arith.extui %lt3A_400 : i1 to i32
      %cond3A_402 = arith.constant 0 : i32
      %cond3A_403 = arith.cmpi ne, %convert_element_type3A_401, %cond3A_402 : i32
      scf.if %cond3A_403 {
        %add3A_521 = arith.constant 10 : i32
        %add3A_522 = arith.addi %add3A_368, %add3A_521 : i32
        %sub3A_523 = arith.constant 1 : i32
        %sub3A_524 = arith.subi %add3A_522, %sub3A_523 : i32
        %mul3A_525 = arith.constant 40 : i32
        %mul3A_526 = arith.muli %sub3A_524, %mul3A_525 : i32
        %add3A_527 = arith.addi %add3A, %mul3A_526 : i32
        %dma_start3A_528 = tpu.memref_slice %arg4[%add3A_527] : memref<640000xi32, #tpu.memory_space<hbm>> -> memref<40xi32, #tpu.memory_space<hbm>>
        %dma_start3A_529 = tpu.memref_slice %arg4[%add3A_527] : memref<640000xi32, #tpu.memory_space<hbm>> -> memref<40xi32, #tpu.memory_space<hbm>>
        tpu.enqueue_dma source(%dma_start3A_529 : memref<40xi32, #tpu.memory_space<hbm>>) target(%arg18 : memref<40xi32, #tpu.memory_space<vmem>>) target_semaphore(%arg48 : memref<!tpu.dma_semaphore, #tpu.memory_space<semaphore_mem>>)
        %mul3A_530 = arith.constant 40 : i32
        %mul3A_531 = arith.muli %sub3A_524, %mul3A_530 : i32
        %add3A_532 = arith.addi %add3A, %mul3A_531 : i32
        %dma_start3A_533 = tpu.memref_slice %arg3[%add3A_532] : memref<640000xi32, #tpu.memory_space<hbm>> -> memref<40xi32, #tpu.memory_space<hbm>>
        %dma_start3A_534 = tpu.memref_slice %arg3[%add3A_532] : memref<640000xi32, #tpu.memory_space<hbm>> -> memref<40xi32, #tpu.memory_space<hbm>>
        tpu.enqueue_dma source(%dma_start3A_534 : memref<40xi32, #tpu.memory_space<hbm>>) target(%arg28 : memref<40xi32, #tpu.memory_space<vmem>>) target_semaphore(%arg58 : memref<!tpu.dma_semaphore, #tpu.memory_space<semaphore_mem>>)
      } else {
      }
      %mul3A_404 = arith.constant 10 : i32
      %mul3A_405 = arith.muli %scan3A_135, %mul3A_404 : i32
      %add3A_406 = arith.constant 7 : i32
      %add3A_407 = arith.addi %mul3A_405, %add3A_406 : i32
      %add3A_408 = arith.constant 4 : i32
      %add3A_409 = arith.addi %add3A_407, %add3A_408 : i32
      %lt3A_410 = arith.constant 500 : i32
      %lt3A_411 = arith.cmpi slt, %add3A_409, %lt3A_410 : i32
      %convert_element_type3A_412 = arith.extui %lt3A_411 : i1 to i32
      %cond3A_413 = arith.constant 0 : i32
      %cond3A_414 = arith.cmpi ne, %convert_element_type3A_412, %cond3A_413 : i32
      scf.if %cond3A_414 {
        %dma_wait3A_521 = arith.constant 0 : i32
        %dma_wait3A_522 = tpu.memref_slice %arg4[%dma_wait3A_521] : memref<640000xi32, #tpu.memory_space<hbm>> -> memref<40xi32, #tpu.memory_space<hbm>>
        %dma_wait3A_523 = arith.constant 0 : i32
        %dma_wait3A_524 = tpu.memref_slice %arg4[%dma_wait3A_523] : memref<640000xi32, #tpu.memory_space<hbm>> -> memref<40xi32, #tpu.memory_space<hbm>>
        tpu.wait_dma2 semaphore(%arg44 : memref<!tpu.dma_semaphore, #tpu.memory_space<semaphore_mem>>) src(%dma_wait3A_524 : memref<40xi32, #tpu.memory_space<hbm>>) dst(%arg14 : memref<40xi32, #tpu.memory_space<vmem>>)
        %dma_wait3A_525 = arith.constant 0 : i32
        %dma_wait3A_526 = tpu.memref_slice %arg4[%dma_wait3A_525] : memref<640000xi32, #tpu.memory_space<hbm>> -> memref<40xi32, #tpu.memory_space<hbm>>
        %dma_wait3A_527 = arith.constant 0 : i32
        %dma_wait3A_528 = tpu.memref_slice %arg4[%dma_wait3A_527] : memref<640000xi32, #tpu.memory_space<hbm>> -> memref<40xi32, #tpu.memory_space<hbm>>
        tpu.wait_dma2 semaphore(%arg54 : memref<!tpu.dma_semaphore, #tpu.memory_space<semaphore_mem>>) src(%dma_wait3A_528 : memref<40xi32, #tpu.memory_space<hbm>>) dst(%arg24 : memref<40xi32, #tpu.memory_space<vmem>>)
      } else {
      }
      %ge3A_415 = arith.constant 1 : i32
      %ge3A_416 = arith.cmpi sge, %add3A_407, %ge3A_415 : i32
      %convert_element_type3A_417 = arith.extui %ge3A_416 : i1 to i32
      %cond3A_418 = arith.constant 0 : i32
      %cond3A_419 = arith.cmpi ne, %convert_element_type3A_417, %cond3A_418 : i32
      scf.if %cond3A_419 {
        %dma_wait3A_521 = arith.constant 0 : i32
        %dma_wait3A_522 = arith.constant 0 : i32
        %dma_wait3A_523 = tpu.memref_slice %arg2[%dma_wait3A_521, %dma_wait3A_522] : memref<10000x128xf32, #tpu.memory_space<hbm>> -> memref<40x128xf32, #tpu.memory_space<hbm>>
        %dma_wait3A_524 = arith.constant 0 : i32
        %dma_wait3A_525 = arith.constant 0 : i32
        %dma_wait3A_526 = tpu.memref_slice %arg2[%dma_wait3A_524, %dma_wait3A_525] : memref<10000x128xf32, #tpu.memory_space<hbm>> -> memref<40x128xf32, #tpu.memory_space<hbm>>
        tpu.wait_dma2 semaphore(%arg39 : memref<!tpu.dma_semaphore, #tpu.memory_space<semaphore_mem>>) src(%dma_wait3A_526 : memref<40x128xf32, #tpu.memory_space<hbm>>) dst(%arg9 : memref<40x128xf32, #tpu.memory_space<vmem>>)
      } else {
      }
      %lt3A_420 = arith.constant 500 : i32
      %lt3A_421 = arith.cmpi slt, %add3A_409, %lt3A_420 : i32
      %convert_element_type3A_422 = arith.extui %lt3A_421 : i1 to i32
      %cond3A_423 = arith.constant 0 : i32
      %cond3A_424 = arith.cmpi ne, %convert_element_type3A_422, %cond3A_423 : i32
      scf.if %cond3A_424 {
        %dma_start3A_521 = arith.constant 0 : i32
        %dma_start3A_522 = arith.constant 0 : i32
        %dma_start3A_523 = tpu.memref_slice %arg2[%dma_start3A_521, %dma_start3A_522] : memref<10000x128xf32, #tpu.memory_space<hbm>> -> memref<10000x128xf32, #tpu.memory_space<hbm>>
        tpu.enqueue_indirect_dma source(%dma_start3A_523 : memref<10000x128xf32, #tpu.memory_space<hbm>>) target(%arg9 : memref<40x128xf32, #tpu.memory_space<vmem>>) offsets(%arg24 : memref<40xi32, #tpu.memory_space<vmem>>) semaphore(%arg34 : memref<!tpu.dma_semaphore, #tpu.memory_space<semaphore_mem>>)
      } else {
      }
      %dma_wait3A_425 = arith.constant 0 : i32
      %dma_wait3A_426 = arith.constant 0 : i32
      %dma_wait3A_427 = tpu.memref_slice %arg2[%dma_wait3A_425, %dma_wait3A_426] : memref<10000x128xf32, #tpu.memory_space<hbm>> -> memref<40x128xf32, #tpu.memory_space<hbm>>
      %dma_wait3A_428 = arith.constant 0 : i32
      %dma_wait3A_429 = arith.constant 0 : i32
      %dma_wait3A_430 = tpu.memref_slice %arg2[%dma_wait3A_428, %dma_wait3A_429] : memref<10000x128xf32, #tpu.memory_space<hbm>> -> memref<40x128xf32, #tpu.memory_space<hbm>>
      tpu.wait_dma2 semaphore(%arg35 : memref<!tpu.dma_semaphore, #tpu.memory_space<semaphore_mem>>) src(%dma_wait3A_430 : memref<40x128xf32, #tpu.memory_space<hbm>>) dst(%arg10 : memref<40x128xf32, #tpu.memory_space<vmem>>)
      %dma_start3A_431 = arith.constant 0 : i32
      %dma_start3A_432 = arith.constant 0 : i32
      %dma_start3A_433 = tpu.memref_slice %arg7[%dma_start3A_431, %dma_start3A_432] : memref<10240x128xf32, #tpu.memory_space<vmem_shared>> -> memref<10240x128xf32, #tpu.memory_space<vmem_shared>>
      tpu.enqueue_indirect_dma source(%arg10 : memref<40x128xf32, #tpu.memory_space<vmem>>) target(%dma_start3A_433 : memref<10240x128xf32, #tpu.memory_space<vmem_shared>>) offsets(%arg20 : memref<40xi32, #tpu.memory_space<vmem>>) semaphore(%arg40 : memref<!tpu.dma_semaphore, #tpu.memory_space<semaphore_mem>>) {add = true}
      %add3A_434 = arith.constant 10 : i32
      %add3A_435 = arith.addi %add3A_407, %add3A_434 : i32
      %sub3A_436 = arith.constant 1 : i32
      %sub3A_437 = arith.subi %add3A_435, %sub3A_436 : i32
      %lt3A_438 = arith.constant 500 : i32
      %lt3A_439 = arith.cmpi slt, %sub3A_437, %lt3A_438 : i32
      %convert_element_type3A_440 = arith.extui %lt3A_439 : i1 to i32
      %cond3A_441 = arith.constant 0 : i32
      %cond3A_442 = arith.cmpi ne, %convert_element_type3A_440, %cond3A_441 : i32
      scf.if %cond3A_442 {
        %add3A_521 = arith.constant 10 : i32
        %add3A_522 = arith.addi %add3A_407, %add3A_521 : i32
        %sub3A_523 = arith.constant 1 : i32
        %sub3A_524 = arith.subi %add3A_522, %sub3A_523 : i32
        %mul3A_525 = arith.constant 40 : i32
        %mul3A_526 = arith.muli %sub3A_524, %mul3A_525 : i32
        %add3A_527 = arith.addi %add3A, %mul3A_526 : i32
        %dma_start3A_528 = tpu.memref_slice %arg4[%add3A_527] : memref<640000xi32, #tpu.memory_space<hbm>> -> memref<40xi32, #tpu.memory_space<hbm>>
        %dma_start3A_529 = tpu.memref_slice %arg4[%add3A_527] : memref<640000xi32, #tpu.memory_space<hbm>> -> memref<40xi32, #tpu.memory_space<hbm>>
        tpu.enqueue_dma source(%dma_start3A_529 : memref<40xi32, #tpu.memory_space<hbm>>) target(%arg19 : memref<40xi32, #tpu.memory_space<vmem>>) target_semaphore(%arg49 : memref<!tpu.dma_semaphore, #tpu.memory_space<semaphore_mem>>)
        %mul3A_530 = arith.constant 40 : i32
        %mul3A_531 = arith.muli %sub3A_524, %mul3A_530 : i32
        %add3A_532 = arith.addi %add3A, %mul3A_531 : i32
        %dma_start3A_533 = tpu.memref_slice %arg3[%add3A_532] : memref<640000xi32, #tpu.memory_space<hbm>> -> memref<40xi32, #tpu.memory_space<hbm>>
        %dma_start3A_534 = tpu.memref_slice %arg3[%add3A_532] : memref<640000xi32, #tpu.memory_space<hbm>> -> memref<40xi32, #tpu.memory_space<hbm>>
        tpu.enqueue_dma source(%dma_start3A_534 : memref<40xi32, #tpu.memory_space<hbm>>) target(%arg29 : memref<40xi32, #tpu.memory_space<vmem>>) target_semaphore(%arg59 : memref<!tpu.dma_semaphore, #tpu.memory_space<semaphore_mem>>)
      } else {
      }
      %mul3A_443 = arith.constant 10 : i32
      %mul3A_444 = arith.muli %scan3A_135, %mul3A_443 : i32
      %add3A_445 = arith.constant 8 : i32
      %add3A_446 = arith.addi %mul3A_444, %add3A_445 : i32
      %add3A_447 = arith.constant 4 : i32
      %add3A_448 = arith.addi %add3A_446, %add3A_447 : i32
      %lt3A_449 = arith.constant 500 : i32
      %lt3A_450 = arith.cmpi slt, %add3A_448, %lt3A_449 : i32
      %convert_element_type3A_451 = arith.extui %lt3A_450 : i1 to i32
      %cond3A_452 = arith.constant 0 : i32
      %cond3A_453 = arith.cmpi ne, %convert_element_type3A_451, %cond3A_452 : i32
      scf.if %cond3A_453 {
        %dma_wait3A_521 = arith.constant 0 : i32
        %dma_wait3A_522 = tpu.memref_slice %arg4[%dma_wait3A_521] : memref<640000xi32, #tpu.memory_space<hbm>> -> memref<40xi32, #tpu.memory_space<hbm>>
        %dma_wait3A_523 = arith.constant 0 : i32
        %dma_wait3A_524 = tpu.memref_slice %arg4[%dma_wait3A_523] : memref<640000xi32, #tpu.memory_space<hbm>> -> memref<40xi32, #tpu.memory_space<hbm>>
        tpu.wait_dma2 semaphore(%arg45 : memref<!tpu.dma_semaphore, #tpu.memory_space<semaphore_mem>>) src(%dma_wait3A_524 : memref<40xi32, #tpu.memory_space<hbm>>) dst(%arg15 : memref<40xi32, #tpu.memory_space<vmem>>)
        %dma_wait3A_525 = arith.constant 0 : i32
        %dma_wait3A_526 = tpu.memref_slice %arg4[%dma_wait3A_525] : memref<640000xi32, #tpu.memory_space<hbm>> -> memref<40xi32, #tpu.memory_space<hbm>>
        %dma_wait3A_527 = arith.constant 0 : i32
        %dma_wait3A_528 = tpu.memref_slice %arg4[%dma_wait3A_527] : memref<640000xi32, #tpu.memory_space<hbm>> -> memref<40xi32, #tpu.memory_space<hbm>>
        tpu.wait_dma2 semaphore(%arg55 : memref<!tpu.dma_semaphore, #tpu.memory_space<semaphore_mem>>) src(%dma_wait3A_528 : memref<40xi32, #tpu.memory_space<hbm>>) dst(%arg25 : memref<40xi32, #tpu.memory_space<vmem>>)
      } else {
      }
      %ge3A_454 = arith.constant 1 : i32
      %ge3A_455 = arith.cmpi sge, %add3A_446, %ge3A_454 : i32
      %convert_element_type3A_456 = arith.extui %ge3A_455 : i1 to i32
      %cond3A_457 = arith.constant 0 : i32
      %cond3A_458 = arith.cmpi ne, %convert_element_type3A_456, %cond3A_457 : i32
      scf.if %cond3A_458 {
        %dma_wait3A_521 = arith.constant 0 : i32
        %dma_wait3A_522 = arith.constant 0 : i32
        %dma_wait3A_523 = tpu.memref_slice %arg2[%dma_wait3A_521, %dma_wait3A_522] : memref<10000x128xf32, #tpu.memory_space<hbm>> -> memref<40x128xf32, #tpu.memory_space<hbm>>
        %dma_wait3A_524 = arith.constant 0 : i32
        %dma_wait3A_525 = arith.constant 0 : i32
        %dma_wait3A_526 = tpu.memref_slice %arg2[%dma_wait3A_524, %dma_wait3A_525] : memref<10000x128xf32, #tpu.memory_space<hbm>> -> memref<40x128xf32, #tpu.memory_space<hbm>>
        tpu.wait_dma2 semaphore(%arg40 : memref<!tpu.dma_semaphore, #tpu.memory_space<semaphore_mem>>) src(%dma_wait3A_526 : memref<40x128xf32, #tpu.memory_space<hbm>>) dst(%arg10 : memref<40x128xf32, #tpu.memory_space<vmem>>)
      } else {
      }
      %lt3A_459 = arith.constant 500 : i32
      %lt3A_460 = arith.cmpi slt, %add3A_448, %lt3A_459 : i32
      %convert_element_type3A_461 = arith.extui %lt3A_460 : i1 to i32
      %cond3A_462 = arith.constant 0 : i32
      %cond3A_463 = arith.cmpi ne, %convert_element_type3A_461, %cond3A_462 : i32
      scf.if %cond3A_463 {
        %dma_start3A_521 = arith.constant 0 : i32
        %dma_start3A_522 = arith.constant 0 : i32
        %dma_start3A_523 = tpu.memref_slice %arg2[%dma_start3A_521, %dma_start3A_522] : memref<10000x128xf32, #tpu.memory_space<hbm>> -> memref<10000x128xf32, #tpu.memory_space<hbm>>
        tpu.enqueue_indirect_dma source(%dma_start3A_523 : memref<10000x128xf32, #tpu.memory_space<hbm>>) target(%arg10 : memref<40x128xf32, #tpu.memory_space<vmem>>) offsets(%arg25 : memref<40xi32, #tpu.memory_space<vmem>>) semaphore(%arg35 : memref<!tpu.dma_semaphore, #tpu.memory_space<semaphore_mem>>)
      } else {
      }
      %dma_wait3A_464 = arith.constant 0 : i32
      %dma_wait3A_465 = arith.constant 0 : i32
      %dma_wait3A_466 = tpu.memref_slice %arg2[%dma_wait3A_464, %dma_wait3A_465] : memref<10000x128xf32, #tpu.memory_space<hbm>> -> memref<40x128xf32, #tpu.memory_space<hbm>>
      %dma_wait3A_467 = arith.constant 0 : i32
      %dma_wait3A_468 = arith.constant 0 : i32
      %dma_wait3A_469 = tpu.memref_slice %arg2[%dma_wait3A_467, %dma_wait3A_468] : memref<10000x128xf32, #tpu.memory_space<hbm>> -> memref<40x128xf32, #tpu.memory_space<hbm>>
      tpu.wait_dma2 semaphore(%arg36 : memref<!tpu.dma_semaphore, #tpu.memory_space<semaphore_mem>>) src(%dma_wait3A_469 : memref<40x128xf32, #tpu.memory_space<hbm>>) dst(%arg11 : memref<40x128xf32, #tpu.memory_space<vmem>>)
      %dma_start3A_470 = arith.constant 0 : i32
      %dma_start3A_471 = arith.constant 0 : i32
      %dma_start3A_472 = tpu.memref_slice %arg7[%dma_start3A_470, %dma_start3A_471] : memref<10240x128xf32, #tpu.memory_space<vmem_shared>> -> memref<10240x128xf32, #tpu.memory_space<vmem_shared>>
      tpu.enqueue_indirect_dma source(%arg11 : memref<40x128xf32, #tpu.memory_space<vmem>>) target(%dma_start3A_472 : memref<10240x128xf32, #tpu.memory_space<vmem_shared>>) offsets(%arg21 : memref<40xi32, #tpu.memory_space<vmem>>) semaphore(%arg41 : memref<!tpu.dma_semaphore, #tpu.memory_space<semaphore_mem>>) {add = true}
      %add3A_473 = arith.constant 10 : i32
      %add3A_474 = arith.addi %add3A_446, %add3A_473 : i32
      %sub3A_475 = arith.constant 1 : i32
      %sub3A_476 = arith.subi %add3A_474, %sub3A_475 : i32
      %lt3A_477 = arith.constant 500 : i32
      %lt3A_478 = arith.cmpi slt, %sub3A_476, %lt3A_477 : i32
      %convert_element_type3A_479 = arith.extui %lt3A_478 : i1 to i32
      %cond3A_480 = arith.constant 0 : i32
      %cond3A_481 = arith.cmpi ne, %convert_element_type3A_479, %cond3A_480 : i32
      scf.if %cond3A_481 {
        %add3A_521 = arith.constant 10 : i32
        %add3A_522 = arith.addi %add3A_446, %add3A_521 : i32
        %sub3A_523 = arith.constant 1 : i32
        %sub3A_524 = arith.subi %add3A_522, %sub3A_523 : i32
        %mul3A_525 = arith.constant 40 : i32
        %mul3A_526 = arith.muli %sub3A_524, %mul3A_525 : i32
        %add3A_527 = arith.addi %add3A, %mul3A_526 : i32
        %dma_start3A_528 = tpu.memref_slice %arg4[%add3A_527] : memref<640000xi32, #tpu.memory_space<hbm>> -> memref<40xi32, #tpu.memory_space<hbm>>
        %dma_start3A_529 = tpu.memref_slice %arg4[%add3A_527] : memref<640000xi32, #tpu.memory_space<hbm>> -> memref<40xi32, #tpu.memory_space<hbm>>
        tpu.enqueue_dma source(%dma_start3A_529 : memref<40xi32, #tpu.memory_space<hbm>>) target(%arg20 : memref<40xi32, #tpu.memory_space<vmem>>) target_semaphore(%arg50 : memref<!tpu.dma_semaphore, #tpu.memory_space<semaphore_mem>>)
        %mul3A_530 = arith.constant 40 : i32
        %mul3A_531 = arith.muli %sub3A_524, %mul3A_530 : i32
        %add3A_532 = arith.addi %add3A, %mul3A_531 : i32
        %dma_start3A_533 = tpu.memref_slice %arg3[%add3A_532] : memref<640000xi32, #tpu.memory_space<hbm>> -> memref<40xi32, #tpu.memory_space<hbm>>
        %dma_start3A_534 = tpu.memref_slice %arg3[%add3A_532] : memref<640000xi32, #tpu.memory_space<hbm>> -> memref<40xi32, #tpu.memory_space<hbm>>
        tpu.enqueue_dma source(%dma_start3A_534 : memref<40xi32, #tpu.memory_space<hbm>>) target(%arg30 : memref<40xi32, #tpu.memory_space<vmem>>) target_semaphore(%arg60 : memref<!tpu.dma_semaphore, #tpu.memory_space<semaphore_mem>>)
      } else {
      }
      %mul3A_482 = arith.constant 10 : i32
      %mul3A_483 = arith.muli %scan3A_135, %mul3A_482 : i32
      %add3A_484 = arith.constant 9 : i32
      %add3A_485 = arith.addi %mul3A_483, %add3A_484 : i32
      %add3A_486 = arith.constant 4 : i32
      %add3A_487 = arith.addi %add3A_485, %add3A_486 : i32
      %lt3A_488 = arith.constant 500 : i32
      %lt3A_489 = arith.cmpi slt, %add3A_487, %lt3A_488 : i32
      %convert_element_type3A_490 = arith.extui %lt3A_489 : i1 to i32
      %cond3A_491 = arith.constant 0 : i32
      %cond3A_492 = arith.cmpi ne, %convert_element_type3A_490, %cond3A_491 : i32
      scf.if %cond3A_492 {
        %dma_wait3A_521 = arith.constant 0 : i32
        %dma_wait3A_522 = tpu.memref_slice %arg4[%dma_wait3A_521] : memref<640000xi32, #tpu.memory_space<hbm>> -> memref<40xi32, #tpu.memory_space<hbm>>
        %dma_wait3A_523 = arith.constant 0 : i32
        %dma_wait3A_524 = tpu.memref_slice %arg4[%dma_wait3A_523] : memref<640000xi32, #tpu.memory_space<hbm>> -> memref<40xi32, #tpu.memory_space<hbm>>
        tpu.wait_dma2 semaphore(%arg46 : memref<!tpu.dma_semaphore, #tpu.memory_space<semaphore_mem>>) src(%dma_wait3A_524 : memref<40xi32, #tpu.memory_space<hbm>>) dst(%arg16 : memref<40xi32, #tpu.memory_space<vmem>>)
        %dma_wait3A_525 = arith.constant 0 : i32
        %dma_wait3A_526 = tpu.memref_slice %arg4[%dma_wait3A_525] : memref<640000xi32, #tpu.memory_space<hbm>> -> memref<40xi32, #tpu.memory_space<hbm>>
        %dma_wait3A_527 = arith.constant 0 : i32
        %dma_wait3A_528 = tpu.memref_slice %arg4[%dma_wait3A_527] : memref<640000xi32, #tpu.memory_space<hbm>> -> memref<40xi32, #tpu.memory_space<hbm>>
        tpu.wait_dma2 semaphore(%arg56 : memref<!tpu.dma_semaphore, #tpu.memory_space<semaphore_mem>>) src(%dma_wait3A_528 : memref<40xi32, #tpu.memory_space<hbm>>) dst(%arg26 : memref<40xi32, #tpu.memory_space<vmem>>)
      } else {
      }
      %ge3A_493 = arith.constant 1 : i32
      %ge3A_494 = arith.cmpi sge, %add3A_485, %ge3A_493 : i32
      %convert_element_type3A_495 = arith.extui %ge3A_494 : i1 to i32
      %cond3A_496 = arith.constant 0 : i32
      %cond3A_497 = arith.cmpi ne, %convert_element_type3A_495, %cond3A_496 : i32
      scf.if %cond3A_497 {
        %dma_wait3A_521 = arith.constant 0 : i32
        %dma_wait3A_522 = arith.constant 0 : i32
        %dma_wait3A_523 = tpu.memref_slice %arg2[%dma_wait3A_521, %dma_wait3A_522] : memref<10000x128xf32, #tpu.memory_space<hbm>> -> memref<40x128xf32, #tpu.memory_space<hbm>>
        %dma_wait3A_524 = arith.constant 0 : i32
        %dma_wait3A_525 = arith.constant 0 : i32
        %dma_wait3A_526 = tpu.memref_slice %arg2[%dma_wait3A_524, %dma_wait3A_525] : memref<10000x128xf32, #tpu.memory_space<hbm>> -> memref<40x128xf32, #tpu.memory_space<hbm>>
        tpu.wait_dma2 semaphore(%arg41 : memref<!tpu.dma_semaphore, #tpu.memory_space<semaphore_mem>>) src(%dma_wait3A_526 : memref<40x128xf32, #tpu.memory_space<hbm>>) dst(%arg11 : memref<40x128xf32, #tpu.memory_space<vmem>>)
      } else {
      }
      %lt3A_498 = arith.constant 500 : i32
      %lt3A_499 = arith.cmpi slt, %add3A_487, %lt3A_498 : i32
      %convert_element_type3A_500 = arith.extui %lt3A_499 : i1 to i32
      %cond3A_501 = arith.constant 0 : i32
      %cond3A_502 = arith.cmpi ne, %convert_element_type3A_500, %cond3A_501 : i32
      scf.if %cond3A_502 {
        %dma_start3A_521 = arith.constant 0 : i32
        %dma_start3A_522 = arith.constant 0 : i32
        %dma_start3A_523 = tpu.memref_slice %arg2[%dma_start3A_521, %dma_start3A_522] : memref<10000x128xf32, #tpu.memory_space<hbm>> -> memref<10000x128xf32, #tpu.memory_space<hbm>>
        tpu.enqueue_indirect_dma source(%dma_start3A_523 : memref<10000x128xf32, #tpu.memory_space<hbm>>) target(%arg11 : memref<40x128xf32, #tpu.memory_space<vmem>>) offsets(%arg26 : memref<40xi32, #tpu.memory_space<vmem>>) semaphore(%arg36 : memref<!tpu.dma_semaphore, #tpu.memory_space<semaphore_mem>>)
      } else {
      }
      %dma_wait3A_503 = arith.constant 0 : i32
      %dma_wait3A_504 = arith.constant 0 : i32
      %dma_wait3A_505 = tpu.memref_slice %arg2[%dma_wait3A_503, %dma_wait3A_504] : memref<10000x128xf32, #tpu.memory_space<hbm>> -> memref<40x128xf32, #tpu.memory_space<hbm>>
      %dma_wait3A_506 = arith.constant 0 : i32
      %dma_wait3A_507 = arith.constant 0 : i32
      %dma_wait3A_508 = tpu.memref_slice %arg2[%dma_wait3A_506, %dma_wait3A_507] : memref<10000x128xf32, #tpu.memory_space<hbm>> -> memref<40x128xf32, #tpu.memory_space<hbm>>
      tpu.wait_dma2 semaphore(%arg37 : memref<!tpu.dma_semaphore, #tpu.memory_space<semaphore_mem>>) src(%dma_wait3A_508 : memref<40x128xf32, #tpu.memory_space<hbm>>) dst(%arg12 : memref<40x128xf32, #tpu.memory_space<vmem>>)
      %dma_start3A_509 = arith.constant 0 : i32
      %dma_start3A_510 = arith.constant 0 : i32
      %dma_start3A_511 = tpu.memref_slice %arg7[%dma_start3A_509, %dma_start3A_510] : memref<10240x128xf32, #tpu.memory_space<vmem_shared>> -> memref<10240x128xf32, #tpu.memory_space<vmem_shared>>
      tpu.enqueue_indirect_dma source(%arg12 : memref<40x128xf32, #tpu.memory_space<vmem>>) target(%dma_start3A_511 : memref<10240x128xf32, #tpu.memory_space<vmem_shared>>) offsets(%arg22 : memref<40xi32, #tpu.memory_space<vmem>>) semaphore(%arg42 : memref<!tpu.dma_semaphore, #tpu.memory_space<semaphore_mem>>) {add = true}
      %add3A_512 = arith.constant 10 : i32
      %add3A_513 = arith.addi %add3A_485, %add3A_512 : i32
      %sub3A_514 = arith.constant 1 : i32
      %sub3A_515 = arith.subi %add3A_513, %sub3A_514 : i32
      %lt3A_516 = arith.constant 500 : i32
      %lt3A_517 = arith.cmpi slt, %sub3A_515, %lt3A_516 : i32
      %convert_element_type3A_518 = arith.extui %lt3A_517 : i1 to i32
      %cond3A_519 = arith.constant 0 : i32
      %cond3A_520 = arith.cmpi ne, %convert_element_type3A_518, %cond3A_519 : i32
      scf.if %cond3A_520 {
        %add3A_521 = arith.constant 10 : i32
        %add3A_522 = arith.addi %add3A_485, %add3A_521 : i32
        %sub3A_523 = arith.constant 1 : i32
        %sub3A_524 = arith.subi %add3A_522, %sub3A_523 : i32
        %mul3A_525 = arith.constant 40 : i32
        %mul3A_526 = arith.muli %sub3A_524, %mul3A_525 : i32
        %add3A_527 = arith.addi %add3A, %mul3A_526 : i32
        %dma_start3A_528 = tpu.memref_slice %arg4[%add3A_527] : memref<640000xi32, #tpu.memory_space<hbm>> -> memref<40xi32, #tpu.memory_space<hbm>>
        %dma_start3A_529 = tpu.memref_slice %arg4[%add3A_527] : memref<640000xi32, #tpu.memory_space<hbm>> -> memref<40xi32, #tpu.memory_space<hbm>>
        tpu.enqueue_dma source(%dma_start3A_529 : memref<40xi32, #tpu.memory_space<hbm>>) target(%arg21 : memref<40xi32, #tpu.memory_space<vmem>>) target_semaphore(%arg51 : memref<!tpu.dma_semaphore, #tpu.memory_space<semaphore_mem>>)
        %mul3A_530 = arith.constant 40 : i32
        %mul3A_531 = arith.muli %sub3A_524, %mul3A_530 : i32
        %add3A_532 = arith.addi %add3A, %mul3A_531 : i32
        %dma_start3A_533 = tpu.memref_slice %arg3[%add3A_532] : memref<640000xi32, #tpu.memory_space<hbm>> -> memref<40xi32, #tpu.memory_space<hbm>>
        %dma_start3A_534 = tpu.memref_slice %arg3[%add3A_532] : memref<640000xi32, #tpu.memory_space<hbm>> -> memref<40xi32, #tpu.memory_space<hbm>>
        tpu.enqueue_dma source(%dma_start3A_534 : memref<40xi32, #tpu.memory_space<hbm>>) target(%arg31 : memref<40xi32, #tpu.memory_space<vmem>>) target_semaphore(%arg61 : memref<!tpu.dma_semaphore, #tpu.memory_space<semaphore_mem>>)
      } else {
      }
    }
    %scan3A_123 = arith.constant 50 : i32
    %dma_wait3A_124 = arith.constant 0 : i32
    %dma_wait3A_125 = arith.constant 0 : i32
    %dma_wait3A_126 = tpu.memref_slice %arg2[%dma_wait3A_124, %dma_wait3A_125] : memref<10000x128xf32, #tpu.memory_space<hbm>> -> memref<40x128xf32, #tpu.memory_space<hbm>>
    %dma_wait3A_127 = arith.constant 0 : i32
    %dma_wait3A_128 = arith.constant 0 : i32
    %dma_wait3A_129 = tpu.memref_slice %arg2[%dma_wait3A_127, %dma_wait3A_128] : memref<10000x128xf32, #tpu.memory_space<hbm>> -> memref<40x128xf32, #tpu.memory_space<hbm>>
    tpu.wait_dma2 semaphore(%arg42 : memref<!tpu.dma_semaphore, #tpu.memory_space<semaphore_mem>>) src(%dma_wait3A_129 : memref<40x128xf32, #tpu.memory_space<hbm>>) dst(%arg12 : memref<40x128xf32, #tpu.memory_space<vmem>>)
    %barrier3A_130 = arith.constant 0 : index
    tpu.barrier barrier_id(%barrier3A_130)
    %mul3A_131 = arith.constant 640 : i32
    %mul3A_132 = arith.muli %arg1, %mul3A_131 : i32
    %mul3A_133 = arith.constant 640 : i32
    %mul3A_134 = arith.muli %arg1, %mul3A_133 : i32
    "tpu.region"() ({
      %run_scoped3A = tpu.sem_alloc : memref<!tpu.dma_semaphore, #tpu.memory_space<semaphore_mem>>
      %dma_start3A_135 = arith.constant 0 : i32
      %dma_start3A_136 = tpu.memref_slice %arg6[%arg0, %mul3A_134, %dma_start3A_135] : memref<2x10240x128xf32, #tpu.memory_space<hbm>> -> memref<1x640x128xf32, #tpu.memory_space<hbm>>
      %dma_start3A_137 = tpu.memref_squeeze %dma_start3A_136 : memref<1x640x128xf32, #tpu.memory_space<hbm>> -> memref<640x128xf32, #tpu.memory_space<hbm>>
      %dma_start3A_138 = arith.constant 0 : i32
      %dma_start3A_139 = tpu.memref_slice %arg7[%mul3A_132, %dma_start3A_138] : memref<10240x128xf32, #tpu.memory_space<vmem_shared>> -> memref<640x128xf32, #tpu.memory_space<vmem_shared>>
      tpu.enqueue_dma source(%dma_start3A_139 : memref<640x128xf32, #tpu.memory_space<vmem_shared>>) target(%dma_start3A_137 : memref<640x128xf32, #tpu.memory_space<hbm>>) target_semaphore(%run_scoped3A : memref<!tpu.dma_semaphore, #tpu.memory_space<semaphore_mem>>)
      %dma_wait3A_140 = arith.constant 0 : i32
      %dma_wait3A_141 = tpu.memref_slice %arg6[%arg0, %mul3A_134, %dma_wait3A_140] : memref<2x10240x128xf32, #tpu.memory_space<hbm>> -> memref<1x640x128xf32, #tpu.memory_space<hbm>>
      %dma_wait3A_142 = tpu.memref_squeeze %dma_wait3A_141 : memref<1x640x128xf32, #tpu.memory_space<hbm>> -> memref<640x128xf32, #tpu.memory_space<hbm>>
      %dma_wait3A_143 = arith.constant 0 : i32
      %dma_wait3A_144 = tpu.memref_slice %arg7[%mul3A_132, %dma_wait3A_143] : memref<10240x128xf32, #tpu.memory_space<vmem_shared>> -> memref<640x128xf32, #tpu.memory_space<vmem_shared>>
      tpu.wait_dma2 semaphore(%run_scoped3A : memref<!tpu.dma_semaphore, #tpu.memory_space<semaphore_mem>>) src(%dma_wait3A_144 : memref<640x128xf32, #tpu.memory_space<vmem_shared>>) dst(%dma_wait3A_142 : memref<640x128xf32, #tpu.memory_space<hbm>>)
      tpu.yield
    }) : () -> ()
    return
  }
}

#map = affine_map<(d0, d1) -> (0, 0)>
#map1 = affine_map<(d0, d1) -> (0)>
#map2 = affine_map<(d0, d1) -> (0, 0, 0)>
module attributes {stable_mosaic.version = 14 : i64} {
  func.func @k(%arg0: i32, %arg1: i32, %arg2: memref<640000x128xf32, #tpu.memory_space<hbm>>, %arg3: memref<640000xi32, #tpu.memory_space<hbm>>, %arg4: memref<640x128xf32, #tpu.memory_space<hbm>>, %arg5: memref<2x10240x128xf32, #tpu.memory_space<hbm>>, %arg6: memref<10240x128xf32, #tpu.memory_space<vmem_shared>>, %arg7: memref<40x128xf32, #tpu.memory_space<vmem>>, %arg8: memref<40x128xf32, #tpu.memory_space<vmem>>, %arg9: memref<40x128xf32, #tpu.memory_space<vmem>>, %arg10: memref<40x128xf32, #tpu.memory_space<vmem>>, %arg11: memref<40x128xf32, #tpu.memory_space<vmem>>, %arg12: memref<40xi32, #tpu.memory_space<vmem>>, %arg13: memref<40xi32, #tpu.memory_space<vmem>>, %arg14: memref<40xi32, #tpu.memory_space<vmem>>, %arg15: memref<40xi32, #tpu.memory_space<vmem>>, %arg16: memref<40xi32, #tpu.memory_space<vmem>>, %arg17: memref<40xi32, #tpu.memory_space<vmem>>, %arg18: memref<40xi32, #tpu.memory_space<vmem>>, %arg19: memref<40xi32, #tpu.memory_space<vmem>>, %arg20: memref<40xi32, #tpu.memory_space<vmem>>, %arg21: memref<40xi32, #tpu.memory_space<vmem>>, %arg22: memref<!tpu.dma_semaphore, #tpu.memory_space<semaphore_mem>>, %arg23: memref<!tpu.dma_semaphore, #tpu.memory_space<semaphore_mem>>, %arg24: memref<!tpu.dma_semaphore, #tpu.memory_space<semaphore_mem>>, %arg25: memref<!tpu.dma_semaphore, #tpu.memory_space<semaphore_mem>>, %arg26: memref<!tpu.dma_semaphore, #tpu.memory_space<semaphore_mem>>, %arg27: memref<!tpu.dma_semaphore, #tpu.memory_space<semaphore_mem>>, %arg28: memref<!tpu.dma_semaphore, #tpu.memory_space<semaphore_mem>>, %arg29: memref<!tpu.dma_semaphore, #tpu.memory_space<semaphore_mem>>, %arg30: memref<!tpu.dma_semaphore, #tpu.memory_space<semaphore_mem>>, %arg31: memref<!tpu.dma_semaphore, #tpu.memory_space<semaphore_mem>>, %arg32: memref<!tpu.dma_semaphore, #tpu.memory_space<semaphore_mem>>, %arg33: memref<!tpu.dma_semaphore, #tpu.memory_space<semaphore_mem>>, %arg34: memref<!tpu.dma_semaphore, #tpu.memory_space<semaphore_mem>>, %arg35: memref<!tpu.dma_semaphore, #tpu.memory_space<semaphore_mem>>, %arg36: memref<!tpu.dma_semaphore, #tpu.memory_space<semaphore_mem>>, %arg37: memref<!tpu.dma_semaphore, #tpu.memory_space<semaphore_mem>>, %arg38: memref<!tpu.dma_semaphore, #tpu.memory_space<semaphore_mem>>, %arg39: memref<!tpu.dma_semaphore, #tpu.memory_space<semaphore_mem>>, %arg40: memref<!tpu.dma_semaphore, #tpu.memory_space<semaphore_mem>>, %arg41: memref<!tpu.dma_semaphore, #tpu.memory_space<semaphore_mem>>) attributes {dimension_semantics = [#tpu.dimension_semantics<core_parallel>, #tpu.dimension_semantics<subcore_parallel>], iteration_bounds = array<i64: 2, 16>, scalar_prefetch = 0 : i64, scratch_operands = 36 : i64, tpu.core_type = #tpu.core_type<sc_vector_subcore>, window_params = [{transform_indices = #map}, {transform_indices = #map1}, {transform_indices = #map}, {transform_indices = #map2}]} {
    %mul3A = arith.constant 640 : i32
    %mul3A_0 = arith.muli %arg1, %mul3A : i32
    "tpu.region"() ({
      %run_scoped3A = tpu.sem_alloc : memref<!tpu.dma_semaphore, #tpu.memory_space<semaphore_mem>>
      %dma_start3A_95 = arith.constant 0 : i32
      %dma_start3A_96 = tpu.memref_slice %arg6[%mul3A_0, %dma_start3A_95] : memref<10240x128xf32, #tpu.memory_space<vmem_shared>> -> memref<640x128xf32, #tpu.memory_space<vmem_shared>>
      tpu.enqueue_dma source(%arg4 : memref<640x128xf32, #tpu.memory_space<hbm>>) target(%dma_start3A_96 : memref<640x128xf32, #tpu.memory_space<vmem_shared>>) target_semaphore(%run_scoped3A : memref<!tpu.dma_semaphore, #tpu.memory_space<semaphore_mem>>)
      %dma_wait3A_97 = arith.constant 0 : i32
      %dma_wait3A_98 = tpu.memref_slice %arg6[%mul3A_0, %dma_wait3A_97] : memref<10240x128xf32, #tpu.memory_space<vmem_shared>> -> memref<640x128xf32, #tpu.memory_space<vmem_shared>>
      tpu.wait_dma2 semaphore(%run_scoped3A : memref<!tpu.dma_semaphore, #tpu.memory_space<semaphore_mem>>) src(%arg4 : memref<640x128xf32, #tpu.memory_space<hbm>>) dst(%dma_wait3A_98 : memref<640x128xf32, #tpu.memory_space<vmem_shared>>)
      tpu.yield
    }) : () -> ()
    %barrier3A = arith.constant 0 : index
    tpu.barrier barrier_id(%barrier3A)
    %mul3A_1 = arith.constant 320000 : i32
    %mul3A_2 = arith.muli %arg0, %mul3A_1 : i32
    %mul3A_3 = arith.constant 20000 : i32
    %mul3A_4 = arith.muli %arg1, %mul3A_3 : i32
    %add3A = arith.addi %mul3A_2, %mul3A_4 : i32
    %add3A_5 = arith.constant 0 : i32
    %add3A_6 = arith.addi %add3A, %add3A_5 : i32
    %dma_start3A = tpu.memref_slice %arg3[%add3A_6] : memref<640000xi32, #tpu.memory_space<hbm>> -> memref<40xi32, #tpu.memory_space<hbm>>
    %dma_start3A_7 = tpu.memref_slice %arg3[%add3A_6] : memref<640000xi32, #tpu.memory_space<hbm>> -> memref<40xi32, #tpu.memory_space<hbm>>
    tpu.enqueue_dma source(%dma_start3A_7 : memref<40xi32, #tpu.memory_space<hbm>>) target(%arg12 : memref<40xi32, #tpu.memory_space<vmem>>) target_semaphore(%arg32 : memref<!tpu.dma_semaphore, #tpu.memory_space<semaphore_mem>>)
    %add3A_8 = arith.constant 40 : i32
    %add3A_9 = arith.addi %add3A, %add3A_8 : i32
    %dma_start3A_10 = tpu.memref_slice %arg3[%add3A_9] : memref<640000xi32, #tpu.memory_space<hbm>> -> memref<40xi32, #tpu.memory_space<hbm>>
    %dma_start3A_11 = tpu.memref_slice %arg3[%add3A_9] : memref<640000xi32, #tpu.memory_space<hbm>> -> memref<40xi32, #tpu.memory_space<hbm>>
    tpu.enqueue_dma source(%dma_start3A_11 : memref<40xi32, #tpu.memory_space<hbm>>) target(%arg13 : memref<40xi32, #tpu.memory_space<vmem>>) target_semaphore(%arg33 : memref<!tpu.dma_semaphore, #tpu.memory_space<semaphore_mem>>)
    %add3A_12 = arith.constant 80 : i32
    %add3A_13 = arith.addi %add3A, %add3A_12 : i32
    %dma_start3A_14 = tpu.memref_slice %arg3[%add3A_13] : memref<640000xi32, #tpu.memory_space<hbm>> -> memref<40xi32, #tpu.memory_space<hbm>>
    %dma_start3A_15 = tpu.memref_slice %arg3[%add3A_13] : memref<640000xi32, #tpu.memory_space<hbm>> -> memref<40xi32, #tpu.memory_space<hbm>>
    tpu.enqueue_dma source(%dma_start3A_15 : memref<40xi32, #tpu.memory_space<hbm>>) target(%arg14 : memref<40xi32, #tpu.memory_space<vmem>>) target_semaphore(%arg34 : memref<!tpu.dma_semaphore, #tpu.memory_space<semaphore_mem>>)
    %add3A_16 = arith.constant 120 : i32
    %add3A_17 = arith.addi %add3A, %add3A_16 : i32
    %dma_start3A_18 = tpu.memref_slice %arg3[%add3A_17] : memref<640000xi32, #tpu.memory_space<hbm>> -> memref<40xi32, #tpu.memory_space<hbm>>
    %dma_start3A_19 = tpu.memref_slice %arg3[%add3A_17] : memref<640000xi32, #tpu.memory_space<hbm>> -> memref<40xi32, #tpu.memory_space<hbm>>
    tpu.enqueue_dma source(%dma_start3A_19 : memref<40xi32, #tpu.memory_space<hbm>>) target(%arg15 : memref<40xi32, #tpu.memory_space<vmem>>) target_semaphore(%arg35 : memref<!tpu.dma_semaphore, #tpu.memory_space<semaphore_mem>>)
    %add3A_20 = arith.constant 160 : i32
    %add3A_21 = arith.addi %add3A, %add3A_20 : i32
    %dma_start3A_22 = tpu.memref_slice %arg3[%add3A_21] : memref<640000xi32, #tpu.memory_space<hbm>> -> memref<40xi32, #tpu.memory_space<hbm>>
    %dma_start3A_23 = tpu.memref_slice %arg3[%add3A_21] : memref<640000xi32, #tpu.memory_space<hbm>> -> memref<40xi32, #tpu.memory_space<hbm>>
    tpu.enqueue_dma source(%dma_start3A_23 : memref<40xi32, #tpu.memory_space<hbm>>) target(%arg16 : memref<40xi32, #tpu.memory_space<vmem>>) target_semaphore(%arg36 : memref<!tpu.dma_semaphore, #tpu.memory_space<semaphore_mem>>)
    %add3A_24 = arith.constant 200 : i32
    %add3A_25 = arith.addi %add3A, %add3A_24 : i32
    %dma_start3A_26 = tpu.memref_slice %arg3[%add3A_25] : memref<640000xi32, #tpu.memory_space<hbm>> -> memref<40xi32, #tpu.memory_space<hbm>>
    %dma_start3A_27 = tpu.memref_slice %arg3[%add3A_25] : memref<640000xi32, #tpu.memory_space<hbm>> -> memref<40xi32, #tpu.memory_space<hbm>>
    tpu.enqueue_dma source(%dma_start3A_27 : memref<40xi32, #tpu.memory_space<hbm>>) target(%arg17 : memref<40xi32, #tpu.memory_space<vmem>>) target_semaphore(%arg37 : memref<!tpu.dma_semaphore, #tpu.memory_space<semaphore_mem>>)
    %add3A_28 = arith.constant 240 : i32
    %add3A_29 = arith.addi %add3A, %add3A_28 : i32
    %dma_start3A_30 = tpu.memref_slice %arg3[%add3A_29] : memref<640000xi32, #tpu.memory_space<hbm>> -> memref<40xi32, #tpu.memory_space<hbm>>
    %dma_start3A_31 = tpu.memref_slice %arg3[%add3A_29] : memref<640000xi32, #tpu.memory_space<hbm>> -> memref<40xi32, #tpu.memory_space<hbm>>
    tpu.enqueue_dma source(%dma_start3A_31 : memref<40xi32, #tpu.memory_space<hbm>>) target(%arg18 : memref<40xi32, #tpu.memory_space<vmem>>) target_semaphore(%arg38 : memref<!tpu.dma_semaphore, #tpu.memory_space<semaphore_mem>>)
    %add3A_32 = arith.constant 280 : i32
    %add3A_33 = arith.addi %add3A, %add3A_32 : i32
    %dma_start3A_34 = tpu.memref_slice %arg3[%add3A_33] : memref<640000xi32, #tpu.memory_space<hbm>> -> memref<40xi32, #tpu.memory_space<hbm>>
    %dma_start3A_35 = tpu.memref_slice %arg3[%add3A_33] : memref<640000xi32, #tpu.memory_space<hbm>> -> memref<40xi32, #tpu.memory_space<hbm>>
    tpu.enqueue_dma source(%dma_start3A_35 : memref<40xi32, #tpu.memory_space<hbm>>) target(%arg19 : memref<40xi32, #tpu.memory_space<vmem>>) target_semaphore(%arg39 : memref<!tpu.dma_semaphore, #tpu.memory_space<semaphore_mem>>)
    %add3A_36 = arith.constant 320 : i32
    %add3A_37 = arith.addi %add3A, %add3A_36 : i32
    %dma_start3A_38 = tpu.memref_slice %arg3[%add3A_37] : memref<640000xi32, #tpu.memory_space<hbm>> -> memref<40xi32, #tpu.memory_space<hbm>>
    %dma_start3A_39 = tpu.memref_slice %arg3[%add3A_37] : memref<640000xi32, #tpu.memory_space<hbm>> -> memref<40xi32, #tpu.memory_space<hbm>>
    tpu.enqueue_dma source(%dma_start3A_39 : memref<40xi32, #tpu.memory_space<hbm>>) target(%arg20 : memref<40xi32, #tpu.memory_space<vmem>>) target_semaphore(%arg40 : memref<!tpu.dma_semaphore, #tpu.memory_space<semaphore_mem>>)
    %dma_wait3A = arith.constant 0 : i32
    %dma_wait3A_40 = tpu.memref_slice %arg3[%dma_wait3A] : memref<640000xi32, #tpu.memory_space<hbm>> -> memref<40xi32, #tpu.memory_space<hbm>>
    %dma_wait3A_41 = arith.constant 0 : i32
    %dma_wait3A_42 = tpu.memref_slice %arg3[%dma_wait3A_41] : memref<640000xi32, #tpu.memory_space<hbm>> -> memref<40xi32, #tpu.memory_space<hbm>>
    tpu.wait_dma2 semaphore(%arg32 : memref<!tpu.dma_semaphore, #tpu.memory_space<semaphore_mem>>) src(%dma_wait3A_42 : memref<40xi32, #tpu.memory_space<hbm>>) dst(%arg12 : memref<40xi32, #tpu.memory_space<vmem>>)
    %add3A_43 = arith.constant 0 : i32
    %add3A_44 = arith.addi %add3A, %add3A_43 : i32
    %dma_start3A_45 = arith.constant 0 : i32
    %dma_start3A_46 = tpu.memref_slice %arg2[%add3A_44, %dma_start3A_45] : memref<640000x128xf32, #tpu.memory_space<hbm>> -> memref<40x128xf32, #tpu.memory_space<hbm>>
    %dma_start3A_47 = arith.constant 0 : i32
    %dma_start3A_48 = tpu.memref_slice %arg2[%add3A_44, %dma_start3A_47] : memref<640000x128xf32, #tpu.memory_space<hbm>> -> memref<40x128xf32, #tpu.memory_space<hbm>>
    tpu.enqueue_dma source(%dma_start3A_48 : memref<40x128xf32, #tpu.memory_space<hbm>>) target(%arg7 : memref<40x128xf32, #tpu.memory_space<vmem>>) target_semaphore(%arg22 : memref<!tpu.dma_semaphore, #tpu.memory_space<semaphore_mem>>)
    %dma_wait3A_49 = arith.constant 0 : i32
    %dma_wait3A_50 = tpu.memref_slice %arg3[%dma_wait3A_49] : memref<640000xi32, #tpu.memory_space<hbm>> -> memref<40xi32, #tpu.memory_space<hbm>>
    %dma_wait3A_51 = arith.constant 0 : i32
    %dma_wait3A_52 = tpu.memref_slice %arg3[%dma_wait3A_51] : memref<640000xi32, #tpu.memory_space<hbm>> -> memref<40xi32, #tpu.memory_space<hbm>>
    tpu.wait_dma2 semaphore(%arg33 : memref<!tpu.dma_semaphore, #tpu.memory_space<semaphore_mem>>) src(%dma_wait3A_52 : memref<40xi32, #tpu.memory_space<hbm>>) dst(%arg13 : memref<40xi32, #tpu.memory_space<vmem>>)
    %add3A_53 = arith.constant 40 : i32
    %add3A_54 = arith.addi %add3A, %add3A_53 : i32
    %dma_start3A_55 = arith.constant 0 : i32
    %dma_start3A_56 = tpu.memref_slice %arg2[%add3A_54, %dma_start3A_55] : memref<640000x128xf32, #tpu.memory_space<hbm>> -> memref<40x128xf32, #tpu.memory_space<hbm>>
    %dma_start3A_57 = arith.constant 0 : i32
    %dma_start3A_58 = tpu.memref_slice %arg2[%add3A_54, %dma_start3A_57] : memref<640000x128xf32, #tpu.memory_space<hbm>> -> memref<40x128xf32, #tpu.memory_space<hbm>>
    tpu.enqueue_dma source(%dma_start3A_58 : memref<40x128xf32, #tpu.memory_space<hbm>>) target(%arg8 : memref<40x128xf32, #tpu.memory_space<vmem>>) target_semaphore(%arg23 : memref<!tpu.dma_semaphore, #tpu.memory_space<semaphore_mem>>)
    %dma_wait3A_59 = arith.constant 0 : i32
    %dma_wait3A_60 = tpu.memref_slice %arg3[%dma_wait3A_59] : memref<640000xi32, #tpu.memory_space<hbm>> -> memref<40xi32, #tpu.memory_space<hbm>>
    %dma_wait3A_61 = arith.constant 0 : i32
    %dma_wait3A_62 = tpu.memref_slice %arg3[%dma_wait3A_61] : memref<640000xi32, #tpu.memory_space<hbm>> -> memref<40xi32, #tpu.memory_space<hbm>>
    tpu.wait_dma2 semaphore(%arg34 : memref<!tpu.dma_semaphore, #tpu.memory_space<semaphore_mem>>) src(%dma_wait3A_62 : memref<40xi32, #tpu.memory_space<hbm>>) dst(%arg14 : memref<40xi32, #tpu.memory_space<vmem>>)
    %add3A_63 = arith.constant 80 : i32
    %add3A_64 = arith.addi %add3A, %add3A_63 : i32
    %dma_start3A_65 = arith.constant 0 : i32
    %dma_start3A_66 = tpu.memref_slice %arg2[%add3A_64, %dma_start3A_65] : memref<640000x128xf32, #tpu.memory_space<hbm>> -> memref<40x128xf32, #tpu.memory_space<hbm>>
    %dma_start3A_67 = arith.constant 0 : i32
    %dma_start3A_68 = tpu.memref_slice %arg2[%add3A_64, %dma_start3A_67] : memref<640000x128xf32, #tpu.memory_space<hbm>> -> memref<40x128xf32, #tpu.memory_space<hbm>>
    tpu.enqueue_dma source(%dma_start3A_68 : memref<40x128xf32, #tpu.memory_space<hbm>>) target(%arg9 : memref<40x128xf32, #tpu.memory_space<vmem>>) target_semaphore(%arg24 : memref<!tpu.dma_semaphore, #tpu.memory_space<semaphore_mem>>)
    %dma_wait3A_69 = arith.constant 0 : i32
    %dma_wait3A_70 = tpu.memref_slice %arg3[%dma_wait3A_69] : memref<640000xi32, #tpu.memory_space<hbm>> -> memref<40xi32, #tpu.memory_space<hbm>>
    %dma_wait3A_71 = arith.constant 0 : i32
    %dma_wait3A_72 = tpu.memref_slice %arg3[%dma_wait3A_71] : memref<640000xi32, #tpu.memory_space<hbm>> -> memref<40xi32, #tpu.memory_space<hbm>>
    tpu.wait_dma2 semaphore(%arg35 : memref<!tpu.dma_semaphore, #tpu.memory_space<semaphore_mem>>) src(%dma_wait3A_72 : memref<40xi32, #tpu.memory_space<hbm>>) dst(%arg15 : memref<40xi32, #tpu.memory_space<vmem>>)
    %add3A_73 = arith.constant 120 : i32
    %add3A_74 = arith.addi %add3A, %add3A_73 : i32
    %dma_start3A_75 = arith.constant 0 : i32
    %dma_start3A_76 = tpu.memref_slice %arg2[%add3A_74, %dma_start3A_75] : memref<640000x128xf32, #tpu.memory_space<hbm>> -> memref<40x128xf32, #tpu.memory_space<hbm>>
    %dma_start3A_77 = arith.constant 0 : i32
    %dma_start3A_78 = tpu.memref_slice %arg2[%add3A_74, %dma_start3A_77] : memref<640000x128xf32, #tpu.memory_space<hbm>> -> memref<40x128xf32, #tpu.memory_space<hbm>>
    tpu.enqueue_dma source(%dma_start3A_78 : memref<40x128xf32, #tpu.memory_space<hbm>>) target(%arg10 : memref<40x128xf32, #tpu.memory_space<vmem>>) target_semaphore(%arg25 : memref<!tpu.dma_semaphore, #tpu.memory_space<semaphore_mem>>)
    %scan3A = arith.constant 0 : i32
    %scan3A_79 = arith.constant 0 : i32
    %scan3A_80 = arith.constant 50 : i32
    %scan3A_81 = arith.addi %scan3A_79, %scan3A_80 : i32
    %scan3A_82 = arith.constant 1 : i32
    scf.for %scan3A_95 = %scan3A_79 to %scan3A_81 step %scan3A_82  : i32 {
      %mul3A_96 = arith.constant 10 : i32
      %mul3A_97 = arith.muli %scan3A_95, %mul3A_96 : i32
      %add3A_98 = arith.constant 0 : i32
      %add3A_99 = arith.addi %mul3A_97, %add3A_98 : i32
      %add3A_100 = arith.constant 4 : i32
      %add3A_101 = arith.addi %add3A_99, %add3A_100 : i32
      %lt3A = arith.constant 500 : i32
      %lt3A_102 = arith.cmpi slt, %add3A_101, %lt3A : i32
      %convert_element_type3A = arith.extui %lt3A_102 : i1 to i32
      %cond3A = arith.constant 0 : i32
      %cond3A_103 = arith.cmpi ne, %convert_element_type3A, %cond3A : i32
      scf.if %cond3A_103 {
        %dma_wait3A_481 = arith.constant 0 : i32
        %dma_wait3A_482 = tpu.memref_slice %arg3[%dma_wait3A_481] : memref<640000xi32, #tpu.memory_space<hbm>> -> memref<40xi32, #tpu.memory_space<hbm>>
        %dma_wait3A_483 = arith.constant 0 : i32
        %dma_wait3A_484 = tpu.memref_slice %arg3[%dma_wait3A_483] : memref<640000xi32, #tpu.memory_space<hbm>> -> memref<40xi32, #tpu.memory_space<hbm>>
        tpu.wait_dma2 semaphore(%arg36 : memref<!tpu.dma_semaphore, #tpu.memory_space<semaphore_mem>>) src(%dma_wait3A_484 : memref<40xi32, #tpu.memory_space<hbm>>) dst(%arg16 : memref<40xi32, #tpu.memory_space<vmem>>)
      } else {
      }
      %ge3A = arith.constant 1 : i32
      %ge3A_104 = arith.cmpi sge, %add3A_99, %ge3A : i32
      %convert_element_type3A_105 = arith.extui %ge3A_104 : i1 to i32
      %cond3A_106 = arith.constant 0 : i32
      %cond3A_107 = arith.cmpi ne, %convert_element_type3A_105, %cond3A_106 : i32
      scf.if %cond3A_107 {
        %dma_wait3A_481 = arith.constant 0 : i32
        %dma_wait3A_482 = arith.constant 0 : i32
        %dma_wait3A_483 = tpu.memref_slice %arg2[%dma_wait3A_481, %dma_wait3A_482] : memref<640000x128xf32, #tpu.memory_space<hbm>> -> memref<40x128xf32, #tpu.memory_space<hbm>>
        %dma_wait3A_484 = arith.constant 0 : i32
        %dma_wait3A_485 = arith.constant 0 : i32
        %dma_wait3A_486 = tpu.memref_slice %arg2[%dma_wait3A_484, %dma_wait3A_485] : memref<640000x128xf32, #tpu.memory_space<hbm>> -> memref<40x128xf32, #tpu.memory_space<hbm>>
        tpu.wait_dma2 semaphore(%arg31 : memref<!tpu.dma_semaphore, #tpu.memory_space<semaphore_mem>>) src(%dma_wait3A_486 : memref<40x128xf32, #tpu.memory_space<hbm>>) dst(%arg11 : memref<40x128xf32, #tpu.memory_space<vmem>>)
      } else {
      }
      %lt3A_108 = arith.constant 500 : i32
      %lt3A_109 = arith.cmpi slt, %add3A_101, %lt3A_108 : i32
      %convert_element_type3A_110 = arith.extui %lt3A_109 : i1 to i32
      %cond3A_111 = arith.constant 0 : i32
      %cond3A_112 = arith.cmpi ne, %convert_element_type3A_110, %cond3A_111 : i32
      scf.if %cond3A_112 {
        %mul3A_481 = arith.constant 40 : i32
        %mul3A_482 = arith.muli %add3A_101, %mul3A_481 : i32
        %add3A_483 = arith.addi %add3A, %mul3A_482 : i32
        %dma_start3A_484 = arith.constant 0 : i32
        %dma_start3A_485 = tpu.memref_slice %arg2[%add3A_483, %dma_start3A_484] : memref<640000x128xf32, #tpu.memory_space<hbm>> -> memref<40x128xf32, #tpu.memory_space<hbm>>
        %dma_start3A_486 = arith.constant 0 : i32
        %dma_start3A_487 = tpu.memref_slice %arg2[%add3A_483, %dma_start3A_486] : memref<640000x128xf32, #tpu.memory_space<hbm>> -> memref<40x128xf32, #tpu.memory_space<hbm>>
        tpu.enqueue_dma source(%dma_start3A_487 : memref<40x128xf32, #tpu.memory_space<hbm>>) target(%arg11 : memref<40x128xf32, #tpu.memory_space<vmem>>) target_semaphore(%arg26 : memref<!tpu.dma_semaphore, #tpu.memory_space<semaphore_mem>>)
      } else {
      }
      %dma_wait3A_113 = arith.constant 0 : i32
      %dma_wait3A_114 = arith.constant 0 : i32
      %dma_wait3A_115 = tpu.memref_slice %arg2[%dma_wait3A_113, %dma_wait3A_114] : memref<640000x128xf32, #tpu.memory_space<hbm>> -> memref<40x128xf32, #tpu.memory_space<hbm>>
      %dma_wait3A_116 = arith.constant 0 : i32
      %dma_wait3A_117 = arith.constant 0 : i32
      %dma_wait3A_118 = tpu.memref_slice %arg2[%dma_wait3A_116, %dma_wait3A_117] : memref<640000x128xf32, #tpu.memory_space<hbm>> -> memref<40x128xf32, #tpu.memory_space<hbm>>
      tpu.wait_dma2 semaphore(%arg22 : memref<!tpu.dma_semaphore, #tpu.memory_space<semaphore_mem>>) src(%dma_wait3A_118 : memref<40x128xf32, #tpu.memory_space<hbm>>) dst(%arg7 : memref<40x128xf32, #tpu.memory_space<vmem>>)
      %dma_start3A_119 = arith.constant 0 : i32
      %dma_start3A_120 = arith.constant 0 : i32
      %dma_start3A_121 = tpu.memref_slice %arg6[%dma_start3A_119, %dma_start3A_120] : memref<10240x128xf32, #tpu.memory_space<vmem_shared>> -> memref<10240x128xf32, #tpu.memory_space<vmem_shared>>
      tpu.enqueue_indirect_dma source(%arg7 : memref<40x128xf32, #tpu.memory_space<vmem>>) target(%dma_start3A_121 : memref<10240x128xf32, #tpu.memory_space<vmem_shared>>) offsets(%arg12 : memref<40xi32, #tpu.memory_space<vmem>>) semaphore(%arg27 : memref<!tpu.dma_semaphore, #tpu.memory_space<semaphore_mem>>) {add = true}
      %add3A_122 = arith.constant 10 : i32
      %add3A_123 = arith.addi %add3A_99, %add3A_122 : i32
      %sub3A = arith.constant 1 : i32
      %sub3A_124 = arith.subi %add3A_123, %sub3A : i32
      %lt3A_125 = arith.constant 500 : i32
      %lt3A_126 = arith.cmpi slt, %sub3A_124, %lt3A_125 : i32
      %convert_element_type3A_127 = arith.extui %lt3A_126 : i1 to i32
      %cond3A_128 = arith.constant 0 : i32
      %cond3A_129 = arith.cmpi ne, %convert_element_type3A_127, %cond3A_128 : i32
      scf.if %cond3A_129 {
        %add3A_481 = arith.constant 10 : i32
        %add3A_482 = arith.addi %add3A_99, %add3A_481 : i32
        %sub3A_483 = arith.constant 1 : i32
        %sub3A_484 = arith.subi %add3A_482, %sub3A_483 : i32
        %mul3A_485 = arith.constant 40 : i32
        %mul3A_486 = arith.muli %sub3A_484, %mul3A_485 : i32
        %add3A_487 = arith.addi %add3A, %mul3A_486 : i32
        %dma_start3A_488 = tpu.memref_slice %arg3[%add3A_487] : memref<640000xi32, #tpu.memory_space<hbm>> -> memref<40xi32, #tpu.memory_space<hbm>>
        %dma_start3A_489 = tpu.memref_slice %arg3[%add3A_487] : memref<640000xi32, #tpu.memory_space<hbm>> -> memref<40xi32, #tpu.memory_space<hbm>>
        tpu.enqueue_dma source(%dma_start3A_489 : memref<40xi32, #tpu.memory_space<hbm>>) target(%arg21 : memref<40xi32, #tpu.memory_space<vmem>>) target_semaphore(%arg41 : memref<!tpu.dma_semaphore, #tpu.memory_space<semaphore_mem>>)
      } else {
      }
      %mul3A_130 = arith.constant 10 : i32
      %mul3A_131 = arith.muli %scan3A_95, %mul3A_130 : i32
      %add3A_132 = arith.constant 1 : i32
      %add3A_133 = arith.addi %mul3A_131, %add3A_132 : i32
      %add3A_134 = arith.constant 4 : i32
      %add3A_135 = arith.addi %add3A_133, %add3A_134 : i32
      %lt3A_136 = arith.constant 500 : i32
      %lt3A_137 = arith.cmpi slt, %add3A_135, %lt3A_136 : i32
      %convert_element_type3A_138 = arith.extui %lt3A_137 : i1 to i32
      %cond3A_139 = arith.constant 0 : i32
      %cond3A_140 = arith.cmpi ne, %convert_element_type3A_138, %cond3A_139 : i32
      scf.if %cond3A_140 {
        %dma_wait3A_481 = arith.constant 0 : i32
        %dma_wait3A_482 = tpu.memref_slice %arg3[%dma_wait3A_481] : memref<640000xi32, #tpu.memory_space<hbm>> -> memref<40xi32, #tpu.memory_space<hbm>>
        %dma_wait3A_483 = arith.constant 0 : i32
        %dma_wait3A_484 = tpu.memref_slice %arg3[%dma_wait3A_483] : memref<640000xi32, #tpu.memory_space<hbm>> -> memref<40xi32, #tpu.memory_space<hbm>>
        tpu.wait_dma2 semaphore(%arg37 : memref<!tpu.dma_semaphore, #tpu.memory_space<semaphore_mem>>) src(%dma_wait3A_484 : memref<40xi32, #tpu.memory_space<hbm>>) dst(%arg17 : memref<40xi32, #tpu.memory_space<vmem>>)
      } else {
      }
      %ge3A_141 = arith.constant 1 : i32
      %ge3A_142 = arith.cmpi sge, %add3A_133, %ge3A_141 : i32
      %convert_element_type3A_143 = arith.extui %ge3A_142 : i1 to i32
      %cond3A_144 = arith.constant 0 : i32
      %cond3A_145 = arith.cmpi ne, %convert_element_type3A_143, %cond3A_144 : i32
      scf.if %cond3A_145 {
        %dma_wait3A_481 = arith.constant 0 : i32
        %dma_wait3A_482 = arith.constant 0 : i32
        %dma_wait3A_483 = tpu.memref_slice %arg2[%dma_wait3A_481, %dma_wait3A_482] : memref<640000x128xf32, #tpu.memory_space<hbm>> -> memref<40x128xf32, #tpu.memory_space<hbm>>
        %dma_wait3A_484 = arith.constant 0 : i32
        %dma_wait3A_485 = arith.constant 0 : i32
        %dma_wait3A_486 = tpu.memref_slice %arg2[%dma_wait3A_484, %dma_wait3A_485] : memref<640000x128xf32, #tpu.memory_space<hbm>> -> memref<40x128xf32, #tpu.memory_space<hbm>>
        tpu.wait_dma2 semaphore(%arg27 : memref<!tpu.dma_semaphore, #tpu.memory_space<semaphore_mem>>) src(%dma_wait3A_486 : memref<40x128xf32, #tpu.memory_space<hbm>>) dst(%arg7 : memref<40x128xf32, #tpu.memory_space<vmem>>)
      } else {
      }
      %lt3A_146 = arith.constant 500 : i32
      %lt3A_147 = arith.cmpi slt, %add3A_135, %lt3A_146 : i32
      %convert_element_type3A_148 = arith.extui %lt3A_147 : i1 to i32
      %cond3A_149 = arith.constant 0 : i32
      %cond3A_150 = arith.cmpi ne, %convert_element_type3A_148, %cond3A_149 : i32
      scf.if %cond3A_150 {
        %mul3A_481 = arith.constant 40 : i32
        %mul3A_482 = arith.muli %add3A_135, %mul3A_481 : i32
        %add3A_483 = arith.addi %add3A, %mul3A_482 : i32
        %dma_start3A_484 = arith.constant 0 : i32
        %dma_start3A_485 = tpu.memref_slice %arg2[%add3A_483, %dma_start3A_484] : memref<640000x128xf32, #tpu.memory_space<hbm>> -> memref<40x128xf32, #tpu.memory_space<hbm>>
        %dma_start3A_486 = arith.constant 0 : i32
        %dma_start3A_487 = tpu.memref_slice %arg2[%add3A_483, %dma_start3A_486] : memref<640000x128xf32, #tpu.memory_space<hbm>> -> memref<40x128xf32, #tpu.memory_space<hbm>>
        tpu.enqueue_dma source(%dma_start3A_487 : memref<40x128xf32, #tpu.memory_space<hbm>>) target(%arg7 : memref<40x128xf32, #tpu.memory_space<vmem>>) target_semaphore(%arg22 : memref<!tpu.dma_semaphore, #tpu.memory_space<semaphore_mem>>)
      } else {
      }
      %dma_wait3A_151 = arith.constant 0 : i32
      %dma_wait3A_152 = arith.constant 0 : i32
      %dma_wait3A_153 = tpu.memref_slice %arg2[%dma_wait3A_151, %dma_wait3A_152] : memref<640000x128xf32, #tpu.memory_space<hbm>> -> memref<40x128xf32, #tpu.memory_space<hbm>>
      %dma_wait3A_154 = arith.constant 0 : i32
      %dma_wait3A_155 = arith.constant 0 : i32
      %dma_wait3A_156 = tpu.memref_slice %arg2[%dma_wait3A_154, %dma_wait3A_155] : memref<640000x128xf32, #tpu.memory_space<hbm>> -> memref<40x128xf32, #tpu.memory_space<hbm>>
      tpu.wait_dma2 semaphore(%arg23 : memref<!tpu.dma_semaphore, #tpu.memory_space<semaphore_mem>>) src(%dma_wait3A_156 : memref<40x128xf32, #tpu.memory_space<hbm>>) dst(%arg8 : memref<40x128xf32, #tpu.memory_space<vmem>>)
      %dma_start3A_157 = arith.constant 0 : i32
      %dma_start3A_158 = arith.constant 0 : i32
      %dma_start3A_159 = tpu.memref_slice %arg6[%dma_start3A_157, %dma_start3A_158] : memref<10240x128xf32, #tpu.memory_space<vmem_shared>> -> memref<10240x128xf32, #tpu.memory_space<vmem_shared>>
      tpu.enqueue_indirect_dma source(%arg8 : memref<40x128xf32, #tpu.memory_space<vmem>>) target(%dma_start3A_159 : memref<10240x128xf32, #tpu.memory_space<vmem_shared>>) offsets(%arg13 : memref<40xi32, #tpu.memory_space<vmem>>) semaphore(%arg28 : memref<!tpu.dma_semaphore, #tpu.memory_space<semaphore_mem>>) {add = true}
      %add3A_160 = arith.constant 10 : i32
      %add3A_161 = arith.addi %add3A_133, %add3A_160 : i32
      %sub3A_162 = arith.constant 1 : i32
      %sub3A_163 = arith.subi %add3A_161, %sub3A_162 : i32
      %lt3A_164 = arith.constant 500 : i32
      %lt3A_165 = arith.cmpi slt, %sub3A_163, %lt3A_164 : i32
      %convert_element_type3A_166 = arith.extui %lt3A_165 : i1 to i32
      %cond3A_167 = arith.constant 0 : i32
      %cond3A_168 = arith.cmpi ne, %convert_element_type3A_166, %cond3A_167 : i32
      scf.if %cond3A_168 {
        %add3A_481 = arith.constant 10 : i32
        %add3A_482 = arith.addi %add3A_133, %add3A_481 : i32
        %sub3A_483 = arith.constant 1 : i32
        %sub3A_484 = arith.subi %add3A_482, %sub3A_483 : i32
        %mul3A_485 = arith.constant 40 : i32
        %mul3A_486 = arith.muli %sub3A_484, %mul3A_485 : i32
        %add3A_487 = arith.addi %add3A, %mul3A_486 : i32
        %dma_start3A_488 = tpu.memref_slice %arg3[%add3A_487] : memref<640000xi32, #tpu.memory_space<hbm>> -> memref<40xi32, #tpu.memory_space<hbm>>
        %dma_start3A_489 = tpu.memref_slice %arg3[%add3A_487] : memref<640000xi32, #tpu.memory_space<hbm>> -> memref<40xi32, #tpu.memory_space<hbm>>
        tpu.enqueue_dma source(%dma_start3A_489 : memref<40xi32, #tpu.memory_space<hbm>>) target(%arg12 : memref<40xi32, #tpu.memory_space<vmem>>) target_semaphore(%arg32 : memref<!tpu.dma_semaphore, #tpu.memory_space<semaphore_mem>>)
      } else {
      }
      %mul3A_169 = arith.constant 10 : i32
      %mul3A_170 = arith.muli %scan3A_95, %mul3A_169 : i32
      %add3A_171 = arith.constant 2 : i32
      %add3A_172 = arith.addi %mul3A_170, %add3A_171 : i32
      %add3A_173 = arith.constant 4 : i32
      %add3A_174 = arith.addi %add3A_172, %add3A_173 : i32
      %lt3A_175 = arith.constant 500 : i32
      %lt3A_176 = arith.cmpi slt, %add3A_174, %lt3A_175 : i32
      %convert_element_type3A_177 = arith.extui %lt3A_176 : i1 to i32
      %cond3A_178 = arith.constant 0 : i32
      %cond3A_179 = arith.cmpi ne, %convert_element_type3A_177, %cond3A_178 : i32
      scf.if %cond3A_179 {
        %dma_wait3A_481 = arith.constant 0 : i32
        %dma_wait3A_482 = tpu.memref_slice %arg3[%dma_wait3A_481] : memref<640000xi32, #tpu.memory_space<hbm>> -> memref<40xi32, #tpu.memory_space<hbm>>
        %dma_wait3A_483 = arith.constant 0 : i32
        %dma_wait3A_484 = tpu.memref_slice %arg3[%dma_wait3A_483] : memref<640000xi32, #tpu.memory_space<hbm>> -> memref<40xi32, #tpu.memory_space<hbm>>
        tpu.wait_dma2 semaphore(%arg38 : memref<!tpu.dma_semaphore, #tpu.memory_space<semaphore_mem>>) src(%dma_wait3A_484 : memref<40xi32, #tpu.memory_space<hbm>>) dst(%arg18 : memref<40xi32, #tpu.memory_space<vmem>>)
      } else {
      }
      %ge3A_180 = arith.constant 1 : i32
      %ge3A_181 = arith.cmpi sge, %add3A_172, %ge3A_180 : i32
      %convert_element_type3A_182 = arith.extui %ge3A_181 : i1 to i32
      %cond3A_183 = arith.constant 0 : i32
      %cond3A_184 = arith.cmpi ne, %convert_element_type3A_182, %cond3A_183 : i32
      scf.if %cond3A_184 {
        %dma_wait3A_481 = arith.constant 0 : i32
        %dma_wait3A_482 = arith.constant 0 : i32
        %dma_wait3A_483 = tpu.memref_slice %arg2[%dma_wait3A_481, %dma_wait3A_482] : memref<640000x128xf32, #tpu.memory_space<hbm>> -> memref<40x128xf32, #tpu.memory_space<hbm>>
        %dma_wait3A_484 = arith.constant 0 : i32
        %dma_wait3A_485 = arith.constant 0 : i32
        %dma_wait3A_486 = tpu.memref_slice %arg2[%dma_wait3A_484, %dma_wait3A_485] : memref<640000x128xf32, #tpu.memory_space<hbm>> -> memref<40x128xf32, #tpu.memory_space<hbm>>
        tpu.wait_dma2 semaphore(%arg28 : memref<!tpu.dma_semaphore, #tpu.memory_space<semaphore_mem>>) src(%dma_wait3A_486 : memref<40x128xf32, #tpu.memory_space<hbm>>) dst(%arg8 : memref<40x128xf32, #tpu.memory_space<vmem>>)
      } else {
      }
      %lt3A_185 = arith.constant 500 : i32
      %lt3A_186 = arith.cmpi slt, %add3A_174, %lt3A_185 : i32
      %convert_element_type3A_187 = arith.extui %lt3A_186 : i1 to i32
      %cond3A_188 = arith.constant 0 : i32
      %cond3A_189 = arith.cmpi ne, %convert_element_type3A_187, %cond3A_188 : i32
      scf.if %cond3A_189 {
        %mul3A_481 = arith.constant 40 : i32
        %mul3A_482 = arith.muli %add3A_174, %mul3A_481 : i32
        %add3A_483 = arith.addi %add3A, %mul3A_482 : i32
        %dma_start3A_484 = arith.constant 0 : i32
        %dma_start3A_485 = tpu.memref_slice %arg2[%add3A_483, %dma_start3A_484] : memref<640000x128xf32, #tpu.memory_space<hbm>> -> memref<40x128xf32, #tpu.memory_space<hbm>>
        %dma_start3A_486 = arith.constant 0 : i32
        %dma_start3A_487 = tpu.memref_slice %arg2[%add3A_483, %dma_start3A_486] : memref<640000x128xf32, #tpu.memory_space<hbm>> -> memref<40x128xf32, #tpu.memory_space<hbm>>
        tpu.enqueue_dma source(%dma_start3A_487 : memref<40x128xf32, #tpu.memory_space<hbm>>) target(%arg8 : memref<40x128xf32, #tpu.memory_space<vmem>>) target_semaphore(%arg23 : memref<!tpu.dma_semaphore, #tpu.memory_space<semaphore_mem>>)
      } else {
      }
      %dma_wait3A_190 = arith.constant 0 : i32
      %dma_wait3A_191 = arith.constant 0 : i32
      %dma_wait3A_192 = tpu.memref_slice %arg2[%dma_wait3A_190, %dma_wait3A_191] : memref<640000x128xf32, #tpu.memory_space<hbm>> -> memref<40x128xf32, #tpu.memory_space<hbm>>
      %dma_wait3A_193 = arith.constant 0 : i32
      %dma_wait3A_194 = arith.constant 0 : i32
      %dma_wait3A_195 = tpu.memref_slice %arg2[%dma_wait3A_193, %dma_wait3A_194] : memref<640000x128xf32, #tpu.memory_space<hbm>> -> memref<40x128xf32, #tpu.memory_space<hbm>>
      tpu.wait_dma2 semaphore(%arg24 : memref<!tpu.dma_semaphore, #tpu.memory_space<semaphore_mem>>) src(%dma_wait3A_195 : memref<40x128xf32, #tpu.memory_space<hbm>>) dst(%arg9 : memref<40x128xf32, #tpu.memory_space<vmem>>)
      %dma_start3A_196 = arith.constant 0 : i32
      %dma_start3A_197 = arith.constant 0 : i32
      %dma_start3A_198 = tpu.memref_slice %arg6[%dma_start3A_196, %dma_start3A_197] : memref<10240x128xf32, #tpu.memory_space<vmem_shared>> -> memref<10240x128xf32, #tpu.memory_space<vmem_shared>>
      tpu.enqueue_indirect_dma source(%arg9 : memref<40x128xf32, #tpu.memory_space<vmem>>) target(%dma_start3A_198 : memref<10240x128xf32, #tpu.memory_space<vmem_shared>>) offsets(%arg14 : memref<40xi32, #tpu.memory_space<vmem>>) semaphore(%arg29 : memref<!tpu.dma_semaphore, #tpu.memory_space<semaphore_mem>>) {add = true}
      %add3A_199 = arith.constant 10 : i32
      %add3A_200 = arith.addi %add3A_172, %add3A_199 : i32
      %sub3A_201 = arith.constant 1 : i32
      %sub3A_202 = arith.subi %add3A_200, %sub3A_201 : i32
      %lt3A_203 = arith.constant 500 : i32
      %lt3A_204 = arith.cmpi slt, %sub3A_202, %lt3A_203 : i32
      %convert_element_type3A_205 = arith.extui %lt3A_204 : i1 to i32
      %cond3A_206 = arith.constant 0 : i32
      %cond3A_207 = arith.cmpi ne, %convert_element_type3A_205, %cond3A_206 : i32
      scf.if %cond3A_207 {
        %add3A_481 = arith.constant 10 : i32
        %add3A_482 = arith.addi %add3A_172, %add3A_481 : i32
        %sub3A_483 = arith.constant 1 : i32
        %sub3A_484 = arith.subi %add3A_482, %sub3A_483 : i32
        %mul3A_485 = arith.constant 40 : i32
        %mul3A_486 = arith.muli %sub3A_484, %mul3A_485 : i32
        %add3A_487 = arith.addi %add3A, %mul3A_486 : i32
        %dma_start3A_488 = tpu.memref_slice %arg3[%add3A_487] : memref<640000xi32, #tpu.memory_space<hbm>> -> memref<40xi32, #tpu.memory_space<hbm>>
        %dma_start3A_489 = tpu.memref_slice %arg3[%add3A_487] : memref<640000xi32, #tpu.memory_space<hbm>> -> memref<40xi32, #tpu.memory_space<hbm>>
        tpu.enqueue_dma source(%dma_start3A_489 : memref<40xi32, #tpu.memory_space<hbm>>) target(%arg13 : memref<40xi32, #tpu.memory_space<vmem>>) target_semaphore(%arg33 : memref<!tpu.dma_semaphore, #tpu.memory_space<semaphore_mem>>)
      } else {
      }
      %mul3A_208 = arith.constant 10 : i32
      %mul3A_209 = arith.muli %scan3A_95, %mul3A_208 : i32
      %add3A_210 = arith.constant 3 : i32
      %add3A_211 = arith.addi %mul3A_209, %add3A_210 : i32
      %add3A_212 = arith.constant 4 : i32
      %add3A_213 = arith.addi %add3A_211, %add3A_212 : i32
      %lt3A_214 = arith.constant 500 : i32
      %lt3A_215 = arith.cmpi slt, %add3A_213, %lt3A_214 : i32
      %convert_element_type3A_216 = arith.extui %lt3A_215 : i1 to i32
      %cond3A_217 = arith.constant 0 : i32
      %cond3A_218 = arith.cmpi ne, %convert_element_type3A_216, %cond3A_217 : i32
      scf.if %cond3A_218 {
        %dma_wait3A_481 = arith.constant 0 : i32
        %dma_wait3A_482 = tpu.memref_slice %arg3[%dma_wait3A_481] : memref<640000xi32, #tpu.memory_space<hbm>> -> memref<40xi32, #tpu.memory_space<hbm>>
        %dma_wait3A_483 = arith.constant 0 : i32
        %dma_wait3A_484 = tpu.memref_slice %arg3[%dma_wait3A_483] : memref<640000xi32, #tpu.memory_space<hbm>> -> memref<40xi32, #tpu.memory_space<hbm>>
        tpu.wait_dma2 semaphore(%arg39 : memref<!tpu.dma_semaphore, #tpu.memory_space<semaphore_mem>>) src(%dma_wait3A_484 : memref<40xi32, #tpu.memory_space<hbm>>) dst(%arg19 : memref<40xi32, #tpu.memory_space<vmem>>)
      } else {
      }
      %ge3A_219 = arith.constant 1 : i32
      %ge3A_220 = arith.cmpi sge, %add3A_211, %ge3A_219 : i32
      %convert_element_type3A_221 = arith.extui %ge3A_220 : i1 to i32
      %cond3A_222 = arith.constant 0 : i32
      %cond3A_223 = arith.cmpi ne, %convert_element_type3A_221, %cond3A_222 : i32
      scf.if %cond3A_223 {
        %dma_wait3A_481 = arith.constant 0 : i32
        %dma_wait3A_482 = arith.constant 0 : i32
        %dma_wait3A_483 = tpu.memref_slice %arg2[%dma_wait3A_481, %dma_wait3A_482] : memref<640000x128xf32, #tpu.memory_space<hbm>> -> memref<40x128xf32, #tpu.memory_space<hbm>>
        %dma_wait3A_484 = arith.constant 0 : i32
        %dma_wait3A_485 = arith.constant 0 : i32
        %dma_wait3A_486 = tpu.memref_slice %arg2[%dma_wait3A_484, %dma_wait3A_485] : memref<640000x128xf32, #tpu.memory_space<hbm>> -> memref<40x128xf32, #tpu.memory_space<hbm>>
        tpu.wait_dma2 semaphore(%arg29 : memref<!tpu.dma_semaphore, #tpu.memory_space<semaphore_mem>>) src(%dma_wait3A_486 : memref<40x128xf32, #tpu.memory_space<hbm>>) dst(%arg9 : memref<40x128xf32, #tpu.memory_space<vmem>>)
      } else {
      }
      %lt3A_224 = arith.constant 500 : i32
      %lt3A_225 = arith.cmpi slt, %add3A_213, %lt3A_224 : i32
      %convert_element_type3A_226 = arith.extui %lt3A_225 : i1 to i32
      %cond3A_227 = arith.constant 0 : i32
      %cond3A_228 = arith.cmpi ne, %convert_element_type3A_226, %cond3A_227 : i32
      scf.if %cond3A_228 {
        %mul3A_481 = arith.constant 40 : i32
        %mul3A_482 = arith.muli %add3A_213, %mul3A_481 : i32
        %add3A_483 = arith.addi %add3A, %mul3A_482 : i32
        %dma_start3A_484 = arith.constant 0 : i32
        %dma_start3A_485 = tpu.memref_slice %arg2[%add3A_483, %dma_start3A_484] : memref<640000x128xf32, #tpu.memory_space<hbm>> -> memref<40x128xf32, #tpu.memory_space<hbm>>
        %dma_start3A_486 = arith.constant 0 : i32
        %dma_start3A_487 = tpu.memref_slice %arg2[%add3A_483, %dma_start3A_486] : memref<640000x128xf32, #tpu.memory_space<hbm>> -> memref<40x128xf32, #tpu.memory_space<hbm>>
        tpu.enqueue_dma source(%dma_start3A_487 : memref<40x128xf32, #tpu.memory_space<hbm>>) target(%arg9 : memref<40x128xf32, #tpu.memory_space<vmem>>) target_semaphore(%arg24 : memref<!tpu.dma_semaphore, #tpu.memory_space<semaphore_mem>>)
      } else {
      }
      %dma_wait3A_229 = arith.constant 0 : i32
      %dma_wait3A_230 = arith.constant 0 : i32
      %dma_wait3A_231 = tpu.memref_slice %arg2[%dma_wait3A_229, %dma_wait3A_230] : memref<640000x128xf32, #tpu.memory_space<hbm>> -> memref<40x128xf32, #tpu.memory_space<hbm>>
      %dma_wait3A_232 = arith.constant 0 : i32
      %dma_wait3A_233 = arith.constant 0 : i32
      %dma_wait3A_234 = tpu.memref_slice %arg2[%dma_wait3A_232, %dma_wait3A_233] : memref<640000x128xf32, #tpu.memory_space<hbm>> -> memref<40x128xf32, #tpu.memory_space<hbm>>
      tpu.wait_dma2 semaphore(%arg25 : memref<!tpu.dma_semaphore, #tpu.memory_space<semaphore_mem>>) src(%dma_wait3A_234 : memref<40x128xf32, #tpu.memory_space<hbm>>) dst(%arg10 : memref<40x128xf32, #tpu.memory_space<vmem>>)
      %dma_start3A_235 = arith.constant 0 : i32
      %dma_start3A_236 = arith.constant 0 : i32
      %dma_start3A_237 = tpu.memref_slice %arg6[%dma_start3A_235, %dma_start3A_236] : memref<10240x128xf32, #tpu.memory_space<vmem_shared>> -> memref<10240x128xf32, #tpu.memory_space<vmem_shared>>
      tpu.enqueue_indirect_dma source(%arg10 : memref<40x128xf32, #tpu.memory_space<vmem>>) target(%dma_start3A_237 : memref<10240x128xf32, #tpu.memory_space<vmem_shared>>) offsets(%arg15 : memref<40xi32, #tpu.memory_space<vmem>>) semaphore(%arg30 : memref<!tpu.dma_semaphore, #tpu.memory_space<semaphore_mem>>) {add = true}
      %add3A_238 = arith.constant 10 : i32
      %add3A_239 = arith.addi %add3A_211, %add3A_238 : i32
      %sub3A_240 = arith.constant 1 : i32
      %sub3A_241 = arith.subi %add3A_239, %sub3A_240 : i32
      %lt3A_242 = arith.constant 500 : i32
      %lt3A_243 = arith.cmpi slt, %sub3A_241, %lt3A_242 : i32
      %convert_element_type3A_244 = arith.extui %lt3A_243 : i1 to i32
      %cond3A_245 = arith.constant 0 : i32
      %cond3A_246 = arith.cmpi ne, %convert_element_type3A_244, %cond3A_245 : i32
      scf.if %cond3A_246 {
        %add3A_481 = arith.constant 10 : i32
        %add3A_482 = arith.addi %add3A_211, %add3A_481 : i32
        %sub3A_483 = arith.constant 1 : i32
        %sub3A_484 = arith.subi %add3A_482, %sub3A_483 : i32
        %mul3A_485 = arith.constant 40 : i32
        %mul3A_486 = arith.muli %sub3A_484, %mul3A_485 : i32
        %add3A_487 = arith.addi %add3A, %mul3A_486 : i32
        %dma_start3A_488 = tpu.memref_slice %arg3[%add3A_487] : memref<640000xi32, #tpu.memory_space<hbm>> -> memref<40xi32, #tpu.memory_space<hbm>>
        %dma_start3A_489 = tpu.memref_slice %arg3[%add3A_487] : memref<640000xi32, #tpu.memory_space<hbm>> -> memref<40xi32, #tpu.memory_space<hbm>>
        tpu.enqueue_dma source(%dma_start3A_489 : memref<40xi32, #tpu.memory_space<hbm>>) target(%arg14 : memref<40xi32, #tpu.memory_space<vmem>>) target_semaphore(%arg34 : memref<!tpu.dma_semaphore, #tpu.memory_space<semaphore_mem>>)
      } else {
      }
      %mul3A_247 = arith.constant 10 : i32
      %mul3A_248 = arith.muli %scan3A_95, %mul3A_247 : i32
      %add3A_249 = arith.constant 4 : i32
      %add3A_250 = arith.addi %mul3A_248, %add3A_249 : i32
      %add3A_251 = arith.constant 4 : i32
      %add3A_252 = arith.addi %add3A_250, %add3A_251 : i32
      %lt3A_253 = arith.constant 500 : i32
      %lt3A_254 = arith.cmpi slt, %add3A_252, %lt3A_253 : i32
      %convert_element_type3A_255 = arith.extui %lt3A_254 : i1 to i32
      %cond3A_256 = arith.constant 0 : i32
      %cond3A_257 = arith.cmpi ne, %convert_element_type3A_255, %cond3A_256 : i32
      scf.if %cond3A_257 {
        %dma_wait3A_481 = arith.constant 0 : i32
        %dma_wait3A_482 = tpu.memref_slice %arg3[%dma_wait3A_481] : memref<640000xi32, #tpu.memory_space<hbm>> -> memref<40xi32, #tpu.memory_space<hbm>>
        %dma_wait3A_483 = arith.constant 0 : i32
        %dma_wait3A_484 = tpu.memref_slice %arg3[%dma_wait3A_483] : memref<640000xi32, #tpu.memory_space<hbm>> -> memref<40xi32, #tpu.memory_space<hbm>>
        tpu.wait_dma2 semaphore(%arg40 : memref<!tpu.dma_semaphore, #tpu.memory_space<semaphore_mem>>) src(%dma_wait3A_484 : memref<40xi32, #tpu.memory_space<hbm>>) dst(%arg20 : memref<40xi32, #tpu.memory_space<vmem>>)
      } else {
      }
      %ge3A_258 = arith.constant 1 : i32
      %ge3A_259 = arith.cmpi sge, %add3A_250, %ge3A_258 : i32
      %convert_element_type3A_260 = arith.extui %ge3A_259 : i1 to i32
      %cond3A_261 = arith.constant 0 : i32
      %cond3A_262 = arith.cmpi ne, %convert_element_type3A_260, %cond3A_261 : i32
      scf.if %cond3A_262 {
        %dma_wait3A_481 = arith.constant 0 : i32
        %dma_wait3A_482 = arith.constant 0 : i32
        %dma_wait3A_483 = tpu.memref_slice %arg2[%dma_wait3A_481, %dma_wait3A_482] : memref<640000x128xf32, #tpu.memory_space<hbm>> -> memref<40x128xf32, #tpu.memory_space<hbm>>
        %dma_wait3A_484 = arith.constant 0 : i32
        %dma_wait3A_485 = arith.constant 0 : i32
        %dma_wait3A_486 = tpu.memref_slice %arg2[%dma_wait3A_484, %dma_wait3A_485] : memref<640000x128xf32, #tpu.memory_space<hbm>> -> memref<40x128xf32, #tpu.memory_space<hbm>>
        tpu.wait_dma2 semaphore(%arg30 : memref<!tpu.dma_semaphore, #tpu.memory_space<semaphore_mem>>) src(%dma_wait3A_486 : memref<40x128xf32, #tpu.memory_space<hbm>>) dst(%arg10 : memref<40x128xf32, #tpu.memory_space<vmem>>)
      } else {
      }
      %lt3A_263 = arith.constant 500 : i32
      %lt3A_264 = arith.cmpi slt, %add3A_252, %lt3A_263 : i32
      %convert_element_type3A_265 = arith.extui %lt3A_264 : i1 to i32
      %cond3A_266 = arith.constant 0 : i32
      %cond3A_267 = arith.cmpi ne, %convert_element_type3A_265, %cond3A_266 : i32
      scf.if %cond3A_267 {
        %mul3A_481 = arith.constant 40 : i32
        %mul3A_482 = arith.muli %add3A_252, %mul3A_481 : i32
        %add3A_483 = arith.addi %add3A, %mul3A_482 : i32
        %dma_start3A_484 = arith.constant 0 : i32
        %dma_start3A_485 = tpu.memref_slice %arg2[%add3A_483, %dma_start3A_484] : memref<640000x128xf32, #tpu.memory_space<hbm>> -> memref<40x128xf32, #tpu.memory_space<hbm>>
        %dma_start3A_486 = arith.constant 0 : i32
        %dma_start3A_487 = tpu.memref_slice %arg2[%add3A_483, %dma_start3A_486] : memref<640000x128xf32, #tpu.memory_space<hbm>> -> memref<40x128xf32, #tpu.memory_space<hbm>>
        tpu.enqueue_dma source(%dma_start3A_487 : memref<40x128xf32, #tpu.memory_space<hbm>>) target(%arg10 : memref<40x128xf32, #tpu.memory_space<vmem>>) target_semaphore(%arg25 : memref<!tpu.dma_semaphore, #tpu.memory_space<semaphore_mem>>)
      } else {
      }
      %dma_wait3A_268 = arith.constant 0 : i32
      %dma_wait3A_269 = arith.constant 0 : i32
      %dma_wait3A_270 = tpu.memref_slice %arg2[%dma_wait3A_268, %dma_wait3A_269] : memref<640000x128xf32, #tpu.memory_space<hbm>> -> memref<40x128xf32, #tpu.memory_space<hbm>>
      %dma_wait3A_271 = arith.constant 0 : i32
      %dma_wait3A_272 = arith.constant 0 : i32
      %dma_wait3A_273 = tpu.memref_slice %arg2[%dma_wait3A_271, %dma_wait3A_272] : memref<640000x128xf32, #tpu.memory_space<hbm>> -> memref<40x128xf32, #tpu.memory_space<hbm>>
      tpu.wait_dma2 semaphore(%arg26 : memref<!tpu.dma_semaphore, #tpu.memory_space<semaphore_mem>>) src(%dma_wait3A_273 : memref<40x128xf32, #tpu.memory_space<hbm>>) dst(%arg11 : memref<40x128xf32, #tpu.memory_space<vmem>>)
      %dma_start3A_274 = arith.constant 0 : i32
      %dma_start3A_275 = arith.constant 0 : i32
      %dma_start3A_276 = tpu.memref_slice %arg6[%dma_start3A_274, %dma_start3A_275] : memref<10240x128xf32, #tpu.memory_space<vmem_shared>> -> memref<10240x128xf32, #tpu.memory_space<vmem_shared>>
      tpu.enqueue_indirect_dma source(%arg11 : memref<40x128xf32, #tpu.memory_space<vmem>>) target(%dma_start3A_276 : memref<10240x128xf32, #tpu.memory_space<vmem_shared>>) offsets(%arg16 : memref<40xi32, #tpu.memory_space<vmem>>) semaphore(%arg31 : memref<!tpu.dma_semaphore, #tpu.memory_space<semaphore_mem>>) {add = true}
      %add3A_277 = arith.constant 10 : i32
      %add3A_278 = arith.addi %add3A_250, %add3A_277 : i32
      %sub3A_279 = arith.constant 1 : i32
      %sub3A_280 = arith.subi %add3A_278, %sub3A_279 : i32
      %lt3A_281 = arith.constant 500 : i32
      %lt3A_282 = arith.cmpi slt, %sub3A_280, %lt3A_281 : i32
      %convert_element_type3A_283 = arith.extui %lt3A_282 : i1 to i32
      %cond3A_284 = arith.constant 0 : i32
      %cond3A_285 = arith.cmpi ne, %convert_element_type3A_283, %cond3A_284 : i32
      scf.if %cond3A_285 {
        %add3A_481 = arith.constant 10 : i32
        %add3A_482 = arith.addi %add3A_250, %add3A_481 : i32
        %sub3A_483 = arith.constant 1 : i32
        %sub3A_484 = arith.subi %add3A_482, %sub3A_483 : i32
        %mul3A_485 = arith.constant 40 : i32
        %mul3A_486 = arith.muli %sub3A_484, %mul3A_485 : i32
        %add3A_487 = arith.addi %add3A, %mul3A_486 : i32
        %dma_start3A_488 = tpu.memref_slice %arg3[%add3A_487] : memref<640000xi32, #tpu.memory_space<hbm>> -> memref<40xi32, #tpu.memory_space<hbm>>
        %dma_start3A_489 = tpu.memref_slice %arg3[%add3A_487] : memref<640000xi32, #tpu.memory_space<hbm>> -> memref<40xi32, #tpu.memory_space<hbm>>
        tpu.enqueue_dma source(%dma_start3A_489 : memref<40xi32, #tpu.memory_space<hbm>>) target(%arg15 : memref<40xi32, #tpu.memory_space<vmem>>) target_semaphore(%arg35 : memref<!tpu.dma_semaphore, #tpu.memory_space<semaphore_mem>>)
      } else {
      }
      %mul3A_286 = arith.constant 10 : i32
      %mul3A_287 = arith.muli %scan3A_95, %mul3A_286 : i32
      %add3A_288 = arith.constant 5 : i32
      %add3A_289 = arith.addi %mul3A_287, %add3A_288 : i32
      %add3A_290 = arith.constant 4 : i32
      %add3A_291 = arith.addi %add3A_289, %add3A_290 : i32
      %lt3A_292 = arith.constant 500 : i32
      %lt3A_293 = arith.cmpi slt, %add3A_291, %lt3A_292 : i32
      %convert_element_type3A_294 = arith.extui %lt3A_293 : i1 to i32
      %cond3A_295 = arith.constant 0 : i32
      %cond3A_296 = arith.cmpi ne, %convert_element_type3A_294, %cond3A_295 : i32
      scf.if %cond3A_296 {
        %dma_wait3A_481 = arith.constant 0 : i32
        %dma_wait3A_482 = tpu.memref_slice %arg3[%dma_wait3A_481] : memref<640000xi32, #tpu.memory_space<hbm>> -> memref<40xi32, #tpu.memory_space<hbm>>
        %dma_wait3A_483 = arith.constant 0 : i32
        %dma_wait3A_484 = tpu.memref_slice %arg3[%dma_wait3A_483] : memref<640000xi32, #tpu.memory_space<hbm>> -> memref<40xi32, #tpu.memory_space<hbm>>
        tpu.wait_dma2 semaphore(%arg41 : memref<!tpu.dma_semaphore, #tpu.memory_space<semaphore_mem>>) src(%dma_wait3A_484 : memref<40xi32, #tpu.memory_space<hbm>>) dst(%arg21 : memref<40xi32, #tpu.memory_space<vmem>>)
      } else {
      }
      %ge3A_297 = arith.constant 1 : i32
      %ge3A_298 = arith.cmpi sge, %add3A_289, %ge3A_297 : i32
      %convert_element_type3A_299 = arith.extui %ge3A_298 : i1 to i32
      %cond3A_300 = arith.constant 0 : i32
      %cond3A_301 = arith.cmpi ne, %convert_element_type3A_299, %cond3A_300 : i32
      scf.if %cond3A_301 {
        %dma_wait3A_481 = arith.constant 0 : i32
        %dma_wait3A_482 = arith.constant 0 : i32
        %dma_wait3A_483 = tpu.memref_slice %arg2[%dma_wait3A_481, %dma_wait3A_482] : memref<640000x128xf32, #tpu.memory_space<hbm>> -> memref<40x128xf32, #tpu.memory_space<hbm>>
        %dma_wait3A_484 = arith.constant 0 : i32
        %dma_wait3A_485 = arith.constant 0 : i32
        %dma_wait3A_486 = tpu.memref_slice %arg2[%dma_wait3A_484, %dma_wait3A_485] : memref<640000x128xf32, #tpu.memory_space<hbm>> -> memref<40x128xf32, #tpu.memory_space<hbm>>
        tpu.wait_dma2 semaphore(%arg31 : memref<!tpu.dma_semaphore, #tpu.memory_space<semaphore_mem>>) src(%dma_wait3A_486 : memref<40x128xf32, #tpu.memory_space<hbm>>) dst(%arg11 : memref<40x128xf32, #tpu.memory_space<vmem>>)
      } else {
      }
      %lt3A_302 = arith.constant 500 : i32
      %lt3A_303 = arith.cmpi slt, %add3A_291, %lt3A_302 : i32
      %convert_element_type3A_304 = arith.extui %lt3A_303 : i1 to i32
      %cond3A_305 = arith.constant 0 : i32
      %cond3A_306 = arith.cmpi ne, %convert_element_type3A_304, %cond3A_305 : i32
      scf.if %cond3A_306 {
        %mul3A_481 = arith.constant 40 : i32
        %mul3A_482 = arith.muli %add3A_291, %mul3A_481 : i32
        %add3A_483 = arith.addi %add3A, %mul3A_482 : i32
        %dma_start3A_484 = arith.constant 0 : i32
        %dma_start3A_485 = tpu.memref_slice %arg2[%add3A_483, %dma_start3A_484] : memref<640000x128xf32, #tpu.memory_space<hbm>> -> memref<40x128xf32, #tpu.memory_space<hbm>>
        %dma_start3A_486 = arith.constant 0 : i32
        %dma_start3A_487 = tpu.memref_slice %arg2[%add3A_483, %dma_start3A_486] : memref<640000x128xf32, #tpu.memory_space<hbm>> -> memref<40x128xf32, #tpu.memory_space<hbm>>
        tpu.enqueue_dma source(%dma_start3A_487 : memref<40x128xf32, #tpu.memory_space<hbm>>) target(%arg11 : memref<40x128xf32, #tpu.memory_space<vmem>>) target_semaphore(%arg26 : memref<!tpu.dma_semaphore, #tpu.memory_space<semaphore_mem>>)
      } else {
      }
      %dma_wait3A_307 = arith.constant 0 : i32
      %dma_wait3A_308 = arith.constant 0 : i32
      %dma_wait3A_309 = tpu.memref_slice %arg2[%dma_wait3A_307, %dma_wait3A_308] : memref<640000x128xf32, #tpu.memory_space<hbm>> -> memref<40x128xf32, #tpu.memory_space<hbm>>
      %dma_wait3A_310 = arith.constant 0 : i32
      %dma_wait3A_311 = arith.constant 0 : i32
      %dma_wait3A_312 = tpu.memref_slice %arg2[%dma_wait3A_310, %dma_wait3A_311] : memref<640000x128xf32, #tpu.memory_space<hbm>> -> memref<40x128xf32, #tpu.memory_space<hbm>>
      tpu.wait_dma2 semaphore(%arg22 : memref<!tpu.dma_semaphore, #tpu.memory_space<semaphore_mem>>) src(%dma_wait3A_312 : memref<40x128xf32, #tpu.memory_space<hbm>>) dst(%arg7 : memref<40x128xf32, #tpu.memory_space<vmem>>)
      %dma_start3A_313 = arith.constant 0 : i32
      %dma_start3A_314 = arith.constant 0 : i32
      %dma_start3A_315 = tpu.memref_slice %arg6[%dma_start3A_313, %dma_start3A_314] : memref<10240x128xf32, #tpu.memory_space<vmem_shared>> -> memref<10240x128xf32, #tpu.memory_space<vmem_shared>>
      tpu.enqueue_indirect_dma source(%arg7 : memref<40x128xf32, #tpu.memory_space<vmem>>) target(%dma_start3A_315 : memref<10240x128xf32, #tpu.memory_space<vmem_shared>>) offsets(%arg17 : memref<40xi32, #tpu.memory_space<vmem>>) semaphore(%arg27 : memref<!tpu.dma_semaphore, #tpu.memory_space<semaphore_mem>>) {add = true}
      %add3A_316 = arith.constant 10 : i32
      %add3A_317 = arith.addi %add3A_289, %add3A_316 : i32
      %sub3A_318 = arith.constant 1 : i32
      %sub3A_319 = arith.subi %add3A_317, %sub3A_318 : i32
      %lt3A_320 = arith.constant 500 : i32
      %lt3A_321 = arith.cmpi slt, %sub3A_319, %lt3A_320 : i32
      %convert_element_type3A_322 = arith.extui %lt3A_321 : i1 to i32
      %cond3A_323 = arith.constant 0 : i32
      %cond3A_324 = arith.cmpi ne, %convert_element_type3A_322, %cond3A_323 : i32
      scf.if %cond3A_324 {
        %add3A_481 = arith.constant 10 : i32
        %add3A_482 = arith.addi %add3A_289, %add3A_481 : i32
        %sub3A_483 = arith.constant 1 : i32
        %sub3A_484 = arith.subi %add3A_482, %sub3A_483 : i32
        %mul3A_485 = arith.constant 40 : i32
        %mul3A_486 = arith.muli %sub3A_484, %mul3A_485 : i32
        %add3A_487 = arith.addi %add3A, %mul3A_486 : i32
        %dma_start3A_488 = tpu.memref_slice %arg3[%add3A_487] : memref<640000xi32, #tpu.memory_space<hbm>> -> memref<40xi32, #tpu.memory_space<hbm>>
        %dma_start3A_489 = tpu.memref_slice %arg3[%add3A_487] : memref<640000xi32, #tpu.memory_space<hbm>> -> memref<40xi32, #tpu.memory_space<hbm>>
        tpu.enqueue_dma source(%dma_start3A_489 : memref<40xi32, #tpu.memory_space<hbm>>) target(%arg16 : memref<40xi32, #tpu.memory_space<vmem>>) target_semaphore(%arg36 : memref<!tpu.dma_semaphore, #tpu.memory_space<semaphore_mem>>)
      } else {
      }
      %mul3A_325 = arith.constant 10 : i32
      %mul3A_326 = arith.muli %scan3A_95, %mul3A_325 : i32
      %add3A_327 = arith.constant 6 : i32
      %add3A_328 = arith.addi %mul3A_326, %add3A_327 : i32
      %add3A_329 = arith.constant 4 : i32
      %add3A_330 = arith.addi %add3A_328, %add3A_329 : i32
      %lt3A_331 = arith.constant 500 : i32
      %lt3A_332 = arith.cmpi slt, %add3A_330, %lt3A_331 : i32
      %convert_element_type3A_333 = arith.extui %lt3A_332 : i1 to i32
      %cond3A_334 = arith.constant 0 : i32
      %cond3A_335 = arith.cmpi ne, %convert_element_type3A_333, %cond3A_334 : i32
      scf.if %cond3A_335 {
        %dma_wait3A_481 = arith.constant 0 : i32
        %dma_wait3A_482 = tpu.memref_slice %arg3[%dma_wait3A_481] : memref<640000xi32, #tpu.memory_space<hbm>> -> memref<40xi32, #tpu.memory_space<hbm>>
        %dma_wait3A_483 = arith.constant 0 : i32
        %dma_wait3A_484 = tpu.memref_slice %arg3[%dma_wait3A_483] : memref<640000xi32, #tpu.memory_space<hbm>> -> memref<40xi32, #tpu.memory_space<hbm>>
        tpu.wait_dma2 semaphore(%arg32 : memref<!tpu.dma_semaphore, #tpu.memory_space<semaphore_mem>>) src(%dma_wait3A_484 : memref<40xi32, #tpu.memory_space<hbm>>) dst(%arg12 : memref<40xi32, #tpu.memory_space<vmem>>)
      } else {
      }
      %ge3A_336 = arith.constant 1 : i32
      %ge3A_337 = arith.cmpi sge, %add3A_328, %ge3A_336 : i32
      %convert_element_type3A_338 = arith.extui %ge3A_337 : i1 to i32
      %cond3A_339 = arith.constant 0 : i32
      %cond3A_340 = arith.cmpi ne, %convert_element_type3A_338, %cond3A_339 : i32
      scf.if %cond3A_340 {
        %dma_wait3A_481 = arith.constant 0 : i32
        %dma_wait3A_482 = arith.constant 0 : i32
        %dma_wait3A_483 = tpu.memref_slice %arg2[%dma_wait3A_481, %dma_wait3A_482] : memref<640000x128xf32, #tpu.memory_space<hbm>> -> memref<40x128xf32, #tpu.memory_space<hbm>>
        %dma_wait3A_484 = arith.constant 0 : i32
        %dma_wait3A_485 = arith.constant 0 : i32
        %dma_wait3A_486 = tpu.memref_slice %arg2[%dma_wait3A_484, %dma_wait3A_485] : memref<640000x128xf32, #tpu.memory_space<hbm>> -> memref<40x128xf32, #tpu.memory_space<hbm>>
        tpu.wait_dma2 semaphore(%arg27 : memref<!tpu.dma_semaphore, #tpu.memory_space<semaphore_mem>>) src(%dma_wait3A_486 : memref<40x128xf32, #tpu.memory_space<hbm>>) dst(%arg7 : memref<40x128xf32, #tpu.memory_space<vmem>>)
      } else {
      }
      %lt3A_341 = arith.constant 500 : i32
      %lt3A_342 = arith.cmpi slt, %add3A_330, %lt3A_341 : i32
      %convert_element_type3A_343 = arith.extui %lt3A_342 : i1 to i32
      %cond3A_344 = arith.constant 0 : i32
      %cond3A_345 = arith.cmpi ne, %convert_element_type3A_343, %cond3A_344 : i32
      scf.if %cond3A_345 {
        %mul3A_481 = arith.constant 40 : i32
        %mul3A_482 = arith.muli %add3A_330, %mul3A_481 : i32
        %add3A_483 = arith.addi %add3A, %mul3A_482 : i32
        %dma_start3A_484 = arith.constant 0 : i32
        %dma_start3A_485 = tpu.memref_slice %arg2[%add3A_483, %dma_start3A_484] : memref<640000x128xf32, #tpu.memory_space<hbm>> -> memref<40x128xf32, #tpu.memory_space<hbm>>
        %dma_start3A_486 = arith.constant 0 : i32
        %dma_start3A_487 = tpu.memref_slice %arg2[%add3A_483, %dma_start3A_486] : memref<640000x128xf32, #tpu.memory_space<hbm>> -> memref<40x128xf32, #tpu.memory_space<hbm>>
        tpu.enqueue_dma source(%dma_start3A_487 : memref<40x128xf32, #tpu.memory_space<hbm>>) target(%arg7 : memref<40x128xf32, #tpu.memory_space<vmem>>) target_semaphore(%arg22 : memref<!tpu.dma_semaphore, #tpu.memory_space<semaphore_mem>>)
      } else {
      }
      %dma_wait3A_346 = arith.constant 0 : i32
      %dma_wait3A_347 = arith.constant 0 : i32
      %dma_wait3A_348 = tpu.memref_slice %arg2[%dma_wait3A_346, %dma_wait3A_347] : memref<640000x128xf32, #tpu.memory_space<hbm>> -> memref<40x128xf32, #tpu.memory_space<hbm>>
      %dma_wait3A_349 = arith.constant 0 : i32
      %dma_wait3A_350 = arith.constant 0 : i32
      %dma_wait3A_351 = tpu.memref_slice %arg2[%dma_wait3A_349, %dma_wait3A_350] : memref<640000x128xf32, #tpu.memory_space<hbm>> -> memref<40x128xf32, #tpu.memory_space<hbm>>
      tpu.wait_dma2 semaphore(%arg23 : memref<!tpu.dma_semaphore, #tpu.memory_space<semaphore_mem>>) src(%dma_wait3A_351 : memref<40x128xf32, #tpu.memory_space<hbm>>) dst(%arg8 : memref<40x128xf32, #tpu.memory_space<vmem>>)
      %dma_start3A_352 = arith.constant 0 : i32
      %dma_start3A_353 = arith.constant 0 : i32
      %dma_start3A_354 = tpu.memref_slice %arg6[%dma_start3A_352, %dma_start3A_353] : memref<10240x128xf32, #tpu.memory_space<vmem_shared>> -> memref<10240x128xf32, #tpu.memory_space<vmem_shared>>
      tpu.enqueue_indirect_dma source(%arg8 : memref<40x128xf32, #tpu.memory_space<vmem>>) target(%dma_start3A_354 : memref<10240x128xf32, #tpu.memory_space<vmem_shared>>) offsets(%arg18 : memref<40xi32, #tpu.memory_space<vmem>>) semaphore(%arg28 : memref<!tpu.dma_semaphore, #tpu.memory_space<semaphore_mem>>) {add = true}
      %add3A_355 = arith.constant 10 : i32
      %add3A_356 = arith.addi %add3A_328, %add3A_355 : i32
      %sub3A_357 = arith.constant 1 : i32
      %sub3A_358 = arith.subi %add3A_356, %sub3A_357 : i32
      %lt3A_359 = arith.constant 500 : i32
      %lt3A_360 = arith.cmpi slt, %sub3A_358, %lt3A_359 : i32
      %convert_element_type3A_361 = arith.extui %lt3A_360 : i1 to i32
      %cond3A_362 = arith.constant 0 : i32
      %cond3A_363 = arith.cmpi ne, %convert_element_type3A_361, %cond3A_362 : i32
      scf.if %cond3A_363 {
        %add3A_481 = arith.constant 10 : i32
        %add3A_482 = arith.addi %add3A_328, %add3A_481 : i32
        %sub3A_483 = arith.constant 1 : i32
        %sub3A_484 = arith.subi %add3A_482, %sub3A_483 : i32
        %mul3A_485 = arith.constant 40 : i32
        %mul3A_486 = arith.muli %sub3A_484, %mul3A_485 : i32
        %add3A_487 = arith.addi %add3A, %mul3A_486 : i32
        %dma_start3A_488 = tpu.memref_slice %arg3[%add3A_487] : memref<640000xi32, #tpu.memory_space<hbm>> -> memref<40xi32, #tpu.memory_space<hbm>>
        %dma_start3A_489 = tpu.memref_slice %arg3[%add3A_487] : memref<640000xi32, #tpu.memory_space<hbm>> -> memref<40xi32, #tpu.memory_space<hbm>>
        tpu.enqueue_dma source(%dma_start3A_489 : memref<40xi32, #tpu.memory_space<hbm>>) target(%arg17 : memref<40xi32, #tpu.memory_space<vmem>>) target_semaphore(%arg37 : memref<!tpu.dma_semaphore, #tpu.memory_space<semaphore_mem>>)
      } else {
      }
      %mul3A_364 = arith.constant 10 : i32
      %mul3A_365 = arith.muli %scan3A_95, %mul3A_364 : i32
      %add3A_366 = arith.constant 7 : i32
      %add3A_367 = arith.addi %mul3A_365, %add3A_366 : i32
      %add3A_368 = arith.constant 4 : i32
      %add3A_369 = arith.addi %add3A_367, %add3A_368 : i32
      %lt3A_370 = arith.constant 500 : i32
      %lt3A_371 = arith.cmpi slt, %add3A_369, %lt3A_370 : i32
      %convert_element_type3A_372 = arith.extui %lt3A_371 : i1 to i32
      %cond3A_373 = arith.constant 0 : i32
      %cond3A_374 = arith.cmpi ne, %convert_element_type3A_372, %cond3A_373 : i32
      scf.if %cond3A_374 {
        %dma_wait3A_481 = arith.constant 0 : i32
        %dma_wait3A_482 = tpu.memref_slice %arg3[%dma_wait3A_481] : memref<640000xi32, #tpu.memory_space<hbm>> -> memref<40xi32, #tpu.memory_space<hbm>>
        %dma_wait3A_483 = arith.constant 0 : i32
        %dma_wait3A_484 = tpu.memref_slice %arg3[%dma_wait3A_483] : memref<640000xi32, #tpu.memory_space<hbm>> -> memref<40xi32, #tpu.memory_space<hbm>>
        tpu.wait_dma2 semaphore(%arg33 : memref<!tpu.dma_semaphore, #tpu.memory_space<semaphore_mem>>) src(%dma_wait3A_484 : memref<40xi32, #tpu.memory_space<hbm>>) dst(%arg13 : memref<40xi32, #tpu.memory_space<vmem>>)
      } else {
      }
      %ge3A_375 = arith.constant 1 : i32
      %ge3A_376 = arith.cmpi sge, %add3A_367, %ge3A_375 : i32
      %convert_element_type3A_377 = arith.extui %ge3A_376 : i1 to i32
      %cond3A_378 = arith.constant 0 : i32
      %cond3A_379 = arith.cmpi ne, %convert_element_type3A_377, %cond3A_378 : i32
      scf.if %cond3A_379 {
        %dma_wait3A_481 = arith.constant 0 : i32
        %dma_wait3A_482 = arith.constant 0 : i32
        %dma_wait3A_483 = tpu.memref_slice %arg2[%dma_wait3A_481, %dma_wait3A_482] : memref<640000x128xf32, #tpu.memory_space<hbm>> -> memref<40x128xf32, #tpu.memory_space<hbm>>
        %dma_wait3A_484 = arith.constant 0 : i32
        %dma_wait3A_485 = arith.constant 0 : i32
        %dma_wait3A_486 = tpu.memref_slice %arg2[%dma_wait3A_484, %dma_wait3A_485] : memref<640000x128xf32, #tpu.memory_space<hbm>> -> memref<40x128xf32, #tpu.memory_space<hbm>>
        tpu.wait_dma2 semaphore(%arg28 : memref<!tpu.dma_semaphore, #tpu.memory_space<semaphore_mem>>) src(%dma_wait3A_486 : memref<40x128xf32, #tpu.memory_space<hbm>>) dst(%arg8 : memref<40x128xf32, #tpu.memory_space<vmem>>)
      } else {
      }
      %lt3A_380 = arith.constant 500 : i32
      %lt3A_381 = arith.cmpi slt, %add3A_369, %lt3A_380 : i32
      %convert_element_type3A_382 = arith.extui %lt3A_381 : i1 to i32
      %cond3A_383 = arith.constant 0 : i32
      %cond3A_384 = arith.cmpi ne, %convert_element_type3A_382, %cond3A_383 : i32
      scf.if %cond3A_384 {
        %mul3A_481 = arith.constant 40 : i32
        %mul3A_482 = arith.muli %add3A_369, %mul3A_481 : i32
        %add3A_483 = arith.addi %add3A, %mul3A_482 : i32
        %dma_start3A_484 = arith.constant 0 : i32
        %dma_start3A_485 = tpu.memref_slice %arg2[%add3A_483, %dma_start3A_484] : memref<640000x128xf32, #tpu.memory_space<hbm>> -> memref<40x128xf32, #tpu.memory_space<hbm>>
        %dma_start3A_486 = arith.constant 0 : i32
        %dma_start3A_487 = tpu.memref_slice %arg2[%add3A_483, %dma_start3A_486] : memref<640000x128xf32, #tpu.memory_space<hbm>> -> memref<40x128xf32, #tpu.memory_space<hbm>>
        tpu.enqueue_dma source(%dma_start3A_487 : memref<40x128xf32, #tpu.memory_space<hbm>>) target(%arg8 : memref<40x128xf32, #tpu.memory_space<vmem>>) target_semaphore(%arg23 : memref<!tpu.dma_semaphore, #tpu.memory_space<semaphore_mem>>)
      } else {
      }
      %dma_wait3A_385 = arith.constant 0 : i32
      %dma_wait3A_386 = arith.constant 0 : i32
      %dma_wait3A_387 = tpu.memref_slice %arg2[%dma_wait3A_385, %dma_wait3A_386] : memref<640000x128xf32, #tpu.memory_space<hbm>> -> memref<40x128xf32, #tpu.memory_space<hbm>>
      %dma_wait3A_388 = arith.constant 0 : i32
      %dma_wait3A_389 = arith.constant 0 : i32
      %dma_wait3A_390 = tpu.memref_slice %arg2[%dma_wait3A_388, %dma_wait3A_389] : memref<640000x128xf32, #tpu.memory_space<hbm>> -> memref<40x128xf32, #tpu.memory_space<hbm>>
      tpu.wait_dma2 semaphore(%arg24 : memref<!tpu.dma_semaphore, #tpu.memory_space<semaphore_mem>>) src(%dma_wait3A_390 : memref<40x128xf32, #tpu.memory_space<hbm>>) dst(%arg9 : memref<40x128xf32, #tpu.memory_space<vmem>>)
      %dma_start3A_391 = arith.constant 0 : i32
      %dma_start3A_392 = arith.constant 0 : i32
      %dma_start3A_393 = tpu.memref_slice %arg6[%dma_start3A_391, %dma_start3A_392] : memref<10240x128xf32, #tpu.memory_space<vmem_shared>> -> memref<10240x128xf32, #tpu.memory_space<vmem_shared>>
      tpu.enqueue_indirect_dma source(%arg9 : memref<40x128xf32, #tpu.memory_space<vmem>>) target(%dma_start3A_393 : memref<10240x128xf32, #tpu.memory_space<vmem_shared>>) offsets(%arg19 : memref<40xi32, #tpu.memory_space<vmem>>) semaphore(%arg29 : memref<!tpu.dma_semaphore, #tpu.memory_space<semaphore_mem>>) {add = true}
      %add3A_394 = arith.constant 10 : i32
      %add3A_395 = arith.addi %add3A_367, %add3A_394 : i32
      %sub3A_396 = arith.constant 1 : i32
      %sub3A_397 = arith.subi %add3A_395, %sub3A_396 : i32
      %lt3A_398 = arith.constant 500 : i32
      %lt3A_399 = arith.cmpi slt, %sub3A_397, %lt3A_398 : i32
      %convert_element_type3A_400 = arith.extui %lt3A_399 : i1 to i32
      %cond3A_401 = arith.constant 0 : i32
      %cond3A_402 = arith.cmpi ne, %convert_element_type3A_400, %cond3A_401 : i32
      scf.if %cond3A_402 {
        %add3A_481 = arith.constant 10 : i32
        %add3A_482 = arith.addi %add3A_367, %add3A_481 : i32
        %sub3A_483 = arith.constant 1 : i32
        %sub3A_484 = arith.subi %add3A_482, %sub3A_483 : i32
        %mul3A_485 = arith.constant 40 : i32
        %mul3A_486 = arith.muli %sub3A_484, %mul3A_485 : i32
        %add3A_487 = arith.addi %add3A, %mul3A_486 : i32
        %dma_start3A_488 = tpu.memref_slice %arg3[%add3A_487] : memref<640000xi32, #tpu.memory_space<hbm>> -> memref<40xi32, #tpu.memory_space<hbm>>
        %dma_start3A_489 = tpu.memref_slice %arg3[%add3A_487] : memref<640000xi32, #tpu.memory_space<hbm>> -> memref<40xi32, #tpu.memory_space<hbm>>
        tpu.enqueue_dma source(%dma_start3A_489 : memref<40xi32, #tpu.memory_space<hbm>>) target(%arg18 : memref<40xi32, #tpu.memory_space<vmem>>) target_semaphore(%arg38 : memref<!tpu.dma_semaphore, #tpu.memory_space<semaphore_mem>>)
      } else {
      }
      %mul3A_403 = arith.constant 10 : i32
      %mul3A_404 = arith.muli %scan3A_95, %mul3A_403 : i32
      %add3A_405 = arith.constant 8 : i32
      %add3A_406 = arith.addi %mul3A_404, %add3A_405 : i32
      %add3A_407 = arith.constant 4 : i32
      %add3A_408 = arith.addi %add3A_406, %add3A_407 : i32
      %lt3A_409 = arith.constant 500 : i32
      %lt3A_410 = arith.cmpi slt, %add3A_408, %lt3A_409 : i32
      %convert_element_type3A_411 = arith.extui %lt3A_410 : i1 to i32
      %cond3A_412 = arith.constant 0 : i32
      %cond3A_413 = arith.cmpi ne, %convert_element_type3A_411, %cond3A_412 : i32
      scf.if %cond3A_413 {
        %dma_wait3A_481 = arith.constant 0 : i32
        %dma_wait3A_482 = tpu.memref_slice %arg3[%dma_wait3A_481] : memref<640000xi32, #tpu.memory_space<hbm>> -> memref<40xi32, #tpu.memory_space<hbm>>
        %dma_wait3A_483 = arith.constant 0 : i32
        %dma_wait3A_484 = tpu.memref_slice %arg3[%dma_wait3A_483] : memref<640000xi32, #tpu.memory_space<hbm>> -> memref<40xi32, #tpu.memory_space<hbm>>
        tpu.wait_dma2 semaphore(%arg34 : memref<!tpu.dma_semaphore, #tpu.memory_space<semaphore_mem>>) src(%dma_wait3A_484 : memref<40xi32, #tpu.memory_space<hbm>>) dst(%arg14 : memref<40xi32, #tpu.memory_space<vmem>>)
      } else {
      }
      %ge3A_414 = arith.constant 1 : i32
      %ge3A_415 = arith.cmpi sge, %add3A_406, %ge3A_414 : i32
      %convert_element_type3A_416 = arith.extui %ge3A_415 : i1 to i32
      %cond3A_417 = arith.constant 0 : i32
      %cond3A_418 = arith.cmpi ne, %convert_element_type3A_416, %cond3A_417 : i32
      scf.if %cond3A_418 {
        %dma_wait3A_481 = arith.constant 0 : i32
        %dma_wait3A_482 = arith.constant 0 : i32
        %dma_wait3A_483 = tpu.memref_slice %arg2[%dma_wait3A_481, %dma_wait3A_482] : memref<640000x128xf32, #tpu.memory_space<hbm>> -> memref<40x128xf32, #tpu.memory_space<hbm>>
        %dma_wait3A_484 = arith.constant 0 : i32
        %dma_wait3A_485 = arith.constant 0 : i32
        %dma_wait3A_486 = tpu.memref_slice %arg2[%dma_wait3A_484, %dma_wait3A_485] : memref<640000x128xf32, #tpu.memory_space<hbm>> -> memref<40x128xf32, #tpu.memory_space<hbm>>
        tpu.wait_dma2 semaphore(%arg29 : memref<!tpu.dma_semaphore, #tpu.memory_space<semaphore_mem>>) src(%dma_wait3A_486 : memref<40x128xf32, #tpu.memory_space<hbm>>) dst(%arg9 : memref<40x128xf32, #tpu.memory_space<vmem>>)
      } else {
      }
      %lt3A_419 = arith.constant 500 : i32
      %lt3A_420 = arith.cmpi slt, %add3A_408, %lt3A_419 : i32
      %convert_element_type3A_421 = arith.extui %lt3A_420 : i1 to i32
      %cond3A_422 = arith.constant 0 : i32
      %cond3A_423 = arith.cmpi ne, %convert_element_type3A_421, %cond3A_422 : i32
      scf.if %cond3A_423 {
        %mul3A_481 = arith.constant 40 : i32
        %mul3A_482 = arith.muli %add3A_408, %mul3A_481 : i32
        %add3A_483 = arith.addi %add3A, %mul3A_482 : i32
        %dma_start3A_484 = arith.constant 0 : i32
        %dma_start3A_485 = tpu.memref_slice %arg2[%add3A_483, %dma_start3A_484] : memref<640000x128xf32, #tpu.memory_space<hbm>> -> memref<40x128xf32, #tpu.memory_space<hbm>>
        %dma_start3A_486 = arith.constant 0 : i32
        %dma_start3A_487 = tpu.memref_slice %arg2[%add3A_483, %dma_start3A_486] : memref<640000x128xf32, #tpu.memory_space<hbm>> -> memref<40x128xf32, #tpu.memory_space<hbm>>
        tpu.enqueue_dma source(%dma_start3A_487 : memref<40x128xf32, #tpu.memory_space<hbm>>) target(%arg9 : memref<40x128xf32, #tpu.memory_space<vmem>>) target_semaphore(%arg24 : memref<!tpu.dma_semaphore, #tpu.memory_space<semaphore_mem>>)
      } else {
      }
      %dma_wait3A_424 = arith.constant 0 : i32
      %dma_wait3A_425 = arith.constant 0 : i32
      %dma_wait3A_426 = tpu.memref_slice %arg2[%dma_wait3A_424, %dma_wait3A_425] : memref<640000x128xf32, #tpu.memory_space<hbm>> -> memref<40x128xf32, #tpu.memory_space<hbm>>
      %dma_wait3A_427 = arith.constant 0 : i32
      %dma_wait3A_428 = arith.constant 0 : i32
      %dma_wait3A_429 = tpu.memref_slice %arg2[%dma_wait3A_427, %dma_wait3A_428] : memref<640000x128xf32, #tpu.memory_space<hbm>> -> memref<40x128xf32, #tpu.memory_space<hbm>>
      tpu.wait_dma2 semaphore(%arg25 : memref<!tpu.dma_semaphore, #tpu.memory_space<semaphore_mem>>) src(%dma_wait3A_429 : memref<40x128xf32, #tpu.memory_space<hbm>>) dst(%arg10 : memref<40x128xf32, #tpu.memory_space<vmem>>)
      %dma_start3A_430 = arith.constant 0 : i32
      %dma_start3A_431 = arith.constant 0 : i32
      %dma_start3A_432 = tpu.memref_slice %arg6[%dma_start3A_430, %dma_start3A_431] : memref<10240x128xf32, #tpu.memory_space<vmem_shared>> -> memref<10240x128xf32, #tpu.memory_space<vmem_shared>>
      tpu.enqueue_indirect_dma source(%arg10 : memref<40x128xf32, #tpu.memory_space<vmem>>) target(%dma_start3A_432 : memref<10240x128xf32, #tpu.memory_space<vmem_shared>>) offsets(%arg20 : memref<40xi32, #tpu.memory_space<vmem>>) semaphore(%arg30 : memref<!tpu.dma_semaphore, #tpu.memory_space<semaphore_mem>>) {add = true}
      %add3A_433 = arith.constant 10 : i32
      %add3A_434 = arith.addi %add3A_406, %add3A_433 : i32
      %sub3A_435 = arith.constant 1 : i32
      %sub3A_436 = arith.subi %add3A_434, %sub3A_435 : i32
      %lt3A_437 = arith.constant 500 : i32
      %lt3A_438 = arith.cmpi slt, %sub3A_436, %lt3A_437 : i32
      %convert_element_type3A_439 = arith.extui %lt3A_438 : i1 to i32
      %cond3A_440 = arith.constant 0 : i32
      %cond3A_441 = arith.cmpi ne, %convert_element_type3A_439, %cond3A_440 : i32
      scf.if %cond3A_441 {
        %add3A_481 = arith.constant 10 : i32
        %add3A_482 = arith.addi %add3A_406, %add3A_481 : i32
        %sub3A_483 = arith.constant 1 : i32
        %sub3A_484 = arith.subi %add3A_482, %sub3A_483 : i32
        %mul3A_485 = arith.constant 40 : i32
        %mul3A_486 = arith.muli %sub3A_484, %mul3A_485 : i32
        %add3A_487 = arith.addi %add3A, %mul3A_486 : i32
        %dma_start3A_488 = tpu.memref_slice %arg3[%add3A_487] : memref<640000xi32, #tpu.memory_space<hbm>> -> memref<40xi32, #tpu.memory_space<hbm>>
        %dma_start3A_489 = tpu.memref_slice %arg3[%add3A_487] : memref<640000xi32, #tpu.memory_space<hbm>> -> memref<40xi32, #tpu.memory_space<hbm>>
        tpu.enqueue_dma source(%dma_start3A_489 : memref<40xi32, #tpu.memory_space<hbm>>) target(%arg19 : memref<40xi32, #tpu.memory_space<vmem>>) target_semaphore(%arg39 : memref<!tpu.dma_semaphore, #tpu.memory_space<semaphore_mem>>)
      } else {
      }
      %mul3A_442 = arith.constant 10 : i32
      %mul3A_443 = arith.muli %scan3A_95, %mul3A_442 : i32
      %add3A_444 = arith.constant 9 : i32
      %add3A_445 = arith.addi %mul3A_443, %add3A_444 : i32
      %add3A_446 = arith.constant 4 : i32
      %add3A_447 = arith.addi %add3A_445, %add3A_446 : i32
      %lt3A_448 = arith.constant 500 : i32
      %lt3A_449 = arith.cmpi slt, %add3A_447, %lt3A_448 : i32
      %convert_element_type3A_450 = arith.extui %lt3A_449 : i1 to i32
      %cond3A_451 = arith.constant 0 : i32
      %cond3A_452 = arith.cmpi ne, %convert_element_type3A_450, %cond3A_451 : i32
      scf.if %cond3A_452 {
        %dma_wait3A_481 = arith.constant 0 : i32
        %dma_wait3A_482 = tpu.memref_slice %arg3[%dma_wait3A_481] : memref<640000xi32, #tpu.memory_space<hbm>> -> memref<40xi32, #tpu.memory_space<hbm>>
        %dma_wait3A_483 = arith.constant 0 : i32
        %dma_wait3A_484 = tpu.memref_slice %arg3[%dma_wait3A_483] : memref<640000xi32, #tpu.memory_space<hbm>> -> memref<40xi32, #tpu.memory_space<hbm>>
        tpu.wait_dma2 semaphore(%arg35 : memref<!tpu.dma_semaphore, #tpu.memory_space<semaphore_mem>>) src(%dma_wait3A_484 : memref<40xi32, #tpu.memory_space<hbm>>) dst(%arg15 : memref<40xi32, #tpu.memory_space<vmem>>)
      } else {
      }
      %ge3A_453 = arith.constant 1 : i32
      %ge3A_454 = arith.cmpi sge, %add3A_445, %ge3A_453 : i32
      %convert_element_type3A_455 = arith.extui %ge3A_454 : i1 to i32
      %cond3A_456 = arith.constant 0 : i32
      %cond3A_457 = arith.cmpi ne, %convert_element_type3A_455, %cond3A_456 : i32
      scf.if %cond3A_457 {
        %dma_wait3A_481 = arith.constant 0 : i32
        %dma_wait3A_482 = arith.constant 0 : i32
        %dma_wait3A_483 = tpu.memref_slice %arg2[%dma_wait3A_481, %dma_wait3A_482] : memref<640000x128xf32, #tpu.memory_space<hbm>> -> memref<40x128xf32, #tpu.memory_space<hbm>>
        %dma_wait3A_484 = arith.constant 0 : i32
        %dma_wait3A_485 = arith.constant 0 : i32
        %dma_wait3A_486 = tpu.memref_slice %arg2[%dma_wait3A_484, %dma_wait3A_485] : memref<640000x128xf32, #tpu.memory_space<hbm>> -> memref<40x128xf32, #tpu.memory_space<hbm>>
        tpu.wait_dma2 semaphore(%arg30 : memref<!tpu.dma_semaphore, #tpu.memory_space<semaphore_mem>>) src(%dma_wait3A_486 : memref<40x128xf32, #tpu.memory_space<hbm>>) dst(%arg10 : memref<40x128xf32, #tpu.memory_space<vmem>>)
      } else {
      }
      %lt3A_458 = arith.constant 500 : i32
      %lt3A_459 = arith.cmpi slt, %add3A_447, %lt3A_458 : i32
      %convert_element_type3A_460 = arith.extui %lt3A_459 : i1 to i32
      %cond3A_461 = arith.constant 0 : i32
      %cond3A_462 = arith.cmpi ne, %convert_element_type3A_460, %cond3A_461 : i32
      scf.if %cond3A_462 {
        %mul3A_481 = arith.constant 40 : i32
        %mul3A_482 = arith.muli %add3A_447, %mul3A_481 : i32
        %add3A_483 = arith.addi %add3A, %mul3A_482 : i32
        %dma_start3A_484 = arith.constant 0 : i32
        %dma_start3A_485 = tpu.memref_slice %arg2[%add3A_483, %dma_start3A_484] : memref<640000x128xf32, #tpu.memory_space<hbm>> -> memref<40x128xf32, #tpu.memory_space<hbm>>
        %dma_start3A_486 = arith.constant 0 : i32
        %dma_start3A_487 = tpu.memref_slice %arg2[%add3A_483, %dma_start3A_486] : memref<640000x128xf32, #tpu.memory_space<hbm>> -> memref<40x128xf32, #tpu.memory_space<hbm>>
        tpu.enqueue_dma source(%dma_start3A_487 : memref<40x128xf32, #tpu.memory_space<hbm>>) target(%arg10 : memref<40x128xf32, #tpu.memory_space<vmem>>) target_semaphore(%arg25 : memref<!tpu.dma_semaphore, #tpu.memory_space<semaphore_mem>>)
      } else {
      }
      %dma_wait3A_463 = arith.constant 0 : i32
      %dma_wait3A_464 = arith.constant 0 : i32
      %dma_wait3A_465 = tpu.memref_slice %arg2[%dma_wait3A_463, %dma_wait3A_464] : memref<640000x128xf32, #tpu.memory_space<hbm>> -> memref<40x128xf32, #tpu.memory_space<hbm>>
      %dma_wait3A_466 = arith.constant 0 : i32
      %dma_wait3A_467 = arith.constant 0 : i32
      %dma_wait3A_468 = tpu.memref_slice %arg2[%dma_wait3A_466, %dma_wait3A_467] : memref<640000x128xf32, #tpu.memory_space<hbm>> -> memref<40x128xf32, #tpu.memory_space<hbm>>
      tpu.wait_dma2 semaphore(%arg26 : memref<!tpu.dma_semaphore, #tpu.memory_space<semaphore_mem>>) src(%dma_wait3A_468 : memref<40x128xf32, #tpu.memory_space<hbm>>) dst(%arg11 : memref<40x128xf32, #tpu.memory_space<vmem>>)
      %dma_start3A_469 = arith.constant 0 : i32
      %dma_start3A_470 = arith.constant 0 : i32
      %dma_start3A_471 = tpu.memref_slice %arg6[%dma_start3A_469, %dma_start3A_470] : memref<10240x128xf32, #tpu.memory_space<vmem_shared>> -> memref<10240x128xf32, #tpu.memory_space<vmem_shared>>
      tpu.enqueue_indirect_dma source(%arg11 : memref<40x128xf32, #tpu.memory_space<vmem>>) target(%dma_start3A_471 : memref<10240x128xf32, #tpu.memory_space<vmem_shared>>) offsets(%arg21 : memref<40xi32, #tpu.memory_space<vmem>>) semaphore(%arg31 : memref<!tpu.dma_semaphore, #tpu.memory_space<semaphore_mem>>) {add = true}
      %add3A_472 = arith.constant 10 : i32
      %add3A_473 = arith.addi %add3A_445, %add3A_472 : i32
      %sub3A_474 = arith.constant 1 : i32
      %sub3A_475 = arith.subi %add3A_473, %sub3A_474 : i32
      %lt3A_476 = arith.constant 500 : i32
      %lt3A_477 = arith.cmpi slt, %sub3A_475, %lt3A_476 : i32
      %convert_element_type3A_478 = arith.extui %lt3A_477 : i1 to i32
      %cond3A_479 = arith.constant 0 : i32
      %cond3A_480 = arith.cmpi ne, %convert_element_type3A_478, %cond3A_479 : i32
      scf.if %cond3A_480 {
        %add3A_481 = arith.constant 10 : i32
        %add3A_482 = arith.addi %add3A_445, %add3A_481 : i32
        %sub3A_483 = arith.constant 1 : i32
        %sub3A_484 = arith.subi %add3A_482, %sub3A_483 : i32
        %mul3A_485 = arith.constant 40 : i32
        %mul3A_486 = arith.muli %sub3A_484, %mul3A_485 : i32
        %add3A_487 = arith.addi %add3A, %mul3A_486 : i32
        %dma_start3A_488 = tpu.memref_slice %arg3[%add3A_487] : memref<640000xi32, #tpu.memory_space<hbm>> -> memref<40xi32, #tpu.memory_space<hbm>>
        %dma_start3A_489 = tpu.memref_slice %arg3[%add3A_487] : memref<640000xi32, #tpu.memory_space<hbm>> -> memref<40xi32, #tpu.memory_space<hbm>>
        tpu.enqueue_dma source(%dma_start3A_489 : memref<40xi32, #tpu.memory_space<hbm>>) target(%arg20 : memref<40xi32, #tpu.memory_space<vmem>>) target_semaphore(%arg40 : memref<!tpu.dma_semaphore, #tpu.memory_space<semaphore_mem>>)
      } else {
      }
    }
    %scan3A_83 = arith.constant 50 : i32
    %dma_wait3A_84 = arith.constant 0 : i32
    %dma_wait3A_85 = arith.constant 0 : i32
    %dma_wait3A_86 = tpu.memref_slice %arg2[%dma_wait3A_84, %dma_wait3A_85] : memref<640000x128xf32, #tpu.memory_space<hbm>> -> memref<40x128xf32, #tpu.memory_space<hbm>>
    %dma_wait3A_87 = arith.constant 0 : i32
    %dma_wait3A_88 = arith.constant 0 : i32
    %dma_wait3A_89 = tpu.memref_slice %arg2[%dma_wait3A_87, %dma_wait3A_88] : memref<640000x128xf32, #tpu.memory_space<hbm>> -> memref<40x128xf32, #tpu.memory_space<hbm>>
    tpu.wait_dma2 semaphore(%arg31 : memref<!tpu.dma_semaphore, #tpu.memory_space<semaphore_mem>>) src(%dma_wait3A_89 : memref<40x128xf32, #tpu.memory_space<hbm>>) dst(%arg11 : memref<40x128xf32, #tpu.memory_space<vmem>>)
    %barrier3A_90 = arith.constant 0 : index
    tpu.barrier barrier_id(%barrier3A_90)
    %mul3A_91 = arith.constant 640 : i32
    %mul3A_92 = arith.muli %arg1, %mul3A_91 : i32
    %mul3A_93 = arith.constant 640 : i32
    %mul3A_94 = arith.muli %arg1, %mul3A_93 : i32
    "tpu.region"() ({
      %run_scoped3A = tpu.sem_alloc : memref<!tpu.dma_semaphore, #tpu.memory_space<semaphore_mem>>
      %dma_start3A_95 = arith.constant 0 : i32
      %dma_start3A_96 = tpu.memref_slice %arg5[%arg0, %mul3A_94, %dma_start3A_95] : memref<2x10240x128xf32, #tpu.memory_space<hbm>> -> memref<1x640x128xf32, #tpu.memory_space<hbm>>
      %dma_start3A_97 = tpu.memref_squeeze %dma_start3A_96 : memref<1x640x128xf32, #tpu.memory_space<hbm>> -> memref<640x128xf32, #tpu.memory_space<hbm>>
      %dma_start3A_98 = arith.constant 0 : i32
      %dma_start3A_99 = tpu.memref_slice %arg6[%mul3A_92, %dma_start3A_98] : memref<10240x128xf32, #tpu.memory_space<vmem_shared>> -> memref<640x128xf32, #tpu.memory_space<vmem_shared>>
      tpu.enqueue_dma source(%dma_start3A_99 : memref<640x128xf32, #tpu.memory_space<vmem_shared>>) target(%dma_start3A_97 : memref<640x128xf32, #tpu.memory_space<hbm>>) target_semaphore(%run_scoped3A : memref<!tpu.dma_semaphore, #tpu.memory_space<semaphore_mem>>)
      %dma_wait3A_100 = arith.constant 0 : i32
      %dma_wait3A_101 = tpu.memref_slice %arg5[%arg0, %mul3A_94, %dma_wait3A_100] : memref<2x10240x128xf32, #tpu.memory_space<hbm>> -> memref<1x640x128xf32, #tpu.memory_space<hbm>>
      %dma_wait3A_102 = tpu.memref_squeeze %dma_wait3A_101 : memref<1x640x128xf32, #tpu.memory_space<hbm>> -> memref<640x128xf32, #tpu.memory_space<hbm>>
      %dma_wait3A_103 = arith.constant 0 : i32
      %dma_wait3A_104 = tpu.memref_slice %arg6[%mul3A_92, %dma_wait3A_103] : memref<10240x128xf32, #tpu.memory_space<vmem_shared>> -> memref<640x128xf32, #tpu.memory_space<vmem_shared>>
      tpu.wait_dma2 semaphore(%run_scoped3A : memref<!tpu.dma_semaphore, #tpu.memory_space<semaphore_mem>>) src(%dma_wait3A_104 : memref<640x128xf32, #tpu.memory_space<vmem_shared>>) dst(%dma_wait3A_102 : memref<640x128xf32, #tpu.memory_space<hbm>>)
      tpu.yield
    }) : () -> ()
    return
  }
}

module attributes {stable_mosaic.version = 14 : i64} {
  func.func @body(%arg0: i32, %arg1: memref<2x2000x128xf32, #tpu.memory_space<vmem>>, %arg2: memref<2x2000x128xf32, #tpu.memory_space<vmem>>, %arg3: memref<2000x128xf32, #tpu.memory_space<vmem>>, %arg4: memref<128x128xf32, #tpu.memory_space<vmem>>, %arg5: memref<1x128xf32, #tpu.memory_space<vmem>>, %arg6: memref<2000x128xf32, #tpu.memory_space<vmem>>) attributes {dimension_semantics = [#tpu.dimension_semantics<arbitrary>], iteration_bounds = array<i64: 5>, scalar_prefetch = 0 : i64, scratch_operands = 0 : i64, tpu.core_type = #tpu.core_type<tc>, window_params = [{transform_indices = @transform_0, window_bounds = array<i64: 2, 2000, 128>}, {transform_indices = @transform_1, window_bounds = array<i64: 2, 2000, 128>}, {transform_indices = @transform_2, window_bounds = array<i64: 2000, 128>}, {pipeline_mode = #tpu.pipeline_mode<synchronous>, transform_indices = @transform_3, window_bounds = array<i64: 128, 128>}, {pipeline_mode = #tpu.pipeline_mode<synchronous>, transform_indices = @transform_4, window_bounds = array<i64: 1, 128>}, {transform_indices = @transform_5, window_bounds = array<i64: 2000, 128>}]} {
    %get3A = arith.constant 0 : index
    %get3A_0 = arith.constant 0 : index
    %get3A_1 = arith.constant 0 : index
    %get3A_2 = vector.load %arg1[%get3A, %get3A_0, %get3A_1] : memref<2x2000x128xf32, #tpu.memory_space<vmem>>, vector<1x2000x128xf32>
    %get3A_3 = vector.shape_cast %get3A_2 : vector<1x2000x128xf32> to vector<2000x128xf32>
    %get3A_4 = arith.constant 1 : index
    %get3A_5 = arith.constant 0 : index
    %get3A_6 = arith.constant 0 : index
    %get3A_7 = vector.load %arg1[%get3A_4, %get3A_5, %get3A_6] : memref<2x2000x128xf32, #tpu.memory_space<vmem>>, vector<1x2000x128xf32>
    %get3A_8 = vector.shape_cast %get3A_7 : vector<1x2000x128xf32> to vector<2000x128xf32>
    %add3A = arith.addf %get3A_3, %get3A_8 : vector<2000x128xf32>
    %get3A_9 = arith.constant 0 : index
    %get3A_10 = arith.constant 0 : index
    %get3A_11 = arith.constant 0 : index
    %get3A_12 = vector.load %arg2[%get3A_9, %get3A_10, %get3A_11] : memref<2x2000x128xf32, #tpu.memory_space<vmem>>, vector<1x2000x128xf32>
    %get3A_13 = vector.shape_cast %get3A_12 : vector<1x2000x128xf32> to vector<2000x128xf32>
    %add3A_14 = arith.addf %add3A, %get3A_13 : vector<2000x128xf32>
    %get3A_15 = arith.constant 1 : index
    %get3A_16 = arith.constant 0 : index
    %get3A_17 = arith.constant 0 : index
    %get3A_18 = vector.load %arg2[%get3A_15, %get3A_16, %get3A_17] : memref<2x2000x128xf32, #tpu.memory_space<vmem>>, vector<1x2000x128xf32>
    %get3A_19 = vector.shape_cast %get3A_18 : vector<1x2000x128xf32> to vector<2000x128xf32>
    %add3A_20 = arith.addf %add3A_14, %get3A_19 : vector<2000x128xf32>
    %get3A_21 = arith.constant 0 : index
    %get3A_22 = arith.constant 0 : index
    %get3A_23 = vector.load %arg4[%get3A_21, %get3A_22] : memref<128x128xf32, #tpu.memory_space<vmem>>, vector<128x128xf32>
    %dot_general3A = arith.constant dense<0.000000e+00> : vector<2000x128xf32>
    %dot_general3A_24 = tpu.matmul %add3A_20, %get3A_23, %dot_general3A {dimension_numbers = #tpu.dot_dimension_numbers<[1], [0], [0], [1], [0, 0, 1, 1], [], []>, transpose_lhs_hint = false} : vector<2000x128xf32>, vector<128x128xf32>, vector<2000x128xf32> -> vector<2000x128xf32>
    %get3A_25 = arith.constant 0 : index
    %get3A_26 = arith.constant 0 : index
    %get3A_27 = vector.load %arg5[%get3A_25, %get3A_26] : memref<1x128xf32, #tpu.memory_space<vmem>>, vector<1x128xf32>
    %add3A_28 = vector.broadcast %get3A_27 : vector<1x128xf32> to vector<2000x128xf32>
    %add3A_29 = arith.addf %dot_general3A_24, %add3A_28 : vector<2000x128xf32>
    %get3A_30 = arith.constant 0 : index
    %get3A_31 = arith.constant 0 : index
    %get3A_32 = vector.load %arg3[%get3A_30, %get3A_31] : memref<2000x128xf32, #tpu.memory_space<vmem>>, vector<2000x128xf32>
    %add3A_33 = arith.addf %add3A_29, %get3A_32 : vector<2000x128xf32>
    %swap3A = arith.constant 0 : index
    %swap3A_34 = arith.constant 0 : index
    %swap3A_35 = vector.load %arg6[%swap3A, %swap3A_34] : memref<2000x128xf32, #tpu.memory_space<vmem>>, vector<2000x128xf32>
    tpu.vector_store %arg6[%swap3A, %swap3A_34], %add3A_33 {strides = array<i32>} : memref<2000x128xf32, #tpu.memory_space<vmem>>, vector<2000x128xf32>,
    return
  }
  func.func @transform_0(%arg0: i32) -> (i32, i32, i32) {
    %c0_i32 = arith.constant 0 : i32
    %c0_i32_0 = arith.constant 0 : i32
    %c0_i32_1 = arith.constant 0 : i32
    return %c0_i32, %arg0, %c0_i32_0 : i32, i32, i32
  }
  func.func @transform_1(%arg0: i32) -> (i32, i32, i32) {
    %c0_i32 = arith.constant 0 : i32
    %c0_i32_0 = arith.constant 0 : i32
    %c0_i32_1 = arith.constant 0 : i32
    return %c0_i32, %arg0, %c0_i32_0 : i32, i32, i32
  }
  func.func @transform_2(%arg0: i32) -> (i32, i32) {
    %c0_i32 = arith.constant 0 : i32
    %c0_i32_0 = arith.constant 0 : i32
    return %arg0, %c0_i32 : i32, i32
  }
  func.func @transform_3(%arg0: i32) -> (i32, i32) {
    %c0_i32 = arith.constant 0 : i32
    %c0_i32_0 = arith.constant 0 : i32
    %c0_i32_1 = arith.constant 0 : i32
    return %c0_i32, %c0_i32_0 : i32, i32
  }
  func.func @transform_4(%arg0: i32) -> (i32, i32) {
    %c0_i32 = arith.constant 0 : i32
    %c0_i32_0 = arith.constant 0 : i32
    %c0_i32_1 = arith.constant 0 : i32
    return %c0_i32, %c0_i32_0 : i32, i32
  }
  func.func @transform_5(%arg0: i32) -> (i32, i32) {
    %c0_i32 = arith.constant 0 : i32
    %c0_i32_0 = arith.constant 0 : i32
    return %arg0, %c0_i32 : i32, i32
  }
}

</mosaic_0001>

<sc_bundles>
// kernel: kernel.5.cloned.1.call-start
scs
__scs_entry_jumppad:
0x0: {  	(pc) =	sbr.rel $0x88, $3  }
0x1: {  	(tag) =	ssettag $0x0;
	lr =	simm.s32 $0x1  }
0x2: {  	[smem:$0x3F99] =	sst lr;
	_ =	strace $0xD0000000  }
0x3: {  	_ = 	snop  }
0x4: {  	_ = 	snop  }
0x5: {  	_ = 	snop  }
0x6: {  	_ = 	snop  }
0x7: {  	_ = 	snop  }
__scs_overlays_trampoline_lowered:
0x8: {  	[smem:$0x3FA8] =	sst s0  }
0x9: {  	[smem:$0x3FA9] =	sst s1  }
0xa: {  	[smem:$0x3FAA] =	sst s2  }
0xb: {  	[smem:$0x3FAB] =	sst s3  }
0xc: {  	[smem:$0x3FAC] =	sst s4  }
0xd: {  	[smem:$0x3FAD] =	sst s5  }
0xe: {  	[smem:$0x3FAE] =	sst s6  }
0xf: {  	[smem:$0x3FAF] =	sst s7  }
0x10: {  	[smem:$0x3FB0] =	sst s8  }
0x11: {  	[smem:$0x3FB1] =	sst s9;
	s0 =	simm.s32 @!p0 $0x0  }
0x12: {  	s1 =	sld [smem:$0x3F97];
	s0 =	simm.s32 @p0 $0x1  }
0x13: {  	[smem:$0x3FB2] =	sst s0;
	s0 =	simm.s32 @!p1 $0x0  }
0x14: {  	s2 =	sld [smem:$0x3F96];
	s0 =	simm.s32 @p1 $0x1  }
0x15: {  	[smem:$0x3FB3] =	sst s0;
	s0 =	simm.s32 @!p2 $0x0  }
0x16: {  	s3 =	sld [smem:$0x3FDB];
	s0 =	simm.s32 @p2 $0x1  }
0x17: {  	s4 =	simm.s32 $0x1BF5;
	[smem:$0x3FB5] =	sst s0  }
0x18: {  	s0 =	sld [smem:$0x3F98];
	_ =	swait.ge [sflag:s4], $0x0  }
0x19: {  	s7 =	sld [smem:$0x3F99]  }
0x1a: {  	s8 =	sadd.s32 $0xFFFFE003, lr  }
0x1b: {  	s9 =	sadd.s32 $0xFFFFFEF7, lr;
	s5 =	simm.s32 $0xFFFFFFFF;
	p2 =	slt.u32 s8, $0xFFFFF086  }
0x1c: {  	p1 =	slt.u32 s9, $0xF7A;
	s5 =	simm.s32 @!p2 $0x0  }
0x1d: {  	s5 =	simm.s32 @p1 $0x1;
	p0 =	seq.s32 s7, s2  }
0x1e: {  	s7 =	smul.u32 @!p0 $0xF7A, s2;
	p2 =	seq.s32 @!p0 s5, $0x0  }
0x1f: {  	s9 =	smul.u32 $0xF7A, s1;
	s8 =	simm.s32 @!p0 $0x1BF5;
	p2 =	por !p2, p0  }
0x20: {  	[sflag:s8] =	ssyncset.s32 @!p0 $0xFFFFF086;
	s6 =	sadd.s32 @!p0 s3, s7;
	s7 =	simm.s32 @!p0 $0x108  }
0x21: {  	s3 =	sadd.s32 s3, s9;
	s6 =	sadd.s32 @!p0 $0x88, s6;
	s7 =	simm.s32 @p2 $0x1082  }
0x22: {  	[simem:s7], [sflag:s8] =	dma.local @!p0 [hbm:s6], $0xF7A  }
0x23: {  	s9 =	sor.u32 $0xD0000000, s2;
	s6 =	simm.s32 $0x108;
	_ =	swait.ge @!p0 [sflag:s8], $0x0  }
0x24: {  	s3 =	sadd.s32 $0x88, s3;
	s6 =	simm.s32 @!p1 $0x1082;
	[sflag:s4] =	ssyncset.s32 $0xFFFFF086  }
0x25: {  	[simem:s6], [sflag:s4] =	dma.local [hbm:s3], $0xF7A  }
0x26: {  	[smem:$0x3F99] =	sst s1;
	(tag) =	ssettag s2;
	_ =	strace s9  }
0x27: {  	s1 =	sld [smem:$0x3FA9]  }
0x28: {  	s2 =	sld [smem:$0x3FAA]  }
0x29: {  	s4 =	sld [smem:$0x3FAC]  }
0x2a: {  	p0 =	seq.s32 s5, $0x0;
	s5 =	sld [smem:$0x3FAD]  }
0x2b: {  	s6 =	sld [smem:$0x3FAE]  }
0x2c: {  	s7 =	sld [smem:$0x3FAF]  }
0x2d: {  	s3 =	simm.s32 $0x108;
	s8 =	sld [smem:$0x3FB0]  }
0x2e: {  	s3 =	simm.s32 @!p0 $0x1082;
	s9 =	sld [smem:$0x3FB1]  }
0x2f: {  	lr =	sadd.s32 s0, s3;
	s0 =	sld [smem:$0x3FA8]  }
0x30: {  	s3 =	sld [smem:$0x3FAB]  }
0x31: {  	[smem:$0x3FB4] =	sst s10  }
0x32: {  	s10 =	sld [smem:$0x3FB2];
	_ =	sdelay $0x3  }
0x33: {  	p0 =	seq.s32 s10, $0x1;
	s10 =	sld [smem:$0x3FB4];
	_ =	sdelay $0x3  }
0x34: {  	[smem:$0x3FB4] =	sst s10  }
0x35: {  	s10 =	sld [smem:$0x3FB3];
	_ =	sdelay $0x3  }
0x36: {  	p1 =	seq.s32 s10, $0x1;
	s10 =	sld [smem:$0x3FB4];
	_ =	sdelay $0x3  }
0x37: {  	[smem:$0x3FB4] =	sst s10  }
0x38: {  	s10 =	sld [smem:$0x3FB5]  }
0x39: {  	_ = 	snop;
	(pc) =	sbr.ind lr, $3  }
0x3a: {  	_ = 	snop  }
0x3b: {  	_ = 	snop  }
0x3c: {  	p2 =	seq.s32 s10, $0x1;
	s10 =	sld [smem:$0x3FB4]  }
0x3d: {  	_ =	shalt  }
0x3e: {  	_ =	shalt  }
0x3f: {  	_ =	shalt  }
0x40: {  	_ =	shalt  }
0x41: {  	_ =	shalt  }
0x42: {  	_ =	shalt  }
0x43: {  	_ =	shalt  }
0x44: {  	_ =	shalt  }
0x45: {  	_ =	shalt  }
0x46: {  	_ =	shalt  }
0x47: {  	_ =	shalt  }
0x48: {  	_ =	shalt  }
0x49: {  	_ =	shalt  }
0x4a: {  	_ =	shalt  }
0x4b: {  	_ =	shalt  }
0x4c: {  	_ =	shalt  }
0x4d: {  	_ =	shalt  }
0x4e: {  	_ =	shalt  }
0x4f: {  	_ =	shalt  }
0x50: {  	_ =	shalt  }
0x51: {  	_ =	shalt  }
0x52: {  	_ =	shalt  }
0x53: {  	_ =	shalt  }
0x54: {  	_ =	shalt  }
0x55: {  	_ =	shalt  }
0x56: {  	_ =	shalt  }
0x57: {  	_ =	shalt  }
0x58: {  	_ =	shalt  }
0x59: {  	_ =	shalt  }
0x5a: {  	_ =	shalt  }
0x5b: {  	_ =	shalt  }
0x5c: {  	_ =	shalt  }
0x5d: {  	_ =	shalt  }
0x5e: {  	_ =	shalt  }
0x5f: {  	_ =	shalt  }
0x60: {  	_ =	shalt  }
0x61: {  	_ =	shalt  }
0x62: {  	_ =	shalt  }
0x63: {  	_ =	shalt  }
0x64: {  	_ =	shalt  }
0x65: {  	_ =	shalt  }
0x66: {  	_ =	shalt  }
0x67: {  	_ =	shalt  }
0x68: {  	_ =	shalt  }
0x69: {  	_ =	shalt  }
0x6a: {  	_ =	shalt  }
0x6b: {  	_ =	shalt  }
0x6c: {  	_ =	shalt  }
0x6d: {  	_ =	shalt  }
0x6e: {  	_ =	shalt  }
0x6f: {  	_ =	shalt  }
0x70: {  	_ =	shalt  }
0x71: {  	_ =	shalt  }
0x72: {  	_ =	shalt  }
0x73: {  	_ =	shalt  }
0x74: {  	_ =	shalt  }
0x75: {  	_ =	shalt  }
0x76: {  	_ =	shalt  }
0x77: {  	_ =	shalt  }
0x78: {  	_ =	shalt  }
0x79: {  	_ =	shalt  }
0x7a: {  	_ =	shalt  }
0x7b: {  	_ =	shalt  }
0x7c: {  	_ =	shalt  }
0x7d: {  	_ =	shalt  }
0x7e: {  	_ =	shalt  }
0x7f: {  	_ =	shalt  }
0x80: {  	_ =	shalt  }
0x81: {  	_ =	shalt  }
0x82: {  	_ =	shalt  }
0x83: {  	_ =	shalt  }
0x84: {  	_ =	shalt  }
0x85: {  	_ =	shalt  }
0x86: {  	_ =	shalt  }
0x87: {  	_ =	shalt  }
.Lfunc_end0:
.L_simem_size_0:
called_computation_lowered:
.L_overlay_start_0:
0x88: {  	s2 =	sld [smem:$0x3FD9]  }
0x89: {  	s3 =	sld [smem:$0x3FFE];
	_ =	sdelay $0x1  }
0x8a: {  	s1 =	srdreg.scid  }
0x8b: {  	s0 =	sand.u32 $0x1, s1  }
0x8c: {  	s17 =	sshll.u32 s0, $0xA;
	s2 =	sadd.s32 s3, s2  }
0x8d: {  	s2 =	sadd.s32 s2, s17  }
0x8e: {  	[smem:$0x3FC0] =	sst s2  }
0x8f: {  	_ = 	snop  }
0x90: {  	s2 =	sld [smem:$0x3FD0];
	(tm) =	ssettm $0x1  }
0x91: {  	s18 =	sld [smem:$0x3FFB];
	_ =	sdelay $0x3  }
0x92: {  	_ =	strace s18  }
0x93: {  	s3 =	sld [smem:$0x3FFC];
	_ =	sdelay $0x3  }
0x94: {  	_ =	strace s3  }
0x95: {  	s3 =	sld [smem:$0x3FFD];
	_ =	sdelay $0x3  }
0x96: {  	_ =	strace s3  }
0x97: {  	_ =	strace $0x8FFFFFFF  }
0x98: {  	s19 =	sld [smem:$0x3FDB];
	_ =	sdelay $0x1  }
0x99: {  	s4 =	simm.s32 $_scs_section_size  }
0x9a: {  	s5 =	simm.s32 $_size__tile_overlayer_lowered;
	s6 =	simm.s32 $_tile_overlayer_lowered  }
0x9b: {  	s22 =	simm.s32 $0x1BFF;
	s21 =	sshll.u32 s6, $0x1;
	s3 =	sadd.s32 s4, s19  }
0x9c: {  	s7 =	simm.s32 $0x0;
	s20 =	sshll.u32 s5, $0x1;
	s5 =	sadd.s32 s21, s3  }
0x9d: {  	[timem:s7], [sflag:s22] =	dma.local [hbm:s5], s20  }
0x9e: {  	_ =	swait.ge [sflag:s22], s20  }
0x9f: {  	s4 =	ssub.s32 $0x0, s20;
	[sflag:s22] =	ssyncset.done $0x0  }
0xa0: {  	[sflag:s22] =	ssyncadd.s32 s4;
	_ =	sdelay $0x1  }
0xa1: {  	s23 =	simm.s32 $0x1B8B  }
0xa2: {  	_ =	swait.ge [sflag:s23], $0x1  }
0xa3: {  	[sflag:s23] =	ssyncset.done $0x0  }
0xa4: {  	s25 =	simm.s32 $0x1B8E;
	s24 =	sld [smem:$0x3FFE];
	[sflag:s23] =	ssyncadd.s32 $0xFFFFFFFF  }
0xa5: {  	s26 =	simm.s32 $execute0_lowered;
	[smem:$0x3FD2] =	sst s25  }
0xa6: {  	s5 =	sshll.u32 s26, $0x1;
	_ =	strace $0x80000046;
	[dreg:$0x1] =	wrdreg $0xFFFFFFFF  }
0xa7: {  	s28 =	simm.s32 $_size_execute0_lowered;
	s3 =	sadd.s32 s3, s5;
	[dreg:$0x0] =	wrdreg $0x0  }
0xa8: {  	s5 =	sshll.u32 s28, $0x1;
	[dreg:$0x2] =	wrdreg s3  }
0xa9: {  	[dreg:$0x3] =	wrdreg s5  }
0xaa: {  	[dreg:$0x4] =	wrdreg $0xC0  }
0xab: {  	_ =	task [dreg:s7], $0x5FFFF  }
0xac: {  	[dreg:$0x1] =	wrdreg $0xFFFFFFFF  }
0xad: {  	[dreg:$0x0] =	wrdreg $0x60  }
0xae: {  	[dreg:$0x2] =	wrdreg s2  }
0xaf: {  	[dreg:$0x3] =	wrdreg s24  }
0xb0: {  	[dreg:$0x4] =	wrdreg $0x0  }
0xb1: {  	[dreg:$0x5] =	wrdreg $0x9  }
0xb2: {  	_ =	task.clear_ibuf [dreg:s7], $0x6FFFF;
	_ =	strace $0x90000046  }
0xb3: {  	s29 =	simm.s32 $0x9;
	_ =	strace $0x80000048  }
0xb4: {  	_ =	swait.ge [sflag:s29], $0x1  }
0xb5: {  	[sflag:s29] =	ssyncadd.s32 $0xFFFFFFFF  }
0xb6: {  	_ =	strace $0x90000048  }
0xb7: {  	_ =	sfence  }
0xb8: {  	s30 =	sld [smem:$0x0];
	_ =	sdelay $0x2  }
0xb9: {  	s31 =	sshll.u32 s1, $0xD;
	s1 =	sshrl.u32 s1, $0x2  }
0xba: {  	s3 =	sand.u32 $0x4000, s31;
	s1 =	sadd.s32 s1, s30  }
0xbb: {  	s0 =	sor.u32 s3, s0;
	s1 =	sshll.u32 s1, $0x11  }
0xbc: {  	s0 =	sor.u32 s1, s0  }
0xbd: {  	s0 =	sadd.s32 $0x8F2B, s0  }
0xbe: {  	[sflag:s0] =	ssyncadd.remote.s32 $0x1  }
0xbf: {  	_ =	sfence.sel $0xFFFF  }
0xc0: {  	[dreg:$0x0] =	wrdreg $0xFFFFFFFF;
	(pc) =	sbr.abs _section_cstart, $3  }
0xc1: {  	[dreg:$0x1] =	wrdreg $0xFFFFFFFF  }
0xc2: {  	_ =	task.clear_ibuf [dreg:s7], $0x2FFFF;
	_ =	strace $0x9FFFFFFF  }
0xc3: {  	(tm) =	ssettm $0x7FFFFFFF  }
tec
execute0_lowered:
.L_overlay_start_1:
0x0: {  	(tag) =	ssettag $0x1  }
0x1: {  	s1 =	rddreg [dreg:$0x0]  }
0x2: {  	s0 =	rddreg [dreg:$0x1]  }
0x3: {  	s2 =	rddreg [dreg:$0x2]  }
0x4: {  	s4 =	simm.s32 $0x0;
	s3 =	srdreg.scid;
	s10 =	stileid.u32  }
0x5: {  	s29 =	simm.s32 $0x1AD00;
	s31 =	simm.s32 $0x1;
	s6 =	smul.u32 $0x14000, s10  }
0x6: {  	[smem:$0x7FF] =	sst s4;
	s3 =	sand.u32 $0x1, s3;
	s18 =	smul.u32 $0x4E20, s10  }
0x7: {  	s11 =	sadd.s32 $0x1A00, s0;
	s12 =	sadd.s32 $0x15400, s0;
	s9 =	smul.u32 $0x50000, s10  }
0x8: {  	s7 =	sadd.s32 $0x28E00, s0;
	s20 =	sshll.u32 s10, $0x6;
	s5 =	smul.u32 $0x140000, s3  }
0x9: {  	_ =	strace $0x80000047;
	[dreg:$0x6] =	wrdreg s7;
	s17 =	smul.u32 $0x4E200, s3  }
0xa: {  	s3 =	ssub.s32 $0x2, s3;
	s10 =	sor.u32 $0x1C1F, s20;
	[dreg:$0x4] =	wrdreg s11  }
0xb: {  	[dreg:$0x5] =	wrdreg s12;
	s8 =	sshrl.u32 s3, $0x1;
	s19 =	sshrl.u32 s9, $0x2  }
0xc: {  	[dreg:$0x8] =	wrdreg s10;
	s5 =	sadd.s32 s6, s5;
	s6 =	sadd.s32 s19, s2  }
0xd: {  	s3 =	ssub.s32 s3, s8;
	s5 =	sshrl.u32 s5, $0x3;
	[dreg:$0x7] =	wrdreg s6  }
0xe: {  	s3 =	smax.u32 s3, $0x1;
	s5 =	sadd.s32 s5, s0;
	s0 =	sadd.s32 s18, s17  }
0xf: {  	[dreg:$0x1c] =	wrdreg s3;
	s21 =	sadd.s32 $0x28, s0;
	s23 =	sshrl.u32 s0, $0x3  }
0x10: {  	s24 =	sadd.s32 $0x78, s0;
	s13 =	sadd.s32 $0xC8, s0;
	s5 =	sadd.s32 $0x2B600, s5  }
0x11: {  	s22 =	sshrl.u32 s21, $0x3;
	s21 =	sadd.s32 s12, s23;
	[dreg:$0x1b] =	wrdreg s5  }
0x12: {  	s17 =	sadd.s32 $0x118, s0;
	s8 =	sadd.s32 s12, s22;
	[dreg:$0x17] =	wrdreg s21  }
0x13: {  	s25 =	sadd.s32 $0xA, s23;
	s6 =	sadd.s32 s11, s22;
	[dreg:$0x9] =	wrdreg s8  }
0x14: {  	s16 =	sadd.s32 $0x1E, s23;
	s26 =	sadd.s32 s12, s25;
	[dreg:$0xa] =	wrdreg s6  }
0x15: {  	s18 =	sshrl.u32 s17, $0x3;
	s19 =	sadd.s32 s12, s16;
	[dreg:$0xb] =	wrdreg s26  }
0x16: {  	s9 =	sadd.s32 $0x258, s0;
	s20 =	sadd.s32 s12, s18;
	[dreg:$0x13] =	wrdreg s19  }
0x17: {  	s15 =	sshrl.u32 s13, $0x3;
	s22 =	sadd.s32 s11, s23;
	[dreg:$0x15] =	wrdreg s20  }
0x18: {  	s8 =	sshrl.u32 s24, $0x3;
	s6 =	sadd.s32 s11, s25;
	[dreg:$0x18] =	wrdreg s22  }
0x19: {  	s24 =	sadd.s32 $0x2D0, s0;
	s26 =	sadd.s32 $0x2A8, s0;
	s20 =	sadd.s32 $0x1E0, s0  }
0x1a: {  	s22 =	sadd.s32 $0x1B8, s0;
	[dreg:$0xc] =	wrdreg s6;
	s28 =	sadd.s32 s12, s8  }
0x1b: {  	s30 =	sadd.s32 s11, s8;
	s8 =	sadd.s32 $0x14, s23;
	[dreg:$0xd] =	wrdreg s28  }
0x1c: {  	s23 =	sadd.s32 $0x28, s23;
	[dreg:$0xe] =	wrdreg s30;
	s14 =	sadd.s32 s12, s8  }
0x1d: {  	s25 =	sshrl.u32 s24, $0x3;
	s6 =	sadd.s32 s11, s8;
	[dreg:$0xf] =	wrdreg s14  }
0x1e: {  	s8 =	sadd.s32 s12, s15;
	s7 =	sadd.s32 s12, s23;
	[dreg:$0x10] =	wrdreg s6  }
0x1f: {  	s28 =	sshrl.u32 s26, $0x3;
	s30 =	sadd.s32 s25, s11;
	[dreg:$0x11] =	wrdreg s8  }
0x20: {  	s5 =	sadd.s32 s25, s12;
	s26 =	sadd.s32 $0x168, s0;
	[dreg:$0x19] =	wrdreg s7  }
0x21: {  	s6 =	sadd.s32 s11, s15;
	s8 =	sadd.s32 s11, s16;
	[dreg:$0x1d] =	wrdreg s30  }
0x22: {  	[dreg:$0x1e] =	wrdreg s5;
	s7 =	sadd.s32 $0x280, s0;
	s3 =	sadd.s32 s28, s12  }
0x23: {  	s5 =	sshrl.u32 s9, $0x3;
	s14 =	sadd.s32 $0x230, s0;
	[dreg:$0x12] =	wrdreg s6  }
0x24: {  	s9 =	simm.s32 $0x28;
	[dreg:$0x14] =	wrdreg s8;
	s6 =	sadd.s32 s11, s18  }
0x25: {  	[smem:$0x7EE] =	sst s3;
	s8 =	sshrl.u32 s7, $0x3;
	s15 =	sshrl.u32 s14, $0x3  }
0x26: {  	s16 =	sadd.s32 s5, s11;
	s5 =	sadd.s32 s5, s12;
	s18 =	sadd.s32 $0x208, s0  }
0x27: {  	s0 =	sadd.s32 $0x190, s0;
	s7 =	simm.s32 $0x1F;
	[dreg:$0x16] =	wrdreg s6  }
0x28: {  	s14 =	simm.s32 $0x14000;
	s6 =	sadd.s32 s11, s23;
	[smem:$0x7F1] =	sst s16  }
0x29: {  	s13 =	sadd.s32 s8, s11;
	s3 =	sadd.s32 s8, s12;
	[smem:$0x7F2] =	sst s5  }
0x2a: {  	s17 =	sadd.s32 s15, s11;
	s19 =	sshrl.u32 s18, $0x3;
	[smem:$0x7FB] =	sst s0  }
0x2b: {  	s5 =	sshrl.u32 s20, $0x3;
	s23 =	sshrl.u32 s22, $0x3;
	[dreg:$0x1a] =	wrdreg s6  }
0x2c: {  	s16 =	simm.s32 $0x15400;
	s18 =	simm.s32 $0x17C00;
	[smem:$0x7EF] =	sst s13  }
0x2d: {  	s8 =	simm.s32 $0x0;
	s22 =	simm.s32 $0x1A880;
	[smem:$0x7F0] =	sst s3  }
0x2e: {  	s20 =	simm.s32 $0x17C00;
	s6 =	sadd.s32 s28, s11;
	[smem:$0x7F3] =	sst s17  }
0x2f: {  	s3 =	sadd.s32 s15, s12;
	s21 =	sadd.s32 s19, s11;
	[dreg:$0x1f] =	wrdreg s6  }
0x30: {  	s24 =	sadd.s32 s5, s11;
	s5 =	sadd.s32 s5, s12;
	[smem:$0x7F4] =	sst s3  }
0x31: {  	s25 =	sadd.s32 s23, s11;
	s28 =	sshrl.u32 s26, $0x3;
	[smem:$0x7F5] =	sst s21  }
0x32: {  	s17 =	simm.s32 $0x16800;
	s15 =	simm.s32 $0x3;
	[smem:$0x7F7] =	sst s24  }
0x33: {  	s26 =	simm.s32 $0x5;
	s13 =	simm.s32 $0x1AD00;
	[smem:$0x7F8] =	sst s5  }
0x34: {  	s3 =	sadd.s32 s19, s12;
	[smem:$0x7F9] =	sst s25;
	s30 =	sadd.s32 s28, s11  }
.Ltmp0:
0x35: {  	s0 =	sadd.s32 s28, s12;
	s6 =	simm.s32 $0x19000;
	(pc) =	sbr.rel .LBB2_1-.Ltmp0, $4  }
0x36: {  	s11 =	simm.s32 $0x2;
	s19 =	simm.s32 $0x4;
	[smem:$0x7F6] =	sst s3  }
0x37: {  	s21 =	simm.s32 $0x14;
	s3 =	sadd.s32 s23, s12;
	[smem:$0x7FC] =	sst s30  }
0x38: {  	[smem:$0x7FD] =	sst s0;
	s12 =	simm.s32 $0x1A800;
	s23 =	simm.s32 $0x9  }
0x39: {  	s0 =	simm.s32 $0x1E;
	[smem:$0x7FA] =	sst s3;
	s3 =	simm.s32 $0xA  }
.LBB2_4:
0x3a: {  	_ =	swait.ge [sflag:s3], $0x1400  }
0x3b: {  	[sflag:s3] =	ssyncset.done $0x0  }
0x3c: {  	[sflag:s3] =	ssyncadd.s32 $0xFFFFEC00  }
0x3d: {  	[bflag:$0x0] =	sbarrier.arrive $0xFFFF  }
0x3e: {  	s7 =	sld [smem:$0x7ED]  }
0x3f: {  	s10 =	rddreg [dreg:$0x8]  }
0x40: {  	s5 =	rddreg [dreg:$0x1b]  }
0x41: {  	[hbm:s5], [sflag:s10] =	dma.local [spmem:s7], $0x2800  }
0x42: {  	s7 =	simm.s32 $0x1F  }
0x43: {  	_ =	swait.ge [sflag:s7], $0x2800  }
0x44: {  	s8 =	sld [smem:$0x7EC];
	_ =	sdelay $0x2  }
0x45: {  	s30 =	rddreg [dreg:$0x1c];
	s8 =	sadd.s32 $0x1, s8  }
0x46: {  	p0 =	sne.s32 s8, s30  }
.Ltmp1:
0x47: {  	_ = 	snop;
	(pc) =	sbr.rel @!p0 .LBB2_5-.Ltmp1, $3  }
0x48: {  	_ =	sdelay $0x1  }
0x49: {  	[sflag:s7] =	ssyncset.done $0x0  }
0x4a: {  	s29 =	simm.s32 $0x1AD00;
	[sflag:s7] =	ssyncadd.s32 $0xFFFFD800  }
.LBB2_1:
0x4b: {  	[smem:$0x7EC] =	sst s8  }
0x4c: {  	s5 =	rddreg [dreg:$0x7]  }
0x4d: {  	s25 =	rddreg [dreg:$0x6];
	s24 =	sshrl.u32 s5, $0x3  }
0x4e: {  	[smem:$0x7ED] =	sst s24  }
0x4f: {  	[spmem:s24], [sflag:s10] =	dma.local [hbm:s25], $0x2800  }
0x50: {  	_ =	swait.ge [sflag:s7], $0x2800  }
0x51: {  	[sflag:s7] =	ssyncset.done $0x0  }
0x52: {  	[sflag:s7] =	ssyncadd.s32 $0xFFFFD800  }
0x53: {  	[bflag:$0x0] =	sbarrier.arrive $0xFFFF  }
0x54: {  	s30 =	simm.s32 $0x1A400;
	s28 =	rddreg [dreg:$0x17]  }
0x55: {  	[tilespmem:s30], [sflag:$0xB] =	stream.linear.gather [hbm4b:s28+s4], $0x28, $0x38;
	[tilespmem:$0x1AE00] =	vst v63  }
0x56: {  	s7 =	simm.s32 $0x1A900;
	s8 =	rddreg [dreg:$0x18]  }
0x57: {  	[tilespmem:s7], [sflag:$0x15] =	stream.linear.gather [hbm4b:s8+s4], $0x28, $0x38;
	[tilespmem:$0x1AE00] =	vst v63  }
0x58: {  	s24 =	simm.s32 $0x1A480;
	s10 =	rddreg [dreg:$0x9]  }
0x59: {  	[tilespmem:s24], [sflag:$0xC] =	stream.linear.gather [hbm4b:s10+s4], $0x28, $0x38;
	[tilespmem:$0x1AE00] =	vst v63  }
0x5a: {  	s25 =	rddreg [dreg:$0xa];
	s8 =	simm.s32 $0x1A980  }
0x5b: {  	[tilespmem:s8], [sflag:$0x16] =	stream.linear.gather [hbm4b:s25+s4], $0x28, $0x38;
	[tilespmem:$0x1AE00] =	vst v63  }
0x5c: {  	s28 =	rddreg [dreg:$0xb];
	s30 =	simm.s32 $0x1A500  }
0x5d: {  	[tilespmem:s30], [sflag:$0xD] =	stream.linear.gather [hbm4b:s28+s4], $0x28, $0x38;
	[tilespmem:$0x1AE00] =	vst v63  }
0x5e: {  	s24 =	rddreg [dreg:$0xc];
	s10 =	simm.s32 $0x1AA00  }
0x5f: {  	[tilespmem:s10], [sflag:$0x17] =	stream.linear.gather [hbm4b:s24+s4], $0x28, $0x38;
	[tilespmem:$0x1AE00] =	vst v63  }
0x60: {  	s25 =	rddreg [dreg:$0xd];
	s24 =	simm.s32 $0x1A580  }
0x61: {  	[tilespmem:s24], [sflag:$0xE] =	stream.linear.gather [hbm4b:s25+s4], $0x28, $0x38;
	[tilespmem:$0x1AE00] =	vst v63  }
0x62: {  	s28 =	rddreg [dreg:$0xe];
	s24 =	simm.s32 $0x1AA80  }
0x63: {  	[tilespmem:s24], [sflag:$0x18] =	stream.linear.gather [hbm4b:s28+s4], $0x28, $0x38;
	[tilespmem:$0x1AE00] =	vst v63  }
0x64: {  	s30 =	rddreg [dreg:$0xf];
	s25 =	simm.s32 $0x1A600  }
0x65: {  	[tilespmem:s25], [sflag:$0xF] =	stream.linear.gather [hbm4b:s30+s4], $0x28, $0x38;
	[tilespmem:$0x1AE00] =	vst v63  }
0x66: {  	s28 =	rddreg [dreg:$0x10];
	s30 =	simm.s32 $0x1AB00  }
0x67: {  	[tilespmem:s30], [sflag:$0x19] =	stream.linear.gather [hbm4b:s28+s4], $0x28, $0x38;
	[tilespmem:$0x1AE00] =	vst v63  }
0x68: {  	s28 =	rddreg [dreg:$0x11];
	s30 =	simm.s32 $0x1A680  }
0x69: {  	[tilespmem:s30], [sflag:$0x10] =	stream.linear.gather [hbm4b:s28+s4], $0x28, $0x38;
	[tilespmem:$0x1AE00] =	vst v63  }
0x6a: {  	s28 =	rddreg [dreg:$0x12];
	s30 =	simm.s32 $0x1AB80  }
0x6b: {  	[tilespmem:s30], [sflag:$0x1A] =	stream.linear.gather [hbm4b:s28+s4], $0x28, $0x38;
	[tilespmem:$0x1AE00] =	vst v63  }
0x6c: {  	s28 =	rddreg [dreg:$0x13];
	s30 =	simm.s32 $0x1A700  }
0x6d: {  	[tilespmem:s30], [sflag:$0x11] =	stream.linear.gather [hbm4b:s28+s4], $0x28, $0x38;
	[tilespmem:$0x1AE00] =	vst v63  }
0x6e: {  	s28 =	rddreg [dreg:$0x14];
	s30 =	simm.s32 $0x1AC00  }
0x6f: {  	[tilespmem:s30], [sflag:$0x1B] =	stream.linear.gather [hbm4b:s28+s4], $0x28, $0x38;
	[tilespmem:$0x1AE00] =	vst v63  }
0x70: {  	s28 =	rddreg [dreg:$0x15];
	s30 =	simm.s32 $0x1A780  }
0x71: {  	[tilespmem:s30], [sflag:$0x12] =	stream.linear.gather [hbm4b:s28+s4], $0x28, $0x38;
	[tilespmem:$0x1AE00] =	vst v63  }
0x72: {  	s25 =	rddreg [dreg:$0x16];
	s28 =	simm.s32 $0x1AC80  }
0x73: {  	[tilespmem:s28], [sflag:$0x1C] =	stream.linear.gather [hbm4b:s25+s4], $0x28, $0x38;
	[tilespmem:$0x1AE00] =	vst v63  }
0x74: {  	s30 =	rddreg [dreg:$0x19]  }
0x75: {  	[tilespmem:s12], [sflag:$0x13] =	stream.linear.gather [hbm4b:s30+s4], $0x28, $0x38;
	[tilespmem:$0x1AE00] =	vst v63  }
0x76: {  	s25 =	rddreg [dreg:$0x1a];
	s28 =	simm.s32 $0xB  }
0x77: {  	[tilespmem:s29], [sflag:$0x1D] =	stream.linear.gather [hbm4b:s25+s4], $0x28, $0x38;
	[tilespmem:$0x1AE00] =	vst v63  }
0x78: {  	_ =	swait.ge [sflag:s28], $0x28  }
0x79: {  	[sflag:s28] =	ssyncset.done $0x0  }
0x7a: {  	s30 =	simm.s32 $0x15;
	[sflag:s28] =	ssyncadd.s32 $0xFFFFFFD8  }
0x7b: {  	_ =	swait.ge [sflag:s30], $0x28  }
0x7c: {  	[sflag:s30] =	ssyncset.done $0x0  }
0x7d: {  	s12 =	simm.s32 $0xC;
	[sflag:s30] =	ssyncadd.s32 $0xFFFFFFD8  }
0x7e: {  	[tilespmem:s14], [sflag:$0x1] =	stream.indirect.gather [hbm4b:s1+s9], $0x80, s7, s9, $0xb8;
	[tilespmem:$0x1AE00] =	vst v63  }
0x7f: {  	_ =	swait.ge [sflag:s12], $0x28  }
0x80: {  	[sflag:s12] =	ssyncset.done $0x0  }
0x81: {  	s14 =	simm.s32 $0x16;
	[sflag:s12] =	ssyncadd.s32 $0xFFFFFFD8  }
0x82: {  	_ =	swait.ge [sflag:s14], $0x28  }
0x83: {  	[sflag:s14] =	ssyncset.done $0x0  }
0x84: {  	[sflag:s14] =	ssyncadd.s32 $0xFFFFFFD8  }
0x85: {  	[tilespmem:s16], [sflag:$0x2] =	stream.indirect.gather [hbm4b:s1+s9], $0x80, s8, s9, $0xb8;
	[tilespmem:$0x1AE00] =	vst v63  }
0x86: {  	s16 =	simm.s32 $0xD  }
0x87: {  	_ =	swait.ge [sflag:s16], $0x28  }
0x88: {  	[sflag:s16] =	ssyncset.done $0x0  }
0x89: {  	s25 =	simm.s32 $0x17;
	[sflag:s16] =	ssyncadd.s32 $0xFFFFFFD8  }
0x8a: {  	_ =	swait.ge [sflag:s25], $0x28  }
0x8b: {  	[sflag:s25] =	ssyncset.done $0x0  }
0x8c: {  	s28 =	simm.s32 $0xE;
	[sflag:s25] =	ssyncadd.s32 $0xFFFFFFD8  }
0x8d: {  	[tilespmem:s17], [sflag:$0x3] =	stream.indirect.gather [hbm4b:s1+s9], $0x80, s10, s9, $0xb8;
	[tilespmem:$0x1AE00] =	vst v63  }
0x8e: {  	_ =	swait.ge [sflag:s28], $0x28  }
0x8f: {  	[sflag:s28] =	ssyncset.done $0x0  }
0x90: {  	s30 =	simm.s32 $0x18;
	[sflag:s28] =	ssyncadd.s32 $0xFFFFFFD8  }
0x91: {  	_ =	swait.ge [sflag:s30], $0x28  }
0x92: {  	[sflag:s30] =	ssyncset.done $0x0  }
0x93: {  	[sflag:s30] =	ssyncadd.s32 $0xFFFFFFD8  }
0x94: {  	[tilespmem:s18], [sflag:$0x4] =	stream.indirect.gather [hbm4b:s1+s9], $0x80, s24, s9, $0xb8;
	[tilespmem:$0x1AE00] =	vst v63  }
0x95: {  	s12 =	simm.s32 $0x1A800;
	s25 =	simm.s32 $0x0;
	s24 =	sld [smem:$0x7FB]  }
.LBB2_2:
0x96: {  	s5 =	simm.s32 $0xF  }
0x97: {  	_ =	swait.ge [sflag:s5], $0x28  }
0x98: {  	[sflag:s5] =	ssyncset.done $0x0  }
0x99: {  	s17 =	simm.s32 $0x19;
	[sflag:s5] =	ssyncadd.s32 $0xFFFFFFD8  }
0x9a: {  	_ =	swait.ge [sflag:s17], $0x28  }
0x9b: {  	p0 =	seq.s32 s25, $0x0;
	[sflag:s17] =	ssyncset.done $0x0  }
0x9c: {  	s5 =	simm.s32 @!p0 $0xA;
	[sflag:s17] =	ssyncadd.s32 $0xFFFFFFD8  }
0x9d: {  	_ =	swait.ge @!p0 [sflag:s5], $0x1400  }
0x9e: {  	[sflag:s5] =	ssyncset.done @!p0 $0x0  }
0x9f: {  	s18 =	simm.s32 $0x1AB00;
	[sflag:s5] =	ssyncadd.s32 @!p0 $0xFFFFEC00  }
0xa0: {  	[tilespmem:s6], [sflag:$0x5] =	stream.indirect.gather [hbm4b:s1+s9], $0x80, s18, s9, $0xb8;
	[tilespmem:$0x1AE00] =	vst v63  }
0xa1: {  	_ =	swait.ge [sflag:s31], $0x1400  }
0xa2: {  	s28 =	simm.s32 $0x1A400;
	[sflag:s31] =	ssyncset.done $0x0;
	s30 =	sld [smem:$0x7FD]  }
0xa3: {  	s10 =	simm.s32 $0x14000;
	s7 =	sld [smem:$0x7FC];
	[sflag:s31] =	ssyncadd.s32 $0xFFFFEC00  }
0xa4: {  	[spmem:s2] =	stream.indirect.scatter.add.f32 [tilespmem:s10], [sflag:$0x6], $0x80, s28, s9, $0xb8;
	[tilespmem:$0x1AE00] =	vst v63  }
0xa5: {  	s5 =	sadd.s32 s25, s30  }
0xa6: {  	[tilespmem:s22], [sflag:$0x14] =	stream.linear.gather [hbm4b:s5+s4], $0x28, $0x38;
	[tilespmem:$0x1AE00] =	vst v63  }
0xa7: {  	s14 =	simm.s32 $0x1AD80;
	s8 =	simm.s32 $0x10;
	s5 =	sadd.s32 s25, s7  }
0xa8: {  	[tilespmem:s14], [sflag:$0x1E] =	stream.linear.gather [hbm4b:s5+s4], $0x28, $0x38;
	[tilespmem:$0x1AE00] =	vst v63  }
0xa9: {  	_ =	swait.ge [sflag:s8], $0x28  }
0xaa: {  	[sflag:s8] =	ssyncset.done $0x0  }
0xab: {  	s16 =	simm.s32 $0x1A;
	[sflag:s8] =	ssyncadd.s32 $0xFFFFFFD8  }
0xac: {  	_ =	swait.ge [sflag:s16], $0x28  }
0xad: {  	[sflag:s16] =	ssyncset.done $0x0  }
0xae: {  	s17 =	simm.s32 $0x6;
	[sflag:s16] =	ssyncadd.s32 $0xFFFFFFD8  }
0xaf: {  	_ =	swait.ge [sflag:s17], $0x1400  }
0xb0: {  	[sflag:s17] =	ssyncset.done $0x0  }
0xb1: {  	s18 =	simm.s32 $0x1AB80;
	[sflag:s17] =	ssyncadd.s32 $0xFFFFEC00  }
0xb2: {  	[tilespmem:s10], [sflag:$0x1] =	stream.indirect.gather [hbm4b:s1+s9], $0x80, s18, s9, $0xb8;
	[tilespmem:$0x1AE00] =	vst v63  }
0xb3: {  	p0 =	seq.s32 s25, $0x992;
	_ =	swait.ge [sflag:s11], $0x1400  }
0xb4: {  	s28 =	simm.s32 $0x1A480;
	s5 =	sshrl.u32 @!p0 s24, $0x3;
	[sflag:s11] =	ssyncset.done $0x0  }
0xb5: {  	s17 =	simm.s32 $0x15400;
	s7 =	rddreg [dreg:$0x5];
	[sflag:s11] =	ssyncadd.s32 $0xFFFFEC00  }
0xb6: {  	[spmem:s2] =	stream.indirect.scatter.add.f32 [tilespmem:s17], [sflag:$0x7], $0x80, s28, s9, $0xb8;
	[tilespmem:$0x1AE00] =	vst v63  }
0xb7: {  	s8 =	simm.s32 @!p0 $0x1A400;
	s7 =	sadd.s32 @!p0 s7, s5;
	s28 =	simm.s32 @!p0 $0x0  }
0xb8: {  	[tilespmem:s8], [sflag:$0xB] =	stream.linear.gather @!p0 [hbm4b:s7+s28], $0x28, $0x38;
	[tilespmem:$0x1AE00] =	vst v63  }
0xb9: {  	s7 =	rddreg [dreg:$0x4]  }
0xba: {  	s30 =	simm.s32 $0x11;
	s5 =	sadd.s32 @!p0 s7, s5;
	s7 =	simm.s32 @!p0 $0x1A900  }
0xbb: {  	[tilespmem:s7], [sflag:$0x15] =	stream.linear.gather @!p0 [hbm4b:s5+s28], $0x28, $0x38;
	[tilespmem:$0x1AE00] =	vst v63  }
0xbc: {  	_ =	swait.ge [sflag:s30], $0x28  }
0xbd: {  	[sflag:s30] =	ssyncset.done $0x0  }
0xbe: {  	s8 =	simm.s32 $0x1B;
	[sflag:s30] =	ssyncadd.s32 $0xFFFFFFD8  }
0xbf: {  	_ =	swait.ge [sflag:s8], $0x28  }
0xc0: {  	[sflag:s8] =	ssyncset.done $0x0  }
0xc1: {  	s16 =	simm.s32 $0x7;
	[sflag:s8] =	ssyncadd.s32 $0xFFFFFFD8  }
0xc2: {  	_ =	swait.ge [sflag:s16], $0x1400  }
0xc3: {  	[sflag:s16] =	ssyncset.done $0x0  }
0xc4: {  	s18 =	simm.s32 $0x1AC00;
	[sflag:s16] =	ssyncadd.s32 $0xFFFFEC00  }
0xc5: {  	[tilespmem:s17], [sflag:$0x2] =	stream.indirect.gather [hbm4b:s1+s9], $0x80, s18, s9, $0xb8;
	[tilespmem:$0x1AE00] =	vst v63  }
0xc6: {  	_ =	swait.ge [sflag:s15], $0x1400  }
0xc7: {  	[sflag:s15] =	ssyncset.done $0x0;
	s5 =	sld [smem:$0x7FA]  }
0xc8: {  	s30 =	simm.s32 $0x1A500;
	s18 =	simm.s32 $0x16800;
	[sflag:s15] =	ssyncadd.s32 $0xFFFFEC00  }
0xc9: {  	[spmem:s2] =	stream.indirect.scatter.add.f32 [tilespmem:s18], [sflag:$0x8], $0x80, s30, s9, $0xb8;
	[tilespmem:$0x1AE00] =	vst v63  }
0xca: {  	s8 =	simm.s32 @!p0 $0x1A480;
	s5 =	sadd.s32 @!p0 s25, s5  }
0xcb: {  	[tilespmem:s8], [sflag:$0xC] =	stream.linear.gather @!p0 [hbm4b:s5+s28], $0x28, $0x38;
	[tilespmem:$0x1AE00] =	vst v63  }
0xcc: {  	s5 =	sld [smem:$0x7F9];
	_ =	sdelay $0x2  }
0xcd: {  	s30 =	simm.s32 @!p0 $0x1A980;
	s8 =	simm.s32 $0x12;
	s5 =	sadd.s32 @!p0 s25, s5  }
0xce: {  	[tilespmem:s30], [sflag:$0x16] =	stream.linear.gather @!p0 [hbm4b:s5+s28], $0x28, $0x38;
	[tilespmem:$0x1AE00] =	vst v63  }
0xcf: {  	_ =	swait.ge [sflag:s8], $0x28  }
0xd0: {  	[sflag:s8] =	ssyncset.done $0x0  }
0xd1: {  	s16 =	simm.s32 $0x1C;
	[sflag:s8] =	ssyncadd.s32 $0xFFFFFFD8  }
0xd2: {  	_ =	swait.ge [sflag:s16], $0x28  }
0xd3: {  	[sflag:s16] =	ssyncset.done $0x0  }
0xd4: {  	s8 =	simm.s32 $0x8;
	[sflag:s16] =	ssyncadd.s32 $0xFFFFFFD8  }
0xd5: {  	_ =	swait.ge [sflag:s8], $0x1400  }
0xd6: {  	[sflag:s8] =	ssyncset.done $0x0  }
0xd7: {  	s16 =	simm.s32 $0x1AC80;
	[sflag:s8] =	ssyncadd.s32 $0xFFFFEC00  }
0xd8: {  	[tilespmem:s18], [sflag:$0x3] =	stream.indirect.gather [hbm4b:s1+s9], $0x80, s16, s9, $0xb8;
	[tilespmem:$0x1AE00] =	vst v63  }
0xd9: {  	_ =	swait.ge [sflag:s19], $0x1400  }
0xda: {  	[sflag:s19] =	ssyncset.done $0x0;
	s5 =	sld [smem:$0x7F8]  }
0xdb: {  	s8 =	simm.s32 $0x1A580;
	[sflag:s19] =	ssyncadd.s32 $0xFFFFEC00  }
0xdc: {  	[spmem:s2] =	stream.indirect.scatter.add.f32 [tilespmem:s20], [sflag:$0x9], $0x80, s8, s9, $0xb8;
	[tilespmem:$0x1AE00] =	vst v63  }
0xdd: {  	s8 =	simm.s32 @!p0 $0x1A500;
	s5 =	sadd.s32 @!p0 s25, s5  }
0xde: {  	[tilespmem:s8], [sflag:$0xD] =	stream.linear.gather @!p0 [hbm4b:s5+s28], $0x28, $0x38;
	[tilespmem:$0x1AE00] =	vst v63  }
0xdf: {  	s5 =	sld [smem:$0x7F7];
	_ =	sdelay $0x2  }
0xe0: {  	s16 =	simm.s32 $0x13;
	s8 =	sadd.s32 @!p0 s25, s5;
	s5 =	simm.s32 @!p0 $0x1AA00  }
0xe1: {  	[tilespmem:s5], [sflag:$0x17] =	stream.linear.gather @!p0 [hbm4b:s8+s28], $0x28, $0x38;
	[tilespmem:$0x1AE00] =	vst v63  }
0xe2: {  	_ =	swait.ge [sflag:s16], $0x28  }
0xe3: {  	[sflag:s16] =	ssyncset.done $0x0  }
0xe4: {  	[sflag:s16] =	ssyncadd.s32 $0xFFFFFFD8;
	s16 =	simm.s32 $0x1D  }
0xe5: {  	_ =	swait.ge [sflag:s16], $0x28  }
0xe6: {  	[sflag:s16] =	ssyncset.done $0x0  }
0xe7: {  	[sflag:s16] =	ssyncadd.s32 $0xFFFFFFD8  }
0xe8: {  	_ =	swait.ge [sflag:s23], $0x1400  }
0xe9: {  	[sflag:s23] =	ssyncset.done $0x0  }
0xea: {  	[sflag:s23] =	ssyncadd.s32 $0xFFFFEC00  }
0xeb: {  	[tilespmem:s20], [sflag:$0x4] =	stream.indirect.gather [hbm4b:s1+s9], $0x80, s29, s9, $0xb8;
	[tilespmem:$0x1AE00] =	vst v63  }
0xec: {  	_ =	swait.ge [sflag:s26], $0x1400  }
0xed: {  	[sflag:s26] =	ssyncset.done $0x0;
	s8 =	sld [smem:$0x7F6]  }
0xee: {  	s29 =	simm.s32 $0x1A600;
	[sflag:s26] =	ssyncadd.s32 $0xFFFFEC00  }
0xef: {  	[spmem:s2] =	stream.indirect.scatter.add.f32 [tilespmem:s6], [sflag:$0xA], $0x80, s29, s9, $0xb8;
	[tilespmem:$0x1AE00] =	vst v63  }
0xf0: {  	s29 =	simm.s32 @!p0 $0x1A580;
	s8 =	sadd.s32 @!p0 s25, s8  }
0xf1: {  	[tilespmem:s29], [sflag:$0xE] =	stream.linear.gather @!p0 [hbm4b:s8+s28], $0x28, $0x38;
	[tilespmem:$0x1AE00] =	vst v63  }
0xf2: {  	s8 =	sld [smem:$0x7F5];
	_ =	sdelay $0x2  }
0xf3: {  	s29 =	simm.s32 @!p0 $0x1AA80;
	s8 =	sadd.s32 @!p0 s25, s8  }
0xf4: {  	[tilespmem:s29], [sflag:$0x18] =	stream.linear.gather @!p0 [hbm4b:s8+s28], $0x28, $0x38;
	[tilespmem:$0x1AE00] =	vst v63  }
0xf5: {  	_ =	swait.ge [sflag:s21], $0x28  }
0xf6: {  	[sflag:s21] =	ssyncset.done $0x0  }
0xf7: {  	[sflag:s21] =	ssyncadd.s32 $0xFFFFFFD8  }
0xf8: {  	_ =	swait.ge [sflag:s0], $0x28  }
0xf9: {  	[sflag:s0] =	ssyncset.done $0x0  }
0xfa: {  	[sflag:s0] =	ssyncadd.s32 $0xFFFFFFD8  }
0xfb: {  	_ =	swait.ge [sflag:s3], $0x1400  }
0xfc: {  	[sflag:s3] =	ssyncset.done $0x0  }
0xfd: {  	[sflag:s3] =	ssyncadd.s32 $0xFFFFEC00  }
0xfe: {  	[tilespmem:s6], [sflag:$0x5] =	stream.indirect.gather [hbm4b:s1+s9], $0x80, s14, s9, $0xb8;
	[tilespmem:$0x1AE00] =	vst v63  }
0xff: {  	_ =	swait.ge [sflag:s31], $0x1400  }
0x100: {  	[sflag:s31] =	ssyncset.done $0x0  }
0x101: {  	s16 =	simm.s32 $0x1A680;
	s8 =	simm.s32 @p0 $0x6;
	[sflag:s31] =	ssyncadd.s32 $0xFFFFEC00  }
0x102: {  	[spmem:s2] =	stream.indirect.scatter.add.f32 [tilespmem:s10], [sflag:$0x6], $0x80, s16, s9, $0xb8;
	[tilespmem:$0x1AE00] =	vst v63  }
0x103: {  	_ =	swait.ge @p0 [sflag:s8], $0x1400  }
0x104: {  	[sflag:s8] =	ssyncset.done @p0 $0x0  }
0x105: {  	[sflag:s8] =	ssyncadd.s32 @p0 $0xFFFFEC00;
	s8 =	sld [smem:$0x7F4];
	_ =	sdelay $0x2  }
0x106: {  	s10 =	simm.s32 @!p0 $0x1A600;
	s8 =	sadd.s32 @!p0 s25, s8  }
0x107: {  	[tilespmem:s10], [sflag:$0xF] =	stream.linear.gather @!p0 [hbm4b:s8+s28], $0x28, $0x38;
	[tilespmem:$0x1AE00] =	vst v63  }
0x108: {  	s8 =	sld [smem:$0x7F3];
	_ =	sdelay $0x2  }
0x109: {  	s10 =	simm.s32 @!p0 $0x1AB00;
	s8 =	sadd.s32 @!p0 s25, s8  }
0x10a: {  	[tilespmem:s10], [sflag:$0x19] =	stream.linear.gather @!p0 [hbm4b:s8+s28], $0x28, $0x38;
	[tilespmem:$0x1AE00] =	vst v63  }
0x10b: {  	s8 =	simm.s32 @!p0 $0xB  }
0x10c: {  	_ =	swait.ge @!p0 [sflag:s8], $0x28  }
0x10d: {  	[sflag:s8] =	ssyncset.done @!p0 $0x0  }
0x10e: {  	[sflag:s8] =	ssyncadd.s32 @!p0 $0xFFFFFFD8;
	s8 =	simm.s32 @!p0 $0x15  }
0x10f: {  	_ =	swait.ge @!p0 [sflag:s8], $0x28  }
0x110: {  	[sflag:s8] =	ssyncset.done @!p0 $0x0  }
0x111: {  	[sflag:s8] =	ssyncadd.s32 @!p0 $0xFFFFFFD8;
	s8 =	simm.s32 @!p0 $0x6  }
0x112: {  	_ =	swait.ge @!p0 [sflag:s8], $0x1400  }
0x113: {  	[sflag:s8] =	ssyncset.done @!p0 $0x0  }
0x114: {  	s10 =	simm.s32 @!p0 $0x14000;
	[sflag:s8] =	ssyncadd.s32 @!p0 $0xFFFFEC00;
	s8 =	simm.s32 @!p0 $0x28  }
0x115: {  	[tilespmem:s10], [sflag:$0x1] =	stream.indirect.gather @!p0 [hbm4b:s1+s8], $0x80, s7, s8, $0xb8;
	[tilespmem:$0x1AE00] =	vst v63  }
0x116: {  	_ =	swait.ge [sflag:s11], $0x1400  }
0x117: {  	[sflag:s11] =	ssyncset.done $0x0  }
0x118: {  	s10 =	simm.s32 $0x1A700;
	s7 =	simm.s32 @p0 $0x7;
	[sflag:s11] =	ssyncadd.s32 $0xFFFFEC00  }
0x119: {  	[spmem:s2] =	stream.indirect.scatter.add.f32 [tilespmem:s17], [sflag:$0x7], $0x80, s10, s9, $0xb8;
	[tilespmem:$0x1AE00] =	vst v63  }
0x11a: {  	_ =	swait.ge @p0 [sflag:s7], $0x1400  }
0x11b: {  	[sflag:s7] =	ssyncset.done @p0 $0x0  }
0x11c: {  	[sflag:s7] =	ssyncadd.s32 @p0 $0xFFFFEC00;
	s7 =	sld [smem:$0x7F2];
	_ =	sdelay $0x2  }
0x11d: {  	s10 =	simm.s32 @!p0 $0x1A680;
	s7 =	sadd.s32 @!p0 s25, s7  }
0x11e: {  	[tilespmem:s10], [sflag:$0x10] =	stream.linear.gather @!p0 [hbm4b:s7+s28], $0x28, $0x38;
	[tilespmem:$0x1AE00] =	vst v63  }
0x11f: {  	s7 =	sld [smem:$0x7F1];
	_ =	sdelay $0x2  }
0x120: {  	s10 =	simm.s32 @!p0 $0x1AB80;
	s7 =	sadd.s32 @!p0 s25, s7  }
0x121: {  	[tilespmem:s10], [sflag:$0x1A] =	stream.linear.gather @!p0 [hbm4b:s7+s28], $0x28, $0x38;
	[tilespmem:$0x1AE00] =	vst v63  }
0x122: {  	s7 =	simm.s32 @!p0 $0xC  }
0x123: {  	_ =	swait.ge @!p0 [sflag:s7], $0x28  }
0x124: {  	[sflag:s7] =	ssyncset.done @!p0 $0x0  }
0x125: {  	[sflag:s7] =	ssyncadd.s32 @!p0 $0xFFFFFFD8;
	s7 =	simm.s32 @!p0 $0x16  }
0x126: {  	_ =	swait.ge @!p0 [sflag:s7], $0x28  }
0x127: {  	[sflag:s7] =	ssyncset.done @!p0 $0x0  }
0x128: {  	[sflag:s7] =	ssyncadd.s32 @!p0 $0xFFFFFFD8;
	s7 =	simm.s32 @!p0 $0x7  }
0x129: {  	_ =	swait.ge @!p0 [sflag:s7], $0x1400  }
0x12a: {  	[sflag:s7] =	ssyncset.done @!p0 $0x0  }
0x12b: {  	[sflag:s7] =	ssyncadd.s32 @!p0 $0xFFFFEC00;
	s7 =	simm.s32 @!p0 $0x15400  }
0x12c: {  	[tilespmem:s7], [sflag:$0x2] =	stream.indirect.gather @!p0 [hbm4b:s1+s8], $0x80, s30, s8, $0xb8;
	[tilespmem:$0x1AE00] =	vst v63  }
0x12d: {  	_ =	swait.ge [sflag:s15], $0x1400  }
0x12e: {  	[sflag:s15] =	ssyncset.done $0x0  }
0x12f: {  	s30 =	simm.s32 $0x1A780;
	s7 =	simm.s32 @p0 $0x8;
	[sflag:s15] =	ssyncadd.s32 $0xFFFFEC00  }
0x130: {  	[spmem:s2] =	stream.indirect.scatter.add.f32 [tilespmem:s18], [sflag:$0x8], $0x80, s30, s9, $0xb8;
	[tilespmem:$0x1AE00] =	vst v63  }
0x131: {  	_ =	swait.ge @p0 [sflag:s7], $0x1400  }
0x132: {  	[sflag:s7] =	ssyncset.done @p0 $0x0  }
0x133: {  	[sflag:s7] =	ssyncadd.s32 @p0 $0xFFFFEC00;
	s7 =	sld [smem:$0x7F0];
	_ =	sdelay $0x2  }
0x134: {  	s10 =	simm.s32 @!p0 $0x1A700;
	s7 =	sadd.s32 @!p0 s25, s7  }
0x135: {  	[tilespmem:s10], [sflag:$0x11] =	stream.linear.gather @!p0 [hbm4b:s7+s28], $0x28, $0x38;
	[tilespmem:$0x1AE00] =	vst v63  }
0x136: {  	s7 =	sld [smem:$0x7EF];
	_ =	sdelay $0x2  }
0x137: {  	s10 =	simm.s32 @!p0 $0x1AC00;
	s7 =	sadd.s32 @!p0 s25, s7  }
0x138: {  	[tilespmem:s10], [sflag:$0x1B] =	stream.linear.gather @!p0 [hbm4b:s7+s28], $0x28, $0x38;
	[tilespmem:$0x1AE00] =	vst v63  }
0x139: {  	s7 =	simm.s32 @!p0 $0xD  }
0x13a: {  	_ =	swait.ge @!p0 [sflag:s7], $0x28  }
0x13b: {  	[sflag:s7] =	ssyncset.done @!p0 $0x0  }
0x13c: {  	[sflag:s7] =	ssyncadd.s32 @!p0 $0xFFFFFFD8;
	s7 =	simm.s32 @!p0 $0x17  }
0x13d: {  	_ =	swait.ge @!p0 [sflag:s7], $0x28  }
0x13e: {  	[sflag:s7] =	ssyncset.done @!p0 $0x0  }
0x13f: {  	[sflag:s7] =	ssyncadd.s32 @!p0 $0xFFFFFFD8;
	s7 =	simm.s32 @!p0 $0x8  }
0x140: {  	_ =	swait.ge @!p0 [sflag:s7], $0x1400  }
0x141: {  	[sflag:s7] =	ssyncset.done @!p0 $0x0  }
0x142: {  	[sflag:s7] =	ssyncadd.s32 @!p0 $0xFFFFEC00;
	s7 =	simm.s32 @!p0 $0x16800  }
0x143: {  	[tilespmem:s7], [sflag:$0x3] =	stream.indirect.gather @!p0 [hbm4b:s1+s8], $0x80, s5, s8, $0xb8;
	[tilespmem:$0x1AE00] =	vst v63  }
0x144: {  	_ =	swait.ge [sflag:s19], $0x1400  }
0x145: {  	[sflag:s19] =	ssyncset.done $0x0  }
0x146: {  	s5 =	simm.s32 @p0 $0x9;
	[sflag:s19] =	ssyncadd.s32 $0xFFFFEC00  }
0x147: {  	[spmem:s2] =	stream.indirect.scatter.add.f32 [tilespmem:s20], [sflag:$0x9], $0x80, s12, s9, $0xb8;
	[tilespmem:$0x1AE00] =	vst v63  }
0x148: {  	_ =	swait.ge @p0 [sflag:s5], $0x1400  }
0x149: {  	[sflag:s5] =	ssyncset.done @p0 $0x0  }
0x14a: {  	[sflag:s5] =	ssyncadd.s32 @p0 $0xFFFFEC00;
	s5 =	sld [smem:$0x7EE];
	_ =	sdelay $0x2  }
0x14b: {  	s7 =	simm.s32 @!p0 $0x1A780;
	s5 =	sadd.s32 @!p0 s25, s5  }
0x14c: {  	[tilespmem:s7], [sflag:$0x12] =	stream.linear.gather @!p0 [hbm4b:s5+s28], $0x28, $0x38;
	[tilespmem:$0x1AE00] =	vst v63  }
0x14d: {  	s5 =	rddreg [dreg:$0x1f]  }
0x14e: {  	s7 =	simm.s32 @!p0 $0x1AC80;
	s5 =	sadd.s32 @!p0 s25, s5  }
0x14f: {  	[tilespmem:s7], [sflag:$0x1C] =	stream.linear.gather @!p0 [hbm4b:s5+s28], $0x28, $0x38;
	[tilespmem:$0x1AE00] =	vst v63  }
0x150: {  	s5 =	simm.s32 @!p0 $0xE  }
0x151: {  	_ =	swait.ge @!p0 [sflag:s5], $0x28  }
0x152: {  	[sflag:s5] =	ssyncset.done @!p0 $0x0  }
0x153: {  	[sflag:s5] =	ssyncadd.s32 @!p0 $0xFFFFFFD8;
	s5 =	simm.s32 @!p0 $0x18  }
0x154: {  	_ =	swait.ge @!p0 [sflag:s5], $0x28  }
0x155: {  	[sflag:s5] =	ssyncset.done @!p0 $0x0  }
0x156: {  	[sflag:s5] =	ssyncadd.s32 @!p0 $0xFFFFFFD8;
	s5 =	simm.s32 @!p0 $0x9  }
0x157: {  	_ =	swait.ge @!p0 [sflag:s5], $0x1400  }
0x158: {  	[sflag:s5] =	ssyncset.done @!p0 $0x0  }
0x159: {  	[sflag:s5] =	ssyncadd.s32 @!p0 $0xFFFFEC00;
	s5 =	simm.s32 @!p0 $0x17C00  }
0x15a: {  	[tilespmem:s5], [sflag:$0x4] =	stream.indirect.gather @!p0 [hbm4b:s1+s8], $0x80, s29, s8, $0xb8;
	[tilespmem:$0x1AE00] =	vst v63  }
.Ltmp2:
0x15b: {  	_ = 	snop;
	(pc) =	sbr.rel @p0 .LBB2_4-.Ltmp2, $4  }
0x15c: {  	s14 =	simm.s32 $0x14000;
	_ =	swait.ge [sflag:s26], $0x1400  }
0x15d: {  	s16 =	simm.s32 $0x15400;
	s17 =	simm.s32 $0x16800;
	[sflag:s26] =	ssyncset.done $0x0  }
0x15e: {  	s18 =	simm.s32 $0x17C00;
	s12 =	simm.s32 $0x1A800;
	[sflag:s26] =	ssyncadd.s32 $0xFFFFEC00  }
0x15f: {  	[spmem:s2] =	stream.indirect.scatter.add.f32 [tilespmem:s6], [sflag:$0xA], $0x80, s22, s9, $0xb8;
	[tilespmem:$0x1AE00] =	vst v63  }
0x160: {  	s5 =	rddreg [dreg:$0x1e]  }
.Ltmp3:
0x161: {  	s30 =	rddreg [dreg:$0x1d];
	(pc) =	sbr.rel .LBB2_2-.Ltmp3, $4  }
0x162: {  	s24 =	sadd.s32 $0x190, s24;
	s29 =	simm.s32 $0x1AD00;
	s5 =	sadd.s32 s25, s5  }
0x163: {  	[tilespmem:s12], [sflag:$0x13] =	stream.linear.gather [hbm4b:s5+s4], $0x28, $0x38;
	[tilespmem:$0x1AE00] =	vst v63  }
0x164: {  	s5 =	sadd.s32 s25, s30;
	s25 =	sadd.s32 $0x32, s25;
	s12 =	simm.s32 $0x1A800  }
0x165: {  	[tilespmem:s13], [sflag:$0x1D] =	stream.linear.gather [hbm4b:s5+s4], $0x28, $0x38;
	[tilespmem:$0x1AE00] =	vst v63  }
.LBB2_5:
0x166: {  	_ =	sfence.sel $0x180000  }
0x167: {  	[bflag:$0x0] =	sbarrier.arrive $0xFFFF  }
0x168: {  	_ =	strace $0x90000047  }
0x169: {  	s0 =	stileid.u32;
	[bflag:$0x2] =	sbarrier.arrive $0xFFFF  }
0x16a: {  	p0 =	sne.s32 s0, $0x0;
	s0 =	rddreg [dreg:$0x3]  }
0x16b: {  	s0 =	sadd.s32 @!p0 $0x100000, s0  }
0x16c: {  	[sflag:s0] =	ssyncadd.tile.s32 @!p0 $0x1;
	_ =	shalt  }
.Lfunc_end2:
_tile_overlayer_lowered:
.L_overlay_start_2:
0x16d: {  	(tag) =	ssettag $0x2  }
0x16e: {  	s0 =	rddreg [dreg:$0x0];
	s2 =	stileid.u32  }
0x16f: {  	s1 =	rddreg [dreg:$0x1];
	p0 =	sne.s32 s2, $0x0  }
0x170: {  	s3 =	rddreg [dreg:$0x2];
	[bflag:$0x3] =	sbarrier.arrive $0xFFFF;
	s2 =	simm.s32 @!p0 $0x1C1F  }
0x171: {  	[timem:s3], [sflag:s2] =	dma.local @!p0 [hbm:s0], s1  }
0x172: {  	s0 =	simm.s32 @!p0 $0x1F  }
0x173: {  	_ =	swait.ge @!p0 [sflag:s0], s1  }
0x174: {  	s1 =	ssub.s32 @!p0 $0x0, s1;
	[sflag:s0] =	ssyncset.done @!p0 $0x0  }
0x175: {  	[sflag:s0] =	ssyncadd.s32 @!p0 s1  }
0x176: {  	[bflag:$0x3] =	sbarrier.arrive $0xFFFF  }
0x177: {  	_ =	shalt  }

// kernel: kernel.8.cloned.1.call-start
scs
__scs_entry_jumppad:
0x0: {  	(pc) =	sbr.rel $0x88, $3  }
0x1: {  	(tag) =	ssettag $0x0;
	lr =	simm.s32 $0x1  }
0x2: {  	[smem:$0x3F99] =	sst lr;
	_ =	strace $0xD0000000  }
0x3: {  	_ = 	snop  }
0x4: {  	_ = 	snop  }
0x5: {  	_ = 	snop  }
0x6: {  	_ = 	snop  }
0x7: {  	_ = 	snop  }
__scs_overlays_trampoline_lowered:
0x8: {  	[smem:$0x3FA8] =	sst s0  }
0x9: {  	[smem:$0x3FA9] =	sst s1  }
0xa: {  	[smem:$0x3FAA] =	sst s2  }
0xb: {  	[smem:$0x3FAB] =	sst s3  }
0xc: {  	[smem:$0x3FAC] =	sst s4  }
0xd: {  	[smem:$0x3FAD] =	sst s5  }
0xe: {  	[smem:$0x3FAE] =	sst s6  }
0xf: {  	[smem:$0x3FAF] =	sst s7  }
0x10: {  	[smem:$0x3FB0] =	sst s8  }
0x11: {  	[smem:$0x3FB1] =	sst s9;
	s0 =	simm.s32 @!p0 $0x0  }
0x12: {  	s1 =	sld [smem:$0x3F97];
	s0 =	simm.s32 @p0 $0x1  }
0x13: {  	[smem:$0x3FB2] =	sst s0;
	s0 =	simm.s32 @!p1 $0x0  }
0x14: {  	s2 =	sld [smem:$0x3F96];
	s0 =	simm.s32 @p1 $0x1  }
0x15: {  	[smem:$0x3FB3] =	sst s0;
	s0 =	simm.s32 @!p2 $0x0  }
0x16: {  	s3 =	sld [smem:$0x3FDB];
	s0 =	simm.s32 @p2 $0x1  }
0x17: {  	s4 =	simm.s32 $0x1BF5;
	[smem:$0x3FB5] =	sst s0  }
0x18: {  	s0 =	sld [smem:$0x3F98];
	_ =	swait.ge [sflag:s4], $0x0  }
0x19: {  	s7 =	sld [smem:$0x3F99]  }
0x1a: {  	s8 =	sadd.s32 $0xFFFFE003, lr  }
0x1b: {  	s9 =	sadd.s32 $0xFFFFFEF7, lr;
	s5 =	simm.s32 $0xFFFFFFFF;
	p2 =	slt.u32 s8, $0xFFFFF086  }
0x1c: {  	p1 =	slt.u32 s9, $0xF7A;
	s5 =	simm.s32 @!p2 $0x0  }
0x1d: {  	s5 =	simm.s32 @p1 $0x1;
	p0 =	seq.s32 s7, s2  }
0x1e: {  	s7 =	smul.u32 @!p0 $0xF7A, s2;
	p2 =	seq.s32 @!p0 s5, $0x0  }
0x1f: {  	s9 =	smul.u32 $0xF7A, s1;
	s8 =	simm.s32 @!p0 $0x1BF5;
	p2 =	por !p2, p0  }
0x20: {  	[sflag:s8] =	ssyncset.s32 @!p0 $0xFFFFF086;
	s6 =	sadd.s32 @!p0 s3, s7;
	s7 =	simm.s32 @!p0 $0x108  }
0x21: {  	s3 =	sadd.s32 s3, s9;
	s6 =	sadd.s32 @!p0 $0x88, s6;
	s7 =	simm.s32 @p2 $0x1082  }
0x22: {  	[simem:s7], [sflag:s8] =	dma.local @!p0 [hbm:s6], $0xF7A  }
0x23: {  	s9 =	sor.u32 $0xD0000000, s2;
	s6 =	simm.s32 $0x108;
	_ =	swait.ge @!p0 [sflag:s8], $0x0  }
0x24: {  	s3 =	sadd.s32 $0x88, s3;
	s6 =	simm.s32 @!p1 $0x1082;
	[sflag:s4] =	ssyncset.s32 $0xFFFFF086  }
0x25: {  	[simem:s6], [sflag:s4] =	dma.local [hbm:s3], $0xF7A  }
0x26: {  	[smem:$0x3F99] =	sst s1;
	(tag) =	ssettag s2;
	_ =	strace s9  }
0x27: {  	s1 =	sld [smem:$0x3FA9]  }
0x28: {  	s2 =	sld [smem:$0x3FAA]  }
0x29: {  	s4 =	sld [smem:$0x3FAC]  }
0x2a: {  	p0 =	seq.s32 s5, $0x0;
	s5 =	sld [smem:$0x3FAD]  }
0x2b: {  	s6 =	sld [smem:$0x3FAE]  }
0x2c: {  	s7 =	sld [smem:$0x3FAF]  }
0x2d: {  	s3 =	simm.s32 $0x108;
	s8 =	sld [smem:$0x3FB0]  }
0x2e: {  	s3 =	simm.s32 @!p0 $0x1082;
	s9 =	sld [smem:$0x3FB1]  }
0x2f: {  	lr =	sadd.s32 s0, s3;
	s0 =	sld [smem:$0x3FA8]  }
0x30: {  	s3 =	sld [smem:$0x3FAB]  }
0x31: {  	[smem:$0x3FB4] =	sst s10  }
0x32: {  	s10 =	sld [smem:$0x3FB2];
	_ =	sdelay $0x3  }
0x33: {  	p0 =	seq.s32 s10, $0x1;
	s10 =	sld [smem:$0x3FB4];
	_ =	sdelay $0x3  }
0x34: {  	[smem:$0x3FB4] =	sst s10  }
0x35: {  	s10 =	sld [smem:$0x3FB3];
	_ =	sdelay $0x3  }
0x36: {  	p1 =	seq.s32 s10, $0x1;
	s10 =	sld [smem:$0x3FB4];
	_ =	sdelay $0x3  }
0x37: {  	[smem:$0x3FB4] =	sst s10  }
0x38: {  	s10 =	sld [smem:$0x3FB5]  }
0x39: {  	_ = 	snop;
	(pc) =	sbr.ind lr, $3  }
0x3a: {  	_ = 	snop  }
0x3b: {  	_ = 	snop  }
0x3c: {  	p2 =	seq.s32 s10, $0x1;
	s10 =	sld [smem:$0x3FB4]  }
0x3d: {  	_ =	shalt  }
0x3e: {  	_ =	shalt  }
0x3f: {  	_ =	shalt  }
0x40: {  	_ =	shalt  }
0x41: {  	_ =	shalt  }
0x42: {  	_ =	shalt  }
0x43: {  	_ =	shalt  }
0x44: {  	_ =	shalt  }
0x45: {  	_ =	shalt  }
0x46: {  	_ =	shalt  }
0x47: {  	_ =	shalt  }
0x48: {  	_ =	shalt  }
0x49: {  	_ =	shalt  }
0x4a: {  	_ =	shalt  }
0x4b: {  	_ =	shalt  }
0x4c: {  	_ =	shalt  }
0x4d: {  	_ =	shalt  }
0x4e: {  	_ =	shalt  }
0x4f: {  	_ =	shalt  }
0x50: {  	_ =	shalt  }
0x51: {  	_ =	shalt  }
0x52: {  	_ =	shalt  }
0x53: {  	_ =	shalt  }
0x54: {  	_ =	shalt  }
0x55: {  	_ =	shalt  }
0x56: {  	_ =	shalt  }
0x57: {  	_ =	shalt  }
0x58: {  	_ =	shalt  }
0x59: {  	_ =	shalt  }
0x5a: {  	_ =	shalt  }
0x5b: {  	_ =	shalt  }
0x5c: {  	_ =	shalt  }
0x5d: {  	_ =	shalt  }
0x5e: {  	_ =	shalt  }
0x5f: {  	_ =	shalt  }
0x60: {  	_ =	shalt  }
0x61: {  	_ =	shalt  }
0x62: {  	_ =	shalt  }
0x63: {  	_ =	shalt  }
0x64: {  	_ =	shalt  }
0x65: {  	_ =	shalt  }
0x66: {  	_ =	shalt  }
0x67: {  	_ =	shalt  }
0x68: {  	_ =	shalt  }
0x69: {  	_ =	shalt  }
0x6a: {  	_ =	shalt  }
0x6b: {  	_ =	shalt  }
0x6c: {  	_ =	shalt  }
0x6d: {  	_ =	shalt  }
0x6e: {  	_ =	shalt  }
0x6f: {  	_ =	shalt  }
0x70: {  	_ =	shalt  }
0x71: {  	_ =	shalt  }
0x72: {  	_ =	shalt  }
0x73: {  	_ =	shalt  }
0x74: {  	_ =	shalt  }
0x75: {  	_ =	shalt  }
0x76: {  	_ =	shalt  }
0x77: {  	_ =	shalt  }
0x78: {  	_ =	shalt  }
0x79: {  	_ =	shalt  }
0x7a: {  	_ =	shalt  }
0x7b: {  	_ =	shalt  }
0x7c: {  	_ =	shalt  }
0x7d: {  	_ =	shalt  }
0x7e: {  	_ =	shalt  }
0x7f: {  	_ =	shalt  }
0x80: {  	_ =	shalt  }
0x81: {  	_ =	shalt  }
0x82: {  	_ =	shalt  }
0x83: {  	_ =	shalt  }
0x84: {  	_ =	shalt  }
0x85: {  	_ =	shalt  }
0x86: {  	_ =	shalt  }
0x87: {  	_ =	shalt  }
.Lfunc_end0:
.L_simem_size_0:
called_computation.1_lowered:
.L_overlay_start_0:
0x88: {  	s2 =	sld [smem:$0x3FD9]  }
0x89: {  	s3 =	sld [smem:$0x3FFE];
	_ =	sdelay $0x1  }
0x8a: {  	s1 =	srdreg.scid  }
0x8b: {  	s0 =	sand.u32 $0x1, s1  }
0x8c: {  	s17 =	sshll.u32 s0, $0xA;
	s2 =	sadd.s32 s3, s2  }
0x8d: {  	s2 =	sadd.s32 s2, s17  }
0x8e: {  	[smem:$0x3FC0] =	sst s2  }
0x8f: {  	_ = 	snop  }
0x90: {  	(tm) =	ssettm $0x1  }
0x91: {  	s18 =	sld [smem:$0x3FFB];
	_ =	sdelay $0x3  }
0x92: {  	_ =	strace s18  }
0x93: {  	s2 =	sld [smem:$0x3FFC];
	_ =	sdelay $0x3  }
0x94: {  	_ =	strace s2  }
0x95: {  	s2 =	sld [smem:$0x3FFD];
	_ =	sdelay $0x3  }
0x96: {  	_ =	strace s2  }
0x97: {  	_ =	strace $0x8FFFFFFF  }
0x98: {  	s19 =	sld [smem:$0x3FDB];
	_ =	sdelay $0x1  }
0x99: {  	s20 =	simm.s32 $_scs_section_size  }
0x9a: {  	s4 =	simm.s32 $_size__tile_overlayer_lowered;
	s5 =	simm.s32 $_tile_overlayer_lowered  }
0x9b: {  	s6 =	simm.s32 $0x1BFF;
	s21 =	sshll.u32 s5, $0x1;
	s3 =	sadd.s32 s20, s19  }
0x9c: {  	s22 =	simm.s32 $0x0;
	s4 =	sshll.u32 s4, $0x1;
	s5 =	sadd.s32 s21, s3  }
0x9d: {  	[timem:s22], [sflag:s6] =	dma.local [hbm:s5], s4  }
0x9e: {  	_ =	swait.ge [sflag:s6], s4  }
0x9f: {  	s4 =	ssub.s32 $0x0, s4;
	[sflag:s6] =	ssyncset.done $0x0  }
0xa0: {  	[sflag:s6] =	ssyncadd.s32 s4;
	_ =	sdelay $0x1  }
0xa1: {  	s23 =	simm.s32 $0x1B8B  }
0xa2: {  	_ =	swait.ge [sflag:s23], $0x1  }
0xa3: {  	[sflag:s23] =	ssyncset.done $0x0  }
0xa4: {  	[sflag:s23] =	ssyncadd.s32 $0xFFFFFFFF  }
0xa5: {  	s4 =	sld [smem:$0x0]  }
0xa6: {  	s5 =	sand.u32 $0xFFFFFFFE, s1  }
0xa7: {  	p0 =	sne.s32 s1, s5  }
0xa8: {  	s5 =	sshll.u32 @p0 s5, $0xE  }
0xa9: {  	s5 =	sadd.s32 @p0 $0x11B8D, s5;
	s6 =	sshll.u32 @p0 s4, $0x11  }
0xaa: {  	s5 =	sor.u32 @p0 s6, s5  }
0xab: {  	[sflag:s5] =	ssyncadd.remote.s32 @p0 $0x1;
	_ =	sdelay $0x1  }
0xac: {  	s5 =	simm.s32 @p0 $0x1B8D  }
0xad: {  	_ =	swait.eq @p0 [sflag:s5], $0x1  }
0xae: {  	[sflag:s5] =	ssyncadd.s32 @p0 $0xFFFFFFFF  }
0xaf: {  	s6 =	sshll.u32 @!p0 s1, $0xE  }
0xb0: {  	s6 =	sor.u32 @!p0 $0x4000, s6;
	s5 =	simm.s32 @!p0 $0x1B8D  }
0xb1: {  	s4 =	sshll.u32 @!p0 s4, $0x11;
	s6 =	sadd.s32 @!p0 $0x11B8D, s6;
	_ =	swait.eq @!p0 [sflag:s5], $0x1  }
0xb2: {  	s4 =	sor.u32 @!p0 s4, s6;
	[sflag:s5] =	ssyncadd.s32 @!p0 $0xFFFFFFFF  }
0xb3: {  	s25 =	simm.s32 $0x1B8E;
	s24 =	sld [smem:$0x3FFE];
	[sflag:s4] =	ssyncadd.remote.s32 @!p0 $0x1  }
0xb4: {  	s26 =	simm.s32 $execute0_lowered;
	[smem:$0x3FD2] =	sst s25  }
0xb5: {  	s5 =	sshll.u32 s26, $0x1;
	_ =	strace $0x80000049;
	[dreg:$0x1] =	wrdreg $0xFFFFFFFF  }
0xb6: {  	s28 =	simm.s32 $_size_execute0_lowered;
	s3 =	sadd.s32 s3, s5;
	[dreg:$0x0] =	wrdreg $0x0  }
0xb7: {  	s5 =	sshll.u32 s28, $0x1;
	[dreg:$0x2] =	wrdreg s3  }
0xb8: {  	[dreg:$0x3] =	wrdreg s5  }
0xb9: {  	[dreg:$0x4] =	wrdreg $0xC0  }
0xba: {  	_ =	task [dreg:s22], $0x5FFFF  }
0xbb: {  	[dreg:$0x1] =	wrdreg $0xFFFFFFFF  }
0xbc: {  	[dreg:$0x0] =	wrdreg $0x60  }
0xbd: {  	[dreg:$0x2] =	wrdreg s24  }
0xbe: {  	[dreg:$0x3] =	wrdreg $0x0  }
0xbf: {  	[dreg:$0x4] =	wrdreg $0xA  }
0xc0: {  	_ =	task.clear_ibuf [dreg:s22], $0x5FFFF;
	_ =	strace $0x90000049  }
0xc1: {  	s29 =	simm.s32 $0xA;
	_ =	strace $0x8000004B  }
0xc2: {  	_ =	swait.ge [sflag:s29], $0x1  }
0xc3: {  	[sflag:s29] =	ssyncadd.s32 $0xFFFFFFFF  }
0xc4: {  	_ =	strace $0x9000004B  }
0xc5: {  	_ =	sfence  }
0xc6: {  	s30 =	sld [smem:$0x0];
	_ =	sdelay $0x2  }
0xc7: {  	s31 =	sshll.u32 s1, $0xD;
	s1 =	sshrl.u32 s1, $0x2  }
0xc8: {  	s4 =	sand.u32 $0x4000, s31;
	s1 =	sadd.s32 s1, s30  }
0xc9: {  	s0 =	sor.u32 s4, s0;
	s1 =	sshll.u32 s1, $0x11  }
0xca: {  	s0 =	sor.u32 s1, s0  }
0xcb: {  	s0 =	sadd.s32 $0x8F2B, s0  }
0xcc: {  	[sflag:s0] =	ssyncadd.remote.s32 $0x1  }
0xcd: {  	_ =	sfence.sel $0xFFFF  }
0xce: {  	[dreg:$0x0] =	wrdreg $0xFFFFFFFF;
	(pc) =	sbr.abs _section_cstart, $3  }
0xcf: {  	[dreg:$0x1] =	wrdreg $0xFFFFFFFF  }
0xd0: {  	_ =	task.clear_ibuf [dreg:s22], $0x2FFFF;
	_ =	strace $0x9FFFFFFF  }
0xd1: {  	(tm) =	ssettm $0x7FFFFFFF  }
tec
execute0_lowered:
.L_overlay_start_1:
0x0: {  	(tag) =	ssettag $0x1  }
0x1: {  	s0 =	rddreg [dreg:$0x0]  }
0x2: {  	s1 =	rddreg [dreg:$0x1];
	s3 =	simm.s32 $0x0;
	s13 =	stileid.u32  }
0x3: {  	s2 =	srdreg.scid;
	s30 =	simm.s32 $0x19000;
	s5 =	smul.u32 $0x14000, s13  }
0x4: {  	[smem:$0x7FF] =	sst s3;
	s2 =	sand.u32 $0x1, s2;
	s7 =	smul.u32 $0x50000, s13  }
0x5: {  	s6 =	sadd.s32 $0x7B600, s0;
	s14 =	sadd.s32 $0x15400, s0;
	s10 =	smul.u32 $0x4E20, s13  }
0x6: {  	s11 =	sadd.s32 $0x28E00, s0;
	s18 =	sshll.u32 s13, $0x6;
	s4 =	smul.u32 $0x140000, s2  }
0x7: {  	_ =	strace $0x8000004A;
	s8 =	smul.u32 $0x4E200, s2;
	[dreg:$0x4] =	wrdreg s11  }
0x8: {  	s15 =	ssub.s32 $0x2, s2;
	[dreg:$0x3] =	wrdreg s14;
	s2 =	smul.u32 $0x4E2000, s2  }
0x9: {  	s9 =	sshrl.u32 s15, $0x1;
	s17 =	sshrl.u32 s7, $0x2;
	s4 =	sadd.s32 s5, s4  }
0xa: {  	s16 =	ssub.s32 s15, s9;
	s8 =	sadd.s32 s10, s8;
	s5 =	sadd.s32 s17, s1  }
0xb: {  	s17 =	sor.u32 $0x1C15, s18;
	s2 =	sadd.s32 s2, s6;
	s4 =	sshrl.u32 s4, $0x3  }
0xc: {  	[dreg:$0x5] =	wrdreg s5;
	s19 =	sadd.s32 $0x28, s8;
	s20 =	sshrl.u32 s8, $0x3  }
0xd: {  	s10 =	sadd.s32 $0x50, s8;
	s24 =	sadd.s32 $0x78, s8;
	s25 =	sadd.s32 $0xC8, s8  }
0xe: {  	s12 =	sadd.s32 $0x118, s8;
	s29 =	sshll.u32 s8, $0x4;
	[dreg:$0x6] =	wrdreg s17  }
0xf: {  	s0 =	sadd.s32 s4, s0;
	s21 =	sshrl.u32 s19, $0x3;
	s15 =	sadd.s32 s14, s20  }
0x10: {  	s23 =	sshrl.u32 s10, $0x3;
	s26 =	sshrl.u32 s24, $0x3;
	s9 =	sshrl.u32 s25, $0x3  }
0x11: {  	s28 =	sshrl.u32 s12, $0x3;
	s5 =	sshll.u32 s19, $0x4;
	s31 =	sshll.u32 s10, $0x4  }
0x12: {  	s10 =	smul.u32 $0x4E200, s13;
	s4 =	smax.u32 s16, $0x1;
	s13 =	sadd.s32 $0x1E0, s8  }
0x13: {  	s16 =	sadd.s32 $0x168, s8;
	s25 =	sadd.s32 $0x190, s8;
	[dreg:$0x12] =	wrdreg s4  }
0x14: {  	s19 =	sadd.s32 $0x2D0, s8;
	s22 =	sadd.s32 s14, s21;
	[dreg:$0x1b] =	wrdreg s25  }
0x15: {  	s7 =	sadd.s32 s14, s23;
	s11 =	sadd.s32 s14, s26;
	[dreg:$0x7] =	wrdreg s15  }
0x16: {  	s9 =	sadd.s32 s14, s9;
	s5 =	sadd.s32 s6, s5;
	[dreg:$0x8] =	wrdreg s22  }
0x17: {  	s0 =	sadd.s32 $0xA3F600, s0;
	s18 =	sshrl.u32 s16, $0x3;
	[dreg:$0x9] =	wrdreg s7  }
0x18: {  	s21 =	sadd.s32 $0x2A8, s8;
	s26 =	sadd.s32 $0x230, s8;
	[dreg:$0xa] =	wrdreg s11  }
0x19: {  	s16 =	simm.s32 $0x8;
	s4 =	simm.s32 $0x4;
	[dreg:$0xb] =	wrdreg s9  }
0x1a: {  	s25 =	simm.s32 $0x13;
	s9 =	sadd.s32 s14, s28;
	[dreg:$0xe] =	wrdreg s5  }
0x1b: {  	s5 =	sadd.s32 s6, s31;
	[dreg:$0x11] =	wrdreg s0;
	s11 =	sadd.s32 $0x208, s8  }
0x1c: {  	s20 =	sadd.s32 s10, s2;
	s0 =	sshrl.u32 s13, $0x3;
	s14 =	sadd.s32 $0x1B8, s8  }
0x1d: {  	[dreg:$0x16] =	wrdreg s18;
	s22 =	sadd.s32 $0x280, s8;
	s28 =	sadd.s32 $0x14, s15  }
0x1e: {  	s31 =	sadd.s32 $0x28, s15;
	s2 =	simm.s32 $0x15400;
	[dreg:$0xc] =	wrdreg s9  }
0x1f: {  	s18 =	simm.s32 $0x17C00;
	s7 =	simm.s32 $0x28;
	[dreg:$0xf] =	wrdreg s5  }
0x20: {  	s13 =	simm.s32 $0x7;
	s10 =	simm.s32 $0x1A880;
	[dreg:$0x14] =	wrdreg s0  }
0x21: {  	s9 =	sadd.s32 s6, s29;
	s12 =	sshrl.u32 s11, $0x3;
	[dreg:$0x1d] =	wrdreg s28  }
0x22: {  	s0 =	sshrl.u32 s14, $0x3;
	s23 =	sshrl.u32 s22, $0x3;
	[dreg:$0x1f] =	wrdreg s31  }
0x23: {  	s29 =	sadd.s32 $0x1E, s15;
	s11 =	simm.s32 $0x2;
	[dreg:$0xd] =	wrdreg s9  }
0x24: {  	s14 =	simm.s32 $0x3;
	s15 =	simm.s32 $0x12;
	[dreg:$0x13] =	wrdreg s12  }
0x25: {  	s22 =	simm.s32 $0x5;
	s9 =	sshll.u32 s24, $0x4;
	[dreg:$0x15] =	wrdreg s0  }
0x26: {  	s0 =	sshrl.u32 s19, $0x3;
	[dreg:$0x19] =	wrdreg s23;
	s24 =	sadd.s32 $0x258, s8  }
0x27: {  	[dreg:$0x1e] =	wrdreg s29;
	s19 =	simm.s32 $0x15;
	s8 =	simm.s32 $0x16800  }
0x28: {  	s12 =	simm.s32 $0x11;
	s23 =	simm.s32 $0x14;
	s5 =	sadd.s32 s6, s9  }
.Ltmp0:
0x29: {  	[dreg:$0x17] =	wrdreg s0;
	s0 =	sshrl.u32 s21, $0x3;
	(pc) =	sbr.rel .LBB2_1-.Ltmp0, $4  }
0x2a: {  	s21 =	simm.s32 $0x9;
	s9 =	simm.s32 $0x0;
	[dreg:$0x10] =	wrdreg s5  }
0x2b: {  	[dreg:$0x18] =	wrdreg s0;
	s0 =	sshrl.u32 s24, $0x3;
	s5 =	simm.s32 $0x1  }
0x2c: {  	s24 =	simm.s32 $0xA;
	[dreg:$0x1a] =	wrdreg s0;
	s0 =	sshrl.u32 s26, $0x3  }
0x2d: {  	s26 =	simm.s32 $0x1A800;
	[dreg:$0x1c] =	wrdreg s0;
	s0 =	simm.s32 $0x14000  }
.LBB2_4:
0x2e: {  	_ =	swait.ge [sflag:s24], $0x1400  }
0x2f: {  	[sflag:s24] =	ssyncset.done $0x0  }
0x30: {  	[sflag:s24] =	ssyncadd.s32 $0xFFFFEC00  }
0x31: {  	[bflag:$0x0] =	sbarrier.arrive $0xFFFF  }
0x32: {  	s9 =	sld [smem:$0x7FD]  }
0x33: {  	s17 =	rddreg [dreg:$0x6]  }
0x34: {  	s19 =	simm.s32 $0x15;
	s6 =	rddreg [dreg:$0x11]  }
0x35: {  	[hbm:s6], [sflag:s17] =	dma.local [spmem:s9], $0x2800  }
0x36: {  	_ =	swait.ge [sflag:s19], $0x2800  }
0x37: {  	s29 =	sld [smem:$0x7FC];
	_ =	sdelay $0x2  }
0x38: {  	s31 =	rddreg [dreg:$0x12];
	s9 =	sadd.s32 $0x1, s29  }
0x39: {  	p0 =	sne.s32 s9, s31  }
.Ltmp1:
0x3a: {  	_ = 	snop;
	(pc) =	sbr.rel @!p0 .LBB2_5-.Ltmp1, $3  }
0x3b: {  	_ =	sdelay $0x1  }
0x3c: {  	[sflag:s19] =	ssyncset.done $0x0  }
0x3d: {  	s26 =	simm.s32 $0x1A800;
	[sflag:s19] =	ssyncadd.s32 $0xFFFFD800  }
.LBB2_1:
0x3e: {  	[smem:$0x7FC] =	sst s9  }
0x3f: {  	s6 =	rddreg [dreg:$0x5]  }
0x40: {  	s31 =	rddreg [dreg:$0x4];
	s6 =	sshrl.u32 s6, $0x3  }
0x41: {  	[smem:$0x7FD] =	sst s6  }
0x42: {  	[spmem:s6], [sflag:s17] =	dma.local [hbm:s31], $0x2800  }
0x43: {  	_ =	swait.ge [sflag:s19], $0x2800  }
0x44: {  	[sflag:s19] =	ssyncset.done $0x0  }
0x45: {  	[sflag:s19] =	ssyncadd.s32 $0xFFFFD800  }
0x46: {  	[bflag:$0x0] =	sbarrier.arrive $0xFFFF  }
0x47: {  	s19 =	simm.s32 $0x1A400;
	s17 =	rddreg [dreg:$0x7]  }
0x48: {  	[tilespmem:s19], [sflag:$0xB] =	stream.linear.gather [hbm4b:s17+s3], $0x28, $0x38;
	[tilespmem:$0x1A900] =	vst v63  }
0x49: {  	s9 =	simm.s32 $0x1A480;
	s31 =	rddreg [dreg:$0x8]  }
0x4a: {  	[tilespmem:s9], [sflag:$0xC] =	stream.linear.gather [hbm4b:s31+s3], $0x28, $0x38;
	[tilespmem:$0x1A900] =	vst v63  }
0x4b: {  	s17 =	rddreg [dreg:$0x9];
	s19 =	simm.s32 $0x1A500  }
0x4c: {  	[tilespmem:s19], [sflag:$0xD] =	stream.linear.gather [hbm4b:s17+s3], $0x28, $0x38;
	[tilespmem:$0x1A900] =	vst v63  }
0x4d: {  	s31 =	rddreg [dreg:$0xa];
	s9 =	simm.s32 $0x1A580  }
0x4e: {  	[tilespmem:s9], [sflag:$0xE] =	stream.linear.gather [hbm4b:s31+s3], $0x28, $0x38;
	[tilespmem:$0x1A900] =	vst v63  }
0x4f: {  	s17 =	rddreg [dreg:$0x1d];
	s19 =	simm.s32 $0x1A600  }
0x50: {  	[tilespmem:s19], [sflag:$0xF] =	stream.linear.gather [hbm4b:s17+s3], $0x28, $0x38;
	[tilespmem:$0x1A900] =	vst v63  }
0x51: {  	s31 =	rddreg [dreg:$0xb];
	s9 =	simm.s32 $0x1A680  }
0x52: {  	[tilespmem:s9], [sflag:$0x10] =	stream.linear.gather [hbm4b:s31+s3], $0x28, $0x38;
	[tilespmem:$0x1A900] =	vst v63  }
0x53: {  	s17 =	rddreg [dreg:$0x1e];
	s19 =	simm.s32 $0x1A700  }
0x54: {  	[tilespmem:s19], [sflag:$0x11] =	stream.linear.gather [hbm4b:s17+s3], $0x28, $0x38;
	[tilespmem:$0x1A900] =	vst v63  }
0x55: {  	s31 =	rddreg [dreg:$0xc];
	s9 =	simm.s32 $0x1A780  }
0x56: {  	[tilespmem:s9], [sflag:$0x12] =	stream.linear.gather [hbm4b:s31+s3], $0x28, $0x38;
	[tilespmem:$0x1A900] =	vst v63  }
0x57: {  	s19 =	rddreg [dreg:$0x1f]  }
0x58: {  	[tilespmem:s26], [sflag:$0x13] =	stream.linear.gather [hbm4b:s19+s3], $0x28, $0x38;
	[tilespmem:$0x1A900] =	vst v63  }
0x59: {  	s26 =	simm.s32 $0xB  }
0x5a: {  	_ =	swait.ge [sflag:s26], $0x28  }
0x5b: {  	[sflag:s26] =	ssyncset.done $0x0  }
0x5c: {  	s6 =	simm.s32 $0xC;
	s31 =	rddreg [dreg:$0xd];
	[sflag:s26] =	ssyncadd.s32 $0xFFFFFFD8  }
0x5d: {  	[tilespmem:s0], [sflag:$0x1] =	stream.linear.gather [hbm4b:s31+s3], $0x1400, $0x38;
	[tilespmem:$0x1A900] =	vst v63  }
0x5e: {  	_ =	swait.ge [sflag:s6], $0x28  }
0x5f: {  	[sflag:s6] =	ssyncset.done $0x0  }
0x60: {  	s17 =	simm.s32 $0xD;
	s9 =	rddreg [dreg:$0xe];
	[sflag:s6] =	ssyncadd.s32 $0xFFFFFFD8  }
0x61: {  	[tilespmem:s2], [sflag:$0x2] =	stream.linear.gather [hbm4b:s9+s3], $0x1400, $0x38;
	[tilespmem:$0x1A900] =	vst v63  }
0x62: {  	_ =	swait.ge [sflag:s17], $0x28  }
0x63: {  	[sflag:s17] =	ssyncset.done $0x0  }
0x64: {  	s26 =	simm.s32 $0xE;
	s19 =	rddreg [dreg:$0xf];
	[sflag:s17] =	ssyncadd.s32 $0xFFFFFFD8  }
0x65: {  	[tilespmem:s8], [sflag:$0x3] =	stream.linear.gather [hbm4b:s19+s3], $0x1400, $0x38;
	[tilespmem:$0x1A900] =	vst v63  }
0x66: {  	_ =	swait.ge [sflag:s26], $0x28  }
0x67: {  	s31 =	rddreg [dreg:$0x10]  }
0x68: {  	[sflag:s26] =	ssyncset.done $0x0;
	s28 =	rddreg [dreg:$0x3]  }
0x69: {  	s29 =	simm.s32 $0x0;
	[sflag:s26] =	ssyncadd.s32 $0xFFFFFFD8;
	s26 =	rddreg [dreg:$0x1b]  }
0x6a: {  	[tilespmem:s18], [sflag:$0x4] =	stream.linear.gather [hbm4b:s31+s3], $0x1400, $0x38;
	[tilespmem:$0x1A900] =	vst v63  }
.LBB2_2:
0x6b: {  	s0 =	simm.s32 $0xF  }
0x6c: {  	_ =	swait.ge [sflag:s0], $0x28  }
0x6d: {  	p0 =	seq.s32 s29, $0x0;
	[sflag:s0] =	ssyncset.done $0x0  }
0x6e: {  	s31 =	simm.s32 @!p0 $0xA;
	[sflag:s0] =	ssyncadd.s32 $0xFFFFFFD8  }
0x6f: {  	_ =	swait.ge @!p0 [sflag:s31], $0x1400  }
0x70: {  	s17 =	sadd.s32 s29, s20;
	[sflag:s31] =	ssyncset.done @!p0 $0x0  }
0x71: {  	s19 =	sadd.s32 $0xA00, s17;
	[sflag:s31] =	ssyncadd.s32 @!p0 $0xFFFFEC00  }
0x72: {  	[tilespmem:s30], [sflag:$0x5] =	stream.linear.gather [hbm4b:s19+s3], $0x1400, $0x38;
	[tilespmem:$0x1A900] =	vst v63  }
0x73: {  	_ =	swait.ge [sflag:s5], $0x1400  }
0x74: {  	s6 =	simm.s32 $0x1A400;
	[sflag:s5] =	ssyncset.done $0x0  }
0x75: {  	s2 =	simm.s32 $0x14000;
	s31 =	rddreg [dreg:$0x16];
	[sflag:s5] =	ssyncadd.s32 $0xFFFFEC00  }
0x76: {  	[spmem:s1] =	stream.indirect.scatter.add.f32 [tilespmem:s2], [sflag:$0x6], $0x80, s6, s7, $0xb8;
	[tilespmem:$0x1A900] =	vst v63  }
0x77: {  	s0 =	sadd.s32 s28, s31;
	s6 =	simm.s32 $0x10  }
0x78: {  	[tilespmem:s10], [sflag:$0x14] =	stream.linear.gather [hbm4b:s0+s3], $0x28, $0x38;
	[tilespmem:$0x1A900] =	vst v63  }
0x79: {  	_ =	swait.ge [sflag:s6], $0x28  }
0x7a: {  	[sflag:s6] =	ssyncset.done $0x0  }
0x7b: {  	s8 =	simm.s32 $0x6;
	[sflag:s6] =	ssyncadd.s32 $0xFFFFFFD8  }
0x7c: {  	_ =	swait.ge [sflag:s8], $0x1400  }
0x7d: {  	[sflag:s8] =	ssyncset.done $0x0  }
0x7e: {  	s9 =	sadd.s32 $0xC80, s17;
	[sflag:s8] =	ssyncadd.s32 $0xFFFFEC00  }
0x7f: {  	[tilespmem:s2], [sflag:$0x1] =	stream.linear.gather [hbm4b:s9+s3], $0x1400, $0x38;
	[tilespmem:$0x1A900] =	vst v63  }
0x80: {  	p0 =	seq.s32 s29, $0x4C900;
	_ =	swait.ge [sflag:s11], $0x1400  }
0x81: {  	s18 =	simm.s32 $0x1A480;
	s31 =	sshrl.u32 @!p0 s26, $0x3;
	[sflag:s11] =	ssyncset.done $0x0  }
0x82: {  	s8 =	simm.s32 $0x15400;
	s6 =	rddreg [dreg:$0x3];
	[sflag:s11] =	ssyncadd.s32 $0xFFFFEC00  }
0x83: {  	[spmem:s1] =	stream.indirect.scatter.add.f32 [tilespmem:s8], [sflag:$0x7], $0x80, s18, s7, $0xb8;
	[tilespmem:$0x1A900] =	vst v63  }
0x84: {  	s19 =	simm.s32 @!p0 $0x1A400;
	s6 =	sadd.s32 @!p0 s6, s31;
	s31 =	simm.s32 @!p0 $0x0  }
0x85: {  	[tilespmem:s19], [sflag:$0xB] =	stream.linear.gather @!p0 [hbm4b:s6+s31], $0x28, $0x38;
	[tilespmem:$0x1A900] =	vst v63  }
0x86: {  	_ =	swait.ge [sflag:s12], $0x28  }
0x87: {  	[sflag:s12] =	ssyncset.done $0x0  }
0x88: {  	[sflag:s12] =	ssyncadd.s32 $0xFFFFFFD8  }
0x89: {  	_ =	swait.ge [sflag:s13], $0x1400  }
0x8a: {  	[sflag:s13] =	ssyncset.done $0x0  }
0x8b: {  	s19 =	sadd.s32 $0xF00, s17;
	[sflag:s13] =	ssyncadd.s32 $0xFFFFEC00  }
0x8c: {  	[tilespmem:s8], [sflag:$0x2] =	stream.linear.gather [hbm4b:s19+s3], $0x1400, $0x38;
	[tilespmem:$0x1A900] =	vst v63  }
0x8d: {  	_ =	swait.ge [sflag:s14], $0x1400  }
0x8e: {  	s0 =	simm.s32 $0x1A500;
	[sflag:s14] =	ssyncset.done $0x0  }
0x8f: {  	s18 =	simm.s32 $0x16800;
	s6 =	rddreg [dreg:$0x15];
	[sflag:s14] =	ssyncadd.s32 $0xFFFFEC00  }
0x90: {  	[spmem:s1] =	stream.indirect.scatter.add.f32 [tilespmem:s18], [sflag:$0x8], $0x80, s0, s7, $0xb8;
	[tilespmem:$0x1A900] =	vst v63  }
0x91: {  	s19 =	simm.s32 @!p0 $0x1A480;
	s6 =	sadd.s32 @!p0 s28, s6  }
0x92: {  	[tilespmem:s19], [sflag:$0xC] =	stream.linear.gather @!p0 [hbm4b:s6+s31], $0x28, $0x38;
	[tilespmem:$0x1A900] =	vst v63  }
0x93: {  	_ =	swait.ge [sflag:s15], $0x28  }
0x94: {  	[sflag:s15] =	ssyncset.done $0x0  }
0x95: {  	[sflag:s15] =	ssyncadd.s32 $0xFFFFFFD8  }
0x96: {  	_ =	swait.ge [sflag:s16], $0x1400  }
0x97: {  	[sflag:s16] =	ssyncset.done $0x0  }
0x98: {  	s9 =	sadd.s32 $0x1180, s17;
	[sflag:s16] =	ssyncadd.s32 $0xFFFFEC00  }
0x99: {  	[tilespmem:s18], [sflag:$0x3] =	stream.linear.gather [hbm4b:s9+s3], $0x1400, $0x38;
	[tilespmem:$0x1A900] =	vst v63  }
0x9a: {  	_ =	swait.ge [sflag:s4], $0x1400  }
0x9b: {  	s19 =	simm.s32 $0x1A580;
	[sflag:s4] =	ssyncset.done $0x0  }
0x9c: {  	s9 =	simm.s32 $0x17C00;
	s6 =	rddreg [dreg:$0x14];
	[sflag:s4] =	ssyncadd.s32 $0xFFFFEC00  }
0x9d: {  	[spmem:s1] =	stream.indirect.scatter.add.f32 [tilespmem:s9], [sflag:$0x9], $0x80, s19, s7, $0xb8;
	[tilespmem:$0x1A900] =	vst v63  }
0x9e: {  	s6 =	sadd.s32 @!p0 s28, s6;
	s19 =	simm.s32 @!p0 $0x1A500  }
0x9f: {  	[tilespmem:s19], [sflag:$0xD] =	stream.linear.gather @!p0 [hbm4b:s6+s31], $0x28, $0x38;
	[tilespmem:$0x1A900] =	vst v63  }
0xa0: {  	_ =	swait.ge [sflag:s25], $0x28  }
0xa1: {  	[sflag:s25] =	ssyncset.done $0x0  }
0xa2: {  	[sflag:s25] =	ssyncadd.s32 $0xFFFFFFD8  }
0xa3: {  	_ =	swait.ge [sflag:s21], $0x1400  }
0xa4: {  	[sflag:s21] =	ssyncset.done $0x0  }
0xa5: {  	s0 =	sadd.s32 $0x1400, s17;
	[sflag:s21] =	ssyncadd.s32 $0xFFFFEC00  }
0xa6: {  	[tilespmem:s9], [sflag:$0x4] =	stream.linear.gather [hbm4b:s0+s3], $0x1400, $0x38;
	[tilespmem:$0x1A900] =	vst v63  }
0xa7: {  	_ =	swait.ge [sflag:s22], $0x1400  }
0xa8: {  	[sflag:s22] =	ssyncset.done $0x0  }
0xa9: {  	s19 =	simm.s32 $0x1A600;
	s6 =	rddreg [dreg:$0x13];
	[sflag:s22] =	ssyncadd.s32 $0xFFFFEC00  }
0xaa: {  	[spmem:s1] =	stream.indirect.scatter.add.f32 [tilespmem:s30], [sflag:$0xA], $0x80, s19, s7, $0xb8;
	[tilespmem:$0x1A900] =	vst v63  }
0xab: {  	s6 =	sadd.s32 @!p0 s28, s6;
	s19 =	simm.s32 @!p0 $0x1A580  }
0xac: {  	[tilespmem:s19], [sflag:$0xE] =	stream.linear.gather @!p0 [hbm4b:s6+s31], $0x28, $0x38;
	[tilespmem:$0x1A900] =	vst v63  }
0xad: {  	_ =	swait.ge [sflag:s23], $0x28  }
0xae: {  	[sflag:s23] =	ssyncset.done $0x0  }
0xaf: {  	[sflag:s23] =	ssyncadd.s32 $0xFFFFFFD8  }
0xb0: {  	_ =	swait.ge [sflag:s24], $0x1400  }
0xb1: {  	[sflag:s24] =	ssyncset.done $0x0  }
0xb2: {  	s0 =	sadd.s32 $0x1680, s17;
	[sflag:s24] =	ssyncadd.s32 $0xFFFFEC00  }
0xb3: {  	[tilespmem:s30], [sflag:$0x5] =	stream.linear.gather [hbm4b:s0+s3], $0x1400, $0x38;
	[tilespmem:$0x1A900] =	vst v63  }
0xb4: {  	_ =	swait.ge [sflag:s5], $0x1400  }
0xb5: {  	[sflag:s5] =	ssyncset.done $0x0  }
0xb6: {  	s17 =	simm.s32 $0x1A680;
	s6 =	simm.s32 @p0 $0x6;
	[sflag:s5] =	ssyncadd.s32 $0xFFFFEC00  }
0xb7: {  	[spmem:s1] =	stream.indirect.scatter.add.f32 [tilespmem:s2], [sflag:$0x6], $0x80, s17, s7, $0xb8;
	[tilespmem:$0x1A900] =	vst v63  }
0xb8: {  	_ =	swait.ge @p0 [sflag:s6], $0x1400  }
0xb9: {  	[sflag:s6] =	ssyncset.done @p0 $0x0  }
0xba: {  	[sflag:s6] =	ssyncadd.s32 @p0 $0xFFFFEC00;
	s6 =	rddreg [dreg:$0x1c]  }
0xbb: {  	s17 =	simm.s32 @!p0 $0x1A600;
	s6 =	sadd.s32 @!p0 s28, s6  }
0xbc: {  	[tilespmem:s17], [sflag:$0xF] =	stream.linear.gather @!p0 [hbm4b:s6+s31], $0x28, $0x38;
	[tilespmem:$0x1A900] =	vst v63  }
0xbd: {  	s6 =	simm.s32 @!p0 $0xB  }
0xbe: {  	_ =	swait.ge @!p0 [sflag:s6], $0x28  }
0xbf: {  	[sflag:s6] =	ssyncset.done @!p0 $0x0  }
0xc0: {  	[sflag:s6] =	ssyncadd.s32 @!p0 $0xFFFFFFD8;
	s6 =	simm.s32 @!p0 $0x6  }
0xc1: {  	_ =	swait.ge @!p0 [sflag:s6], $0x1400  }
0xc2: {  	s17 =	sadd.s32 @!p0 s29, s20;
	[sflag:s6] =	ssyncset.done @!p0 $0x0  }
0xc3: {  	s19 =	simm.s32 @!p0 $0x14000;
	[sflag:s6] =	ssyncadd.s32 @!p0 $0xFFFFEC00;
	s6 =	sadd.s32 @!p0 $0x1900, s17  }
0xc4: {  	[tilespmem:s19], [sflag:$0x1] =	stream.linear.gather @!p0 [hbm4b:s6+s31], $0x1400, $0x38;
	[tilespmem:$0x1A900] =	vst v63  }
0xc5: {  	_ =	swait.ge [sflag:s11], $0x1400  }
0xc6: {  	[sflag:s11] =	ssyncset.done $0x0  }
0xc7: {  	s19 =	simm.s32 $0x1A700;
	s6 =	simm.s32 @p0 $0x7;
	[sflag:s11] =	ssyncadd.s32 $0xFFFFEC00  }
0xc8: {  	[spmem:s1] =	stream.indirect.scatter.add.f32 [tilespmem:s8], [sflag:$0x7], $0x80, s19, s7, $0xb8;
	[tilespmem:$0x1A900] =	vst v63  }
0xc9: {  	_ =	swait.ge @p0 [sflag:s6], $0x1400  }
0xca: {  	[sflag:s6] =	ssyncset.done @p0 $0x0  }
0xcb: {  	[sflag:s6] =	ssyncadd.s32 @p0 $0xFFFFEC00;
	s6 =	rddreg [dreg:$0x1a]  }
0xcc: {  	s19 =	simm.s32 @!p0 $0x1A680;
	s6 =	sadd.s32 @!p0 s28, s6  }
0xcd: {  	[tilespmem:s19], [sflag:$0x10] =	stream.linear.gather @!p0 [hbm4b:s6+s31], $0x28, $0x38;
	[tilespmem:$0x1A900] =	vst v63  }
0xce: {  	s6 =	simm.s32 @!p0 $0xC  }
0xcf: {  	_ =	swait.ge @!p0 [sflag:s6], $0x28  }
0xd0: {  	[sflag:s6] =	ssyncset.done @!p0 $0x0  }
0xd1: {  	[sflag:s6] =	ssyncadd.s32 @!p0 $0xFFFFFFD8;
	s6 =	simm.s32 @!p0 $0x7  }
0xd2: {  	_ =	swait.ge @!p0 [sflag:s6], $0x1400  }
0xd3: {  	[sflag:s6] =	ssyncset.done @!p0 $0x0  }
0xd4: {  	s19 =	simm.s32 @!p0 $0x15400;
	[sflag:s6] =	ssyncadd.s32 @!p0 $0xFFFFEC00;
	s6 =	sadd.s32 @!p0 $0x1B80, s17  }
0xd5: {  	[tilespmem:s19], [sflag:$0x2] =	stream.linear.gather @!p0 [hbm4b:s6+s31], $0x1400, $0x38;
	[tilespmem:$0x1A900] =	vst v63  }
0xd6: {  	_ =	swait.ge [sflag:s14], $0x1400  }
0xd7: {  	[sflag:s14] =	ssyncset.done $0x0  }
0xd8: {  	s19 =	simm.s32 $0x1A780;
	s6 =	simm.s32 @p0 $0x8;
	[sflag:s14] =	ssyncadd.s32 $0xFFFFEC00  }
0xd9: {  	[spmem:s1] =	stream.indirect.scatter.add.f32 [tilespmem:s18], [sflag:$0x8], $0x80, s19, s7, $0xb8;
	[tilespmem:$0x1A900] =	vst v63  }
0xda: {  	_ =	swait.ge @p0 [sflag:s6], $0x1400  }
0xdb: {  	[sflag:s6] =	ssyncset.done @p0 $0x0  }
0xdc: {  	[sflag:s6] =	ssyncadd.s32 @p0 $0xFFFFEC00;
	s6 =	rddreg [dreg:$0x19]  }
0xdd: {  	s19 =	simm.s32 @!p0 $0x1A700;
	s6 =	sadd.s32 @!p0 s28, s6  }
0xde: {  	[tilespmem:s19], [sflag:$0x11] =	stream.linear.gather @!p0 [hbm4b:s6+s31], $0x28, $0x38;
	[tilespmem:$0x1A900] =	vst v63  }
0xdf: {  	s6 =	simm.s32 @!p0 $0xD  }
0xe0: {  	_ =	swait.ge @!p0 [sflag:s6], $0x28  }
0xe1: {  	[sflag:s6] =	ssyncset.done @!p0 $0x0  }
0xe2: {  	[sflag:s6] =	ssyncadd.s32 @!p0 $0xFFFFFFD8;
	s6 =	simm.s32 @!p0 $0x8  }
0xe3: {  	_ =	swait.ge @!p0 [sflag:s6], $0x1400  }
0xe4: {  	[sflag:s6] =	ssyncset.done @!p0 $0x0  }
0xe5: {  	s19 =	simm.s32 @!p0 $0x16800;
	[sflag:s6] =	ssyncadd.s32 @!p0 $0xFFFFEC00;
	s6 =	sadd.s32 @!p0 $0x1E00, s17  }
0xe6: {  	[tilespmem:s19], [sflag:$0x3] =	stream.linear.gather @!p0 [hbm4b:s6+s31], $0x1400, $0x38;
	[tilespmem:$0x1A900] =	vst v63  }
0xe7: {  	_ =	swait.ge [sflag:s4], $0x1400  }
0xe8: {  	[sflag:s4] =	ssyncset.done $0x0  }
0xe9: {  	s19 =	simm.s32 $0x1A800;
	s6 =	simm.s32 @p0 $0x9;
	[sflag:s4] =	ssyncadd.s32 $0xFFFFEC00  }
0xea: {  	[spmem:s1] =	stream.indirect.scatter.add.f32 [tilespmem:s9], [sflag:$0x9], $0x80, s19, s7, $0xb8;
	[tilespmem:$0x1A900] =	vst v63  }
0xeb: {  	_ =	swait.ge @p0 [sflag:s6], $0x1400  }
0xec: {  	[sflag:s6] =	ssyncset.done @p0 $0x0  }
0xed: {  	[sflag:s6] =	ssyncadd.s32 @p0 $0xFFFFEC00;
	s6 =	rddreg [dreg:$0x18]  }
0xee: {  	s19 =	simm.s32 @!p0 $0x1A780;
	s6 =	sadd.s32 @!p0 s28, s6  }
0xef: {  	[tilespmem:s19], [sflag:$0x12] =	stream.linear.gather @!p0 [hbm4b:s6+s31], $0x28, $0x38;
	[tilespmem:$0x1A900] =	vst v63  }
0xf0: {  	s6 =	simm.s32 @!p0 $0xE  }
0xf1: {  	_ =	swait.ge @!p0 [sflag:s6], $0x28  }
0xf2: {  	[sflag:s6] =	ssyncset.done @!p0 $0x0  }
0xf3: {  	[sflag:s6] =	ssyncadd.s32 @!p0 $0xFFFFFFD8;
	s6 =	simm.s32 @!p0 $0x9  }
0xf4: {  	_ =	swait.ge @!p0 [sflag:s6], $0x1400  }
0xf5: {  	[sflag:s6] =	ssyncset.done @!p0 $0x0  }
0xf6: {  	[sflag:s6] =	ssyncadd.s32 @!p0 $0xFFFFEC00;
	s6 =	sadd.s32 @!p0 $0x2080, s17;
	s17 =	simm.s32 @!p0 $0x17C00  }
0xf7: {  	[tilespmem:s17], [sflag:$0x4] =	stream.linear.gather @!p0 [hbm4b:s6+s31], $0x1400, $0x38;
	[tilespmem:$0x1A900] =	vst v63  }
.Ltmp2:
0xf8: {  	_ = 	snop;
	(pc) =	sbr.rel @p0 .LBB2_4-.Ltmp2, $4  }
0xf9: {  	_ =	swait.ge [sflag:s22], $0x1400  }
0xfa: {  	s0 =	simm.s32 $0x14000;
	s2 =	simm.s32 $0x15400;
	[sflag:s22] =	ssyncset.done $0x0  }
0xfb: {  	s8 =	simm.s32 $0x16800;
	s18 =	simm.s32 $0x17C00;
	[sflag:s22] =	ssyncadd.s32 $0xFFFFEC00  }
0xfc: {  	[spmem:s1] =	stream.indirect.scatter.add.f32 [tilespmem:s30], [sflag:$0xA], $0x80, s10, s7, $0xb8;
	[tilespmem:$0x1A900] =	vst v63  }
.Ltmp3:
0xfd: {  	(pc) =	sbr.rel .LBB2_2-.Ltmp3, $4  }
0xfe: {  	_ = 	snop  }
0xff: {  	s6 =	rddreg [dreg:$0x17];
	s0 =	simm.s32 $0x1A800;
	s29 =	sadd.s32 $0x1900, s29  }
0x100: {  	s26 =	sadd.s32 $0x190, s26;
	s6 =	sadd.s32 s28, s6;
	s28 =	sadd.s32 $0x32, s28  }
0x101: {  	[tilespmem:s0], [sflag:$0x13] =	stream.linear.gather [hbm4b:s6+s3], $0x28, $0x38;
	[tilespmem:$0x1A900] =	vst v63  }
.LBB2_5:
0x102: {  	_ =	sfence.sel $0x180000  }
0x103: {  	[bflag:$0x0] =	sbarrier.arrive $0xFFFF  }
0x104: {  	_ =	strace $0x9000004A  }
0x105: {  	s0 =	stileid.u32;
	[bflag:$0x2] =	sbarrier.arrive $0xFFFF  }
0x106: {  	p0 =	sne.s32 s0, $0x0;
	s0 =	rddreg [dreg:$0x2]  }
0x107: {  	s0 =	sadd.s32 @!p0 $0x100000, s0  }
0x108: {  	[sflag:s0] =	ssyncadd.tile.s32 @!p0 $0x1;
	_ =	shalt  }
.Lfunc_end2:
_tile_overlayer_lowered:
.L_overlay_start_2:
0x109: {  	(tag) =	ssettag $0x2  }
0x10a: {  	s0 =	rddreg [dreg:$0x0];
	s2 =	stileid.u32  }
0x10b: {  	s1 =	rddreg [dreg:$0x1];
	p0 =	sne.s32 s2, $0x0  }
0x10c: {  	s3 =	rddreg [dreg:$0x2];
	[bflag:$0x3] =	sbarrier.arrive $0xFFFF;
	s2 =	simm.s32 @!p0 $0x1C15  }
0x10d: {  	[timem:s3], [sflag:s2] =	dma.local @!p0 [hbm:s0], s1  }
0x10e: {  	s0 =	simm.s32 @!p0 $0x15  }
0x10f: {  	_ =	swait.ge @!p0 [sflag:s0], s1  }
0x110: {  	s1 =	ssub.s32 @!p0 $0x0, s1;
	[sflag:s0] =	ssyncset.done @!p0 $0x0  }
0x111: {  	[sflag:s0] =	ssyncadd.s32 @!p0 s1  }
0x112: {  	[bflag:$0x3] =	sbarrier.arrive $0xFFFF  }
0x113: {  	_ =	shalt  }

</sc_bundles>
